<compile_context>
chip_gen: v7x
topology: tpu7x:2x2x1
jax: 0.10.2.dev20260603
libtpu: 0.0.44.dev20260713+nightly
codegen_flags: <defaults>
</compile_context>

<pallas_src>
import jax
import jax.numpy as jnp
from jax import lax
from jax.experimental import pallas as pl
from jax.experimental.pallas import tpu as pltpu

B = 16
H = 16
D = 64
PAGE = 16
HD = H * D
MAXP = 128
G = 16
T = G * PAGE
C = MAXP // G
NW = B * C
NSLOT = 4
DEPTH = 3
NEG = -1e30


def _attn_body(wb_ref, wc_ref, tot_ref, bt_ref, cl_ref, hp_ref,
               qbd_ref, key_ref, val_ref, pg_ref, rw_ref,
               kvc_ref,
               out_ref,
               kv_buf, acc_ref, m_ref, l_ref,
               spat_ref, sc_ref, r_ref, pv_ref, sems):
    t = pl.program_id(0)
    total = tot_ref[0]

    def chunk_copies(tt):
        s = lax.rem(tt, NSLOT)
        bb = wb_ref[tt]
        cc = wc_ref[tt]
        cps = []
        for g in range(G):
            page = bt_ref[bb, cc * G + g]
            cps.append(pltpu.make_async_copy(
                kvc_ref.at[page], kv_buf.at[s, :, pl.ds(g * PAGE, PAGE), :],
                sems.at[s]))
        return cps

    @pl.when(t == 0)
    def _prologue():
        for i in range(DEPTH):
            for cp in chunk_copies(jnp.int32(i)):
                cp.start()

    @pl.when(t < total)
    def _step():
        b = wb_ref[t]
        c = wc_ref[t]
        len_b = jnp.maximum(cl_ref[b], 1)

        for cp in chunk_copies(t):
            cp.wait()

        @pl.when(t + DEPTH < total)
        def _issue_ahead():
            for cp in chunk_copies(t + DEPTH):
                cp.start()

        @pl.when(c == 0)
        def _init_seq():
            m_ref[...] = jnp.full_like(m_ref, NEG)
            l_ref[...] = jnp.zeros_like(l_ref)
            acc_ref[...] = jnp.zeros_like(acc_ref)
            spat_ref[...] = jnp.dot(key_ref[...], qbd_ref[0],
                                    preferred_element_type=jnp.float32)

        s = lax.rem(t, NSLOT)
        k_chunk = kv_buf[s, 0]
        v_chunk = kv_buf[s, 1]

        sc_ref[...] = jnp.dot(k_chunk, qbd_ref[0],
                              preferred_element_type=jnp.float32)

        @pl.when(hp_ref[b * C + c] == 1)
        def _patch_scores():
            for g in range(G):
                pv_ref[pl.ds(g * PAGE, PAGE), :] = jnp.full(
                    (PAGE, 1), bt_ref[b, c * G + g], dtype=jnp.int32)
            rmod = lax.broadcasted_iota(jnp.int32, (T, 1), 0) % PAGE
            onehot_b = jnp.logical_and(pv_ref[...] == pg_ref[...],
                                       rmod == rw_ref[...])
            anyp = jnp.any(onehot_b, axis=1, keepdims=True)
            s_pat = jnp.dot(onehot_b.astype(jnp.float32), spat_ref[...],
                            preferred_element_type=jnp.float32)
            sc_ref[...] = jnp.where(anyp, s_pat, sc_ref[...])

        pos = c * T + lax.broadcasted_iota(jnp.int32, (T, 1), 0)
        scores = jnp.where(pos < len_b, sc_ref[...], NEG)

        m_old = m_ref[...]
        m_new = jnp.maximum(m_old, jnp.max(scores, axis=0, keepdims=True))
        alpha = jnp.exp(m_old - m_new)
        p = jnp.exp(scores - m_new)
        l_ref[...] = l_ref[...] * alpha + jnp.sum(p, axis=0, keepdims=True)
        m_ref[...] = m_new

        dn = (((0,), (0,)), ((), ()))
        r_ref[...] = lax.dot_general(p.astype(jnp.bfloat16), v_chunk, dn,
                                     preferred_element_type=jnp.float32)

        @pl.when(hp_ref[b * C + c] == 1)
        def _patch_pv():
            rmod = lax.broadcasted_iota(jnp.int32, (T, 1), 0) % PAGE
            onehot_b = jnp.logical_and(pv_ref[...] == pg_ref[...],
                                       rmod == rw_ref[...])
            anyp = jnp.any(onehot_b, axis=1, keepdims=True)
            onehot = onehot_b.astype(jnp.float32)
            p_pat = jnp.where(anyp, p, 0.0)
            mix = lax.dot_general(p_pat, onehot, dn,
                                  preferred_element_type=jnp.float32)
            corr = (jnp.dot(mix, val_ref[...],
                            preferred_element_type=jnp.float32)
                    - lax.dot_general(p_pat.astype(jnp.bfloat16), v_chunk, dn,
                                      preferred_element_type=jnp.float32))
            r_ref[...] = r_ref[...] + corr

        e2 = (lax.broadcasted_iota(jnp.int32, (H, HD), 1) // D
              == lax.broadcasted_iota(jnp.int32, (H, HD), 0))
        e2f = e2.astype(jnp.float32)
        contrib = jnp.sum(jnp.where(e2, r_ref[...], 0.0), axis=0,
                          keepdims=True)
        alpha_e = jnp.dot(alpha, e2f, preferred_element_type=jnp.float32)
        acc_ref[...] = acc_ref[...] * alpha_e + contrib

        @pl.when(wc_ref[t + 1] == 0)
        def _finalize():
            l_e = jnp.dot(l_ref[...], e2f, preferred_element_type=jnp.float32)
            out_ref[0] = acc_ref[...] / l_e


def kernel(query, key, value, key_cache, value_cache, slot_mapping,
           block_tables, context_lens):
    scale = 1.0 / jnp.sqrt(jnp.asarray(D, dtype=jnp.float32))
    kvc = jnp.stack(
        [key_cache.reshape(key_cache.shape[0], PAGE, HD),
         value_cache.reshape(value_cache.shape[0], PAGE, HD)],
        axis=1).astype(jnp.bfloat16)
    eye = jnp.eye(H, dtype=jnp.float32)
    qbd = ((query * scale)[:, :, :, None] * eye[:, None, :]
           ).reshape(B, HD, H).astype(jnp.bfloat16)
    key2 = key.reshape(B, HD).astype(jnp.bfloat16)
    val2 = value.reshape(B, HD)
    sm = slot_mapping.astype(jnp.int32)
    jidx = jnp.arange(B, dtype=jnp.int32)
    has_later = jnp.any((sm[None, :] == sm[:, None])
                        & (jidx[None, :] > jidx[:, None]), axis=1)
    pgs = jnp.where(has_later, -1, sm // PAGE)
    pg = pgs.reshape(1, B)
    rw = (sm % PAGE).reshape(1, B)

    cl = context_lens.astype(jnp.int32)
    n_chunks = (jnp.maximum(cl, 1) + (T - 1)) // T
    starts = jnp.cumsum(n_chunks) - n_chunks
    total = jnp.sum(n_chunks).reshape(1)
    tidx = jnp.arange(NW, dtype=jnp.int32)
    wb = jnp.sum((tidx[:, None] >= (starts + n_chunks)[None, :]).astype(
        jnp.int32), axis=1)
    wb = jnp.minimum(wb, B - 1)
    wc = tidx - jnp.sum(jnp.where(jnp.arange(B)[None, :] < wb[:, None],
                                  n_chunks[None, :], 0), axis=1)
    wc = jnp.where(tidx < total[0], wc, 0)
    page_match = jnp.any(block_tables[:, :, None] == pgs[None, None, :],
                         axis=-1)
    chunk_has = jnp.any(page_match.reshape(B, C, G), axis=-1)
    hp = chunk_has.reshape(NW).astype(jnp.int32)
    wb = jnp.concatenate([wb, jnp.array([B - 1], jnp.int32)])
    wc = jnp.concatenate([wc, jnp.array([0], jnp.int32)])

    grid_spec = pltpu.PrefetchScalarGridSpec(
        num_scalar_prefetch=6,
        grid=(NW,),
        in_specs=[
            pl.BlockSpec((1, HD, H), lambda t, *s: (s[0][t], 0, 0)),
            pl.BlockSpec((B, HD), lambda t, *s: (0, 0)),
            pl.BlockSpec((B, HD), lambda t, *s: (0, 0)),
            pl.BlockSpec((1, B), lambda t, *s: (0, 0)),
            pl.BlockSpec((1, B), lambda t, *s: (0, 0)),
            pl.BlockSpec(memory_space=pl.ANY),
        ],
        out_specs=pl.BlockSpec((1, 1, HD), lambda t, *s: (s[0][t], 0, 0)),
        scratch_shapes=[
            pltpu.VMEM((NSLOT, 2, T, HD), jnp.bfloat16),
            pltpu.VMEM((1, HD), jnp.float32),
            pltpu.VMEM((1, H), jnp.float32),
            pltpu.VMEM((1, H), jnp.float32),
            pltpu.VMEM((B, H), jnp.float32),
            pltpu.VMEM((T, H), jnp.float32),
            pltpu.VMEM((H, HD), jnp.float32),
            pltpu.VMEM((T, 1), jnp.int32),
            pltpu.SemaphoreType.DMA((NSLOT,)),
        ],
    )
    out = pl.pallas_call(
        _attn_body,
        grid_spec=grid_spec,
        out_shape=jax.ShapeDtypeStruct((B, 1, HD), jnp.float32),
        compiler_params=pltpu.CompilerParams(
            dimension_semantics=("arbitrary",),
        ),
    )(wb, wc, total, block_tables, cl, hp, qbd, key2, val2, pg, rw, kvc)
    return out.reshape(B, H, D)

# --- scband reference (transcript-rebuilt; emitter-appended) ---
"""Pipeline reference for scband-paged-attention-1855425872549 (READ-ONLY COPY).

The authoritative reference and input builder live on the scoring server;
editing this copy changes nothing except your own understanding.
"""

import jax, jax.numpy as jnp
import numpy as np

B = 16
NUM_HEADS = 16
HEAD_DIM = 64
BLOCK_SIZE = 16
NUM_BLOCKS = 2048
MAX_BLOCKS_PER_SEQ = 128


def setup_inputs(seed: int = 0) -> dict:
    key = jax.random.key(seed)
    ks = jax.random.split(key, 8)
    query = jax.random.normal(ks[0], (B, NUM_HEADS, HEAD_DIM), dtype=jnp.float32)
    new_key = jax.random.normal(ks[1], (B, NUM_HEADS, HEAD_DIM), dtype=jnp.float32)
    new_value = jax.random.normal(ks[2], (B, NUM_HEADS, HEAD_DIM), dtype=jnp.float32)
    key_cache = jax.random.normal(ks[3], (NUM_BLOCKS, BLOCK_SIZE, NUM_HEADS, HEAD_DIM), dtype=jnp.float32)
    value_cache = jax.random.normal(ks[4], (NUM_BLOCKS, BLOCK_SIZE, NUM_HEADS, HEAD_DIM), dtype=jnp.float32)
    slot_mapping = jax.random.randint(ks[5], (B,), 0, NUM_BLOCKS * BLOCK_SIZE, dtype=jnp.int32)
    block_tables = jax.random.randint(ks[6], (B, MAX_BLOCKS_PER_SEQ), 0, NUM_BLOCKS, dtype=jnp.int32)
    context_lens = jax.random.randint(ks[7], (B,), 0, MAX_BLOCKS_PER_SEQ * BLOCK_SIZE, dtype=jnp.int32)
    return {
        'query': query,
        'key': new_key,
        'value': new_value,
        'key_cache': key_cache,
        'value_cache': value_cache,
        'slot_mapping': slot_mapping,
        'block_tables': block_tables,
        'context_lens': context_lens,
    }


def reference(query, key, value, key_cache, value_cache, slot_mapping, block_tables, context_lens):
    nb, bs, H, d = key_cache.shape
    scale = 1.0 / jnp.sqrt(jnp.asarray(d, dtype=jnp.float32))
    # --- scatter write: store new token K/V into paged cache at flat slot indices ---
    kc_flat = key_cache.reshape(nb * bs, H, d)
    vc_flat = value_cache.reshape(nb * bs, H, d)
    kc_flat = kc_flat.at[slot_mapping].set(key)
    vc_flat = vc_flat.at[slot_mapping].set(value)
    kc = kc_flat.reshape(nb, bs, H, d)
    vc = vc_flat.reshape(nb, bs, H, d)
    # --- gather per-sequence pages via block tables ---
    k_seq = kc[block_tables].reshape(query.shape[0], -1, H, d)  # [B, kv_len, H, d]
    v_seq = vc[block_tables].reshape(query.shape[0], -1, H, d)
    # --- paged attention ---
    scores = jnp.einsum('bhd,bkhd->bhk', query, k_seq) * scale
    lens = jnp.maximum(context_lens, 1)
    pos = jnp.arange(k_seq.shape[1])
    mask = pos[None, None, :] < lens[:, None, None]
    scores = jnp.where(mask, scores, jnp.finfo(scores.dtype).min)
    probs = jax.nn.softmax(scores, axis=-1)
    out = jnp.einsum('bhk,bkhd->bhd', probs, v_seq)
    return out

if __name__ == "__main__":
    import jax
    _d = setup_inputs()
    print(jax.jit(kernel)(*tuple(_d.values())))

</pallas_src>

<mosaic_0001>
module attributes {stable_mosaic.version = 14 : i64} {
  func.func @_attn_body(%arg0: i32, %arg1: memref<129xi32, #tpu.memory_space<smem>>, %arg2: memref<129xi32, #tpu.memory_space<smem>>, %arg3: memref<1xi32, #tpu.memory_space<smem>>, %arg4: memref<16x128xi32, #tpu.memory_space<smem>>, %arg5: memref<16xi32, #tpu.memory_space<smem>>, %arg6: memref<128xi32, #tpu.memory_space<smem>>, %arg7: memref<1x1024x16xbf16, #tpu.memory_space<vmem>>, %arg8: memref<16x1024xbf16, #tpu.memory_space<vmem>>, %arg9: memref<16x1024xf32, #tpu.memory_space<vmem>>, %arg10: memref<1x16xi32, #tpu.memory_space<vmem>>, %arg11: memref<1x16xi32, #tpu.memory_space<vmem>>, %arg12: memref<2048x2x16x1024xbf16, #tpu.memory_space<any>>, %arg13: memref<1x1x1024xf32, #tpu.memory_space<vmem>>, %arg14: memref<4x2x256x1024xbf16, #tpu.memory_space<vmem>>, %arg15: memref<1x1024xf32, #tpu.memory_space<vmem>>, %arg16: memref<1x16xf32, #tpu.memory_space<vmem>>, %arg17: memref<1x16xf32, #tpu.memory_space<vmem>>, %arg18: memref<16x16xf32, #tpu.memory_space<vmem>>, %arg19: memref<256x16xf32, #tpu.memory_space<vmem>>, %arg20: memref<16x1024xf32, #tpu.memory_space<vmem>>, %arg21: memref<256x1xi32, #tpu.memory_space<vmem>>, %arg22: memref<4x!tpu.dma_semaphore, #tpu.memory_space<semaphore_mem>>) attributes {dimension_semantics = [#tpu.dimension_semantics<arbitrary>], iteration_bounds = array<i64: 128>, scalar_prefetch = 6 : i64, scratch_operands = 9 : i64, tpu.core_type = #tpu.core_type<tc>, window_params = [{transform_indices = @transform_0, window_bounds = array<i64: 1, 1024, 16>}, {pipeline_mode = #tpu.pipeline_mode<synchronous>, transform_indices = @transform_1, window_bounds = array<i64: 16, 1024>}, {pipeline_mode = #tpu.pipeline_mode<synchronous>, transform_indices = @transform_2, window_bounds = array<i64: 16, 1024>}, {pipeline_mode = #tpu.pipeline_mode<synchronous>, transform_indices = @transform_3, window_bounds = array<i64: 1, 16>}, {pipeline_mode = #tpu.pipeline_mode<synchronous>, transform_indices = @transform_4, window_bounds = array<i64: 1, 16>}, {}, {transform_indices = @transform_6, window_bounds = array<i64: 1, 1, 1024>}]} {
    %get3A = arith.constant 0 : index
    %get3A_0 = memref.load %arg3[%get3A] : memref<1xi32, #tpu.memory_space<smem>>
    %eq3A = arith.constant 0 : i32
    %eq3A_1 = arith.cmpi eq, %arg0, %eq3A : i32
    %convert_element_type3A = arith.extui %eq3A_1 : i1 to i32
    %cond3A = arith.constant 0 : i32
    %cond3A_2 = arith.cmpi ne, %convert_element_type3A, %cond3A : i32
    scf.if %cond3A_2 {
      %rem3A = arith.constant 0 : i32
      %rem3A_6 = arith.constant 4 : i32
      %rem3A_7 = arith.remsi %rem3A, %rem3A_6 : i32
      %get3A_8 = arith.constant 0 : index
      %get3A_9 = memref.load %arg1[%get3A_8] : memref<129xi32, #tpu.memory_space<smem>>
      %get3A_10 = arith.constant 0 : index
      %get3A_11 = memref.load %arg2[%get3A_10] : memref<129xi32, #tpu.memory_space<smem>>
      %mul3A = arith.constant 16 : i32
      %mul3A_12 = arith.muli %get3A_11, %mul3A : i32
      %add3A = arith.constant 0 : i32
      %add3A_13 = arith.addi %mul3A_12, %add3A : i32
      %get3A_14 = arith.index_cast %get3A_9 : i32 to index
      %get3A_15 = arith.index_cast %add3A_13 : i32 to index
      %get3A_16 = memref.load %arg4[%get3A_14, %get3A_15] : memref<16x128xi32, #tpu.memory_space<smem>>
      %mul3A_17 = arith.constant 16 : i32
      %mul3A_18 = arith.muli %get3A_11, %mul3A_17 : i32
      %add3A_19 = arith.constant 1 : i32
      %add3A_20 = arith.addi %mul3A_18, %add3A_19 : i32
      %get3A_21 = arith.index_cast %get3A_9 : i32 to index
      %get3A_22 = arith.index_cast %add3A_20 : i32 to index
      %get3A_23 = memref.load %arg4[%get3A_21, %get3A_22] : memref<16x128xi32, #tpu.memory_space<smem>>
      %mul3A_24 = arith.constant 16 : i32
      %mul3A_25 = arith.muli %get3A_11, %mul3A_24 : i32
      %add3A_26 = arith.constant 2 : i32
      %add3A_27 = arith.addi %mul3A_25, %add3A_26 : i32
      %get3A_28 = arith.index_cast %get3A_9 : i32 to index
      %get3A_29 = arith.index_cast %add3A_27 : i32 to index
      %get3A_30 = memref.load %arg4[%get3A_28, %get3A_29] : memref<16x128xi32, #tpu.memory_space<smem>>
      %mul3A_31 = arith.constant 16 : i32
      %mul3A_32 = arith.muli %get3A_11, %mul3A_31 : i32
      %add3A_33 = arith.constant 3 : i32
      %add3A_34 = arith.addi %mul3A_32, %add3A_33 : i32
      %get3A_35 = arith.index_cast %get3A_9 : i32 to index
      %get3A_36 = arith.index_cast %add3A_34 : i32 to index
      %get3A_37 = memref.load %arg4[%get3A_35, %get3A_36] : memref<16x128xi32, #tpu.memory_space<smem>>
      %mul3A_38 = arith.constant 16 : i32
      %mul3A_39 = arith.muli %get3A_11, %mul3A_38 : i32
      %add3A_40 = arith.constant 4 : i32
      %add3A_41 = arith.addi %mul3A_39, %add3A_40 : i32
      %get3A_42 = arith.index_cast %get3A_9 : i32 to index
      %get3A_43 = arith.index_cast %add3A_41 : i32 to index
      %get3A_44 = memref.load %arg4[%get3A_42, %get3A_43] : memref<16x128xi32, #tpu.memory_space<smem>>
      %mul3A_45 = arith.constant 16 : i32
      %mul3A_46 = arith.muli %get3A_11, %mul3A_45 : i32
      %add3A_47 = arith.constant 5 : i32
      %add3A_48 = arith.addi %mul3A_46, %add3A_47 : i32
      %get3A_49 = arith.index_cast %get3A_9 : i32 to index
      %get3A_50 = arith.index_cast %add3A_48 : i32 to index
      %get3A_51 = memref.load %arg4[%get3A_49, %get3A_50] : memref<16x128xi32, #tpu.memory_space<smem>>
      %mul3A_52 = arith.constant 16 : i32
      %mul3A_53 = arith.muli %get3A_11, %mul3A_52 : i32
      %add3A_54 = arith.constant 6 : i32
      %add3A_55 = arith.addi %mul3A_53, %add3A_54 : i32
      %get3A_56 = arith.index_cast %get3A_9 : i32 to index
      %get3A_57 = arith.index_cast %add3A_55 : i32 to index
      %get3A_58 = memref.load %arg4[%get3A_56, %get3A_57] : memref<16x128xi32, #tpu.memory_space<smem>>
      %mul3A_59 = arith.constant 16 : i32
      %mul3A_60 = arith.muli %get3A_11, %mul3A_59 : i32
      %add3A_61 = arith.constant 7 : i32
      %add3A_62 = arith.addi %mul3A_60, %add3A_61 : i32
      %get3A_63 = arith.index_cast %get3A_9 : i32 to index
      %get3A_64 = arith.index_cast %add3A_62 : i32 to index
      %get3A_65 = memref.load %arg4[%get3A_63, %get3A_64] : memref<16x128xi32, #tpu.memory_space<smem>>
      %mul3A_66 = arith.constant 16 : i32
      %mul3A_67 = arith.muli %get3A_11, %mul3A_66 : i32
      %add3A_68 = arith.constant 8 : i32
      %add3A_69 = arith.addi %mul3A_67, %add3A_68 : i32
      %get3A_70 = arith.index_cast %get3A_9 : i32 to index
      %get3A_71 = arith.index_cast %add3A_69 : i32 to index
      %get3A_72 = memref.load %arg4[%get3A_70, %get3A_71] : memref<16x128xi32, #tpu.memory_space<smem>>
      %mul3A_73 = arith.constant 16 : i32
      %mul3A_74 = arith.muli %get3A_11, %mul3A_73 : i32
      %add3A_75 = arith.constant 9 : i32
      %add3A_76 = arith.addi %mul3A_74, %add3A_75 : i32
      %get3A_77 = arith.index_cast %get3A_9 : i32 to index
      %get3A_78 = arith.index_cast %add3A_76 : i32 to index
      %get3A_79 = memref.load %arg4[%get3A_77, %get3A_78] : memref<16x128xi32, #tpu.memory_space<smem>>
      %mul3A_80 = arith.constant 16 : i32
      %mul3A_81 = arith.muli %get3A_11, %mul3A_80 : i32
      %add3A_82 = arith.constant 10 : i32
      %add3A_83 = arith.addi %mul3A_81, %add3A_82 : i32
      %get3A_84 = arith.index_cast %get3A_9 : i32 to index
      %get3A_85 = arith.index_cast %add3A_83 : i32 to index
      %get3A_86 = memref.load %arg4[%get3A_84, %get3A_85] : memref<16x128xi32, #tpu.memory_space<smem>>
      %mul3A_87 = arith.constant 16 : i32
      %mul3A_88 = arith.muli %get3A_11, %mul3A_87 : i32
      %add3A_89 = arith.constant 11 : i32
      %add3A_90 = arith.addi %mul3A_88, %add3A_89 : i32
      %get3A_91 = arith.index_cast %get3A_9 : i32 to index
      %get3A_92 = arith.index_cast %add3A_90 : i32 to index
      %get3A_93 = memref.load %arg4[%get3A_91, %get3A_92] : memref<16x128xi32, #tpu.memory_space<smem>>
      %mul3A_94 = arith.constant 16 : i32
      %mul3A_95 = arith.muli %get3A_11, %mul3A_94 : i32
      %add3A_96 = arith.constant 12 : i32
      %add3A_97 = arith.addi %mul3A_95, %add3A_96 : i32
      %get3A_98 = arith.index_cast %get3A_9 : i32 to index
      %get3A_99 = arith.index_cast %add3A_97 : i32 to index
      %get3A_100 = memref.load %arg4[%get3A_98, %get3A_99] : memref<16x128xi32, #tpu.memory_space<smem>>
      %mul3A_101 = arith.constant 16 : i32
      %mul3A_102 = arith.muli %get3A_11, %mul3A_101 : i32
      %add3A_103 = arith.constant 13 : i32
      %add3A_104 = arith.addi %mul3A_102, %add3A_103 : i32
      %get3A_105 = arith.index_cast %get3A_9 : i32 to index
      %get3A_106 = arith.index_cast %add3A_104 : i32 to index
      %get3A_107 = memref.load %arg4[%get3A_105, %get3A_106] : memref<16x128xi32, #tpu.memory_space<smem>>
      %mul3A_108 = arith.constant 16 : i32
      %mul3A_109 = arith.muli %get3A_11, %mul3A_108 : i32
      %add3A_110 = arith.constant 14 : i32
      %add3A_111 = arith.addi %mul3A_109, %add3A_110 : i32
      %get3A_112 = arith.index_cast %get3A_9 : i32 to index
      %get3A_113 = arith.index_cast %add3A_111 : i32 to index
      %get3A_114 = memref.load %arg4[%get3A_112, %get3A_113] : memref<16x128xi32, #tpu.memory_space<smem>>
      %mul3A_115 = arith.constant 16 : i32
      %mul3A_116 = arith.muli %get3A_11, %mul3A_115 : i32
      %add3A_117 = arith.constant 15 : i32
      %add3A_118 = arith.addi %mul3A_116, %add3A_117 : i32
      %get3A_119 = arith.index_cast %get3A_9 : i32 to index
      %get3A_120 = arith.index_cast %add3A_118 : i32 to index
      %get3A_121 = memref.load %arg4[%get3A_119, %get3A_120] : memref<16x128xi32, #tpu.memory_space<smem>>
      %dma_start3A = tpu.memref_slice %arg22[%rem3A_7] : memref<4x!tpu.dma_semaphore, #tpu.memory_space<semaphore_mem>> -> memref<1x!tpu.dma_semaphore, #tpu.memory_space<semaphore_mem>>
      %dma_start3A_122 = tpu.memref_squeeze %dma_start3A : memref<1x!tpu.dma_semaphore, #tpu.memory_space<semaphore_mem>> -> memref<!tpu.dma_semaphore, #tpu.memory_space<semaphore_mem>>
      %dma_start3A_123 = arith.constant 0 : i32
      %dma_start3A_124 = arith.constant 0 : i32
      %dma_start3A_125 = arith.constant 0 : i32
      %dma_start3A_126 = tpu.memref_slice %arg14[%rem3A_7, %dma_start3A_123, %dma_start3A_124, %dma_start3A_125] : memref<4x2x256x1024xbf16, #tpu.memory_space<vmem>> -> memref<1x2x16x1024xbf16, #tpu.memory_space<vmem>>
      %dma_start3A_127 = tpu.memref_squeeze %dma_start3A_126 : memref<1x2x16x1024xbf16, #tpu.memory_space<vmem>> -> memref<2x16x1024xbf16, #tpu.memory_space<vmem>>
      %dma_start3A_128 = arith.constant 0 : i32
      %dma_start3A_129 = arith.constant 0 : i32
      %dma_start3A_130 = arith.constant 0 : i32
      %dma_start3A_131 = tpu.memref_slice %arg12[%get3A_16, %dma_start3A_128, %dma_start3A_129, %dma_start3A_130] : memref<2048x2x16x1024xbf16, #tpu.memory_space<any>> -> memref<1x2x16x1024xbf16, #tpu.memory_space<any>>
      %dma_start3A_132 = tpu.memref_squeeze %dma_start3A_131 : memref<1x2x16x1024xbf16, #tpu.memory_space<any>> -> memref<2x16x1024xbf16, #tpu.memory_space<any>>
      tpu.enqueue_dma source(%dma_start3A_132 : memref<2x16x1024xbf16, #tpu.memory_space<any>>) target(%dma_start3A_127 : memref<2x16x1024xbf16, #tpu.memory_space<vmem>>) target_semaphore(%dma_start3A_122 : memref<!tpu.dma_semaphore, #tpu.memory_space<semaphore_mem>>)
      %dma_start3A_133 = tpu.memref_slice %arg22[%rem3A_7] : memref<4x!tpu.dma_semaphore, #tpu.memory_space<semaphore_mem>> -> memref<1x!tpu.dma_semaphore, #tpu.memory_space<semaphore_mem>>
      %dma_start3A_134 = tpu.memref_squeeze %dma_start3A_133 : memref<1x!tpu.dma_semaphore, #tpu.memory_space<semaphore_mem>> -> memref<!tpu.dma_semaphore, #tpu.memory_space<semaphore_mem>>
      %dma_start3A_135 = arith.constant 0 : i32
      %dma_start3A_136 = arith.constant 16 : i32
      %dma_start3A_137 = arith.constant 0 : i32
      %dma_start3A_138 = tpu.memref_slice %arg14[%rem3A_7, %dma_start3A_135, %dma_start3A_136, %dma_start3A_137] : memref<4x2x256x1024xbf16, #tpu.memory_space<vmem>> -> memref<1x2x16x1024xbf16, #tpu.memory_space<vmem>>
      %dma_start3A_139 = tpu.memref_squeeze %dma_start3A_138 : memref<1x2x16x1024xbf16, #tpu.memory_space<vmem>> -> memref<2x16x1024xbf16, #tpu.memory_space<vmem>>
      %dma_start3A_140 = arith.constant 0 : i32
      %dma_start3A_141 = arith.constant 0 : i32
      %dma_start3A_142 = arith.constant 0 : i32
      %dma_start3A_143 = tpu.memref_slice %arg12[%get3A_23, %dma_start3A_140, %dma_start3A_141, %dma_start3A_142] : memref<2048x2x16x1024xbf16, #tpu.memory_space<any>> -> memref<1x2x16x1024xbf16, #tpu.memory_space<any>>
      %dma_start3A_144 = tpu.memref_squeeze %dma_start3A_143 : memref<1x2x16x1024xbf16, #tpu.memory_space<any>> -> memref<2x16x1024xbf16, #tpu.memory_space<any>>
      tpu.enqueue_dma source(%dma_start3A_144 : memref<2x16x1024xbf16, #tpu.memory_space<any>>) target(%dma_start3A_139 : memref<2x16x1024xbf16, #tpu.memory_space<vmem>>) target_semaphore(%dma_start3A_134 : memref<!tpu.dma_semaphore, #tpu.memory_space<semaphore_mem>>)
      %dma_start3A_145 = tpu.memref_slice %arg22[%rem3A_7] : memref<4x!tpu.dma_semaphore, #tpu.memory_space<semaphore_mem>> -> memref<1x!tpu.dma_semaphore, #tpu.memory_space<semaphore_mem>>
      %dma_start3A_146 = tpu.memref_squeeze %dma_start3A_145 : memref<1x!tpu.dma_semaphore, #tpu.memory_space<semaphore_mem>> -> memref<!tpu.dma_semaphore, #tpu.memory_space<semaphore_mem>>
      %dma_start3A_147 = arith.constant 0 : i32
      %dma_start3A_148 = arith.constant 32 : i32
      %dma_start3A_149 = arith.constant 0 : i32
      %dma_start3A_150 = tpu.memref_slice %arg14[%rem3A_7, %dma_start3A_147, %dma_start3A_148, %dma_start3A_149] : memref<4x2x256x1024xbf16, #tpu.memory_space<vmem>> -> memref<1x2x16x1024xbf16, #tpu.memory_space<vmem>>
      %dma_start3A_151 = tpu.memref_squeeze %dma_start3A_150 : memref<1x2x16x1024xbf16, #tpu.memory_space<vmem>> -> memref<2x16x1024xbf16, #tpu.memory_space<vmem>>
      %dma_start3A_152 = arith.constant 0 : i32
      %dma_start3A_153 = arith.constant 0 : i32
      %dma_start3A_154 = arith.constant 0 : i32
      %dma_start3A_155 = tpu.memref_slice %arg12[%get3A_30, %dma_start3A_152, %dma_start3A_153, %dma_start3A_154] : memref<2048x2x16x1024xbf16, #tpu.memory_space<any>> -> memref<1x2x16x1024xbf16, #tpu.memory_space<any>>
      %dma_start3A_156 = tpu.memref_squeeze %dma_start3A_155 : memref<1x2x16x1024xbf16, #tpu.memory_space<any>> -> memref<2x16x1024xbf16, #tpu.memory_space<any>>
      tpu.enqueue_dma source(%dma_start3A_156 : memref<2x16x1024xbf16, #tpu.memory_space<any>>) target(%dma_start3A_151 : memref<2x16x1024xbf16, #tpu.memory_space<vmem>>) target_semaphore(%dma_start3A_146 : memref<!tpu.dma_semaphore, #tpu.memory_space<semaphore_mem>>)
      %dma_start3A_157 = tpu.memref_slice %arg22[%rem3A_7] : memref<4x!tpu.dma_semaphore, #tpu.memory_space<semaphore_mem>> -> memref<1x!tpu.dma_semaphore, #tpu.memory_space<semaphore_mem>>
      %dma_start3A_158 = tpu.memref_squeeze %dma_start3A_157 : memref<1x!tpu.dma_semaphore, #tpu.memory_space<semaphore_mem>> -> memref<!tpu.dma_semaphore, #tpu.memory_space<semaphore_mem>>
      %dma_start3A_159 = arith.constant 0 : i32
      %dma_start3A_160 = arith.constant 48 : i32
      %dma_start3A_161 = arith.constant 0 : i32
      %dma_start3A_162 = tpu.memref_slice %arg14[%rem3A_7, %dma_start3A_159, %dma_start3A_160, %dma_start3A_161] : memref<4x2x256x1024xbf16, #tpu.memory_space<vmem>> -> memref<1x2x16x1024xbf16, #tpu.memory_space<vmem>>
      %dma_start3A_163 = tpu.memref_squeeze %dma_start3A_162 : memref<1x2x16x1024xbf16, #tpu.memory_space<vmem>> -> memref<2x16x1024xbf16, #tpu.memory_space<vmem>>
      %dma_start3A_164 = arith.constant 0 : i32
      %dma_start3A_165 = arith.constant 0 : i32
      %dma_start3A_166 = arith.constant 0 : i32
      %dma_start3A_167 = tpu.memref_slice %arg12[%get3A_37, %dma_start3A_164, %dma_start3A_165, %dma_start3A_166] : memref<2048x2x16x1024xbf16, #tpu.memory_space<any>> -> memref<1x2x16x1024xbf16, #tpu.memory_space<any>>
      %dma_start3A_168 = tpu.memref_squeeze %dma_start3A_167 : memref<1x2x16x1024xbf16, #tpu.memory_space<any>> -> memref<2x16x1024xbf16, #tpu.memory_space<any>>
      tpu.enqueue_dma source(%dma_start3A_168 : memref<2x16x1024xbf16, #tpu.memory_space<any>>) target(%dma_start3A_163 : memref<2x16x1024xbf16, #tpu.memory_space<vmem>>) target_semaphore(%dma_start3A_158 : memref<!tpu.dma_semaphore, #tpu.memory_space<semaphore_mem>>)
      %dma_start3A_169 = tpu.memref_slice %arg22[%rem3A_7] : memref<4x!tpu.dma_semaphore, #tpu.memory_space<semaphore_mem>> -> memref<1x!tpu.dma_semaphore, #tpu.memory_space<semaphore_mem>>
      %dma_start3A_170 = tpu.memref_squeeze %dma_start3A_169 : memref<1x!tpu.dma_semaphore, #tpu.memory_space<semaphore_mem>> -> memref<!tpu.dma_semaphore, #tpu.memory_space<semaphore_mem>>
      %dma_start3A_171 = arith.constant 0 : i32
      %dma_start3A_172 = arith.constant 64 : i32
      %dma_start3A_173 = arith.constant 0 : i32
      %dma_start3A_174 = tpu.memref_slice %arg14[%rem3A_7, %dma_start3A_171, %dma_start3A_172, %dma_start3A_173] : memref<4x2x256x1024xbf16, #tpu.memory_space<vmem>> -> memref<1x2x16x1024xbf16, #tpu.memory_space<vmem>>
      %dma_start3A_175 = tpu.memref_squeeze %dma_start3A_174 : memref<1x2x16x1024xbf16, #tpu.memory_space<vmem>> -> memref<2x16x1024xbf16, #tpu.memory_space<vmem>>
      %dma_start3A_176 = arith.constant 0 : i32
      %dma_start3A_177 = arith.constant 0 : i32
      %dma_start3A_178 = arith.constant 0 : i32
      %dma_start3A_179 = tpu.memref_slice %arg12[%get3A_44, %dma_start3A_176, %dma_start3A_177, %dma_start3A_178] : memref<2048x2x16x1024xbf16, #tpu.memory_space<any>> -> memref<1x2x16x1024xbf16, #tpu.memory_space<any>>
      %dma_start3A_180 = tpu.memref_squeeze %dma_start3A_179 : memref<1x2x16x1024xbf16, #tpu.memory_space<any>> -> memref<2x16x1024xbf16, #tpu.memory_space<any>>
      tpu.enqueue_dma source(%dma_start3A_180 : memref<2x16x1024xbf16, #tpu.memory_space<any>>) target(%dma_start3A_175 : memref<2x16x1024xbf16, #tpu.memory_space<vmem>>) target_semaphore(%dma_start3A_170 : memref<!tpu.dma_semaphore, #tpu.memory_space<semaphore_mem>>)
      %dma_start3A_181 = tpu.memref_slice %arg22[%rem3A_7] : memref<4x!tpu.dma_semaphore, #tpu.memory_space<semaphore_mem>> -> memref<1x!tpu.dma_semaphore, #tpu.memory_space<semaphore_mem>>
      %dma_start3A_182 = tpu.memref_squeeze %dma_start3A_181 : memref<1x!tpu.dma_semaphore, #tpu.memory_space<semaphore_mem>> -> memref<!tpu.dma_semaphore, #tpu.memory_space<semaphore_mem>>
      %dma_start3A_183 = arith.constant 0 : i32
      %dma_start3A_184 = arith.constant 80 : i32
      %dma_start3A_185 = arith.constant 0 : i32
      %dma_start3A_186 = tpu.memref_slice %arg14[%rem3A_7, %dma_start3A_183, %dma_start3A_184, %dma_start3A_185] : memref<4x2x256x1024xbf16, #tpu.memory_space<vmem>> -> memref<1x2x16x1024xbf16, #tpu.memory_space<vmem>>
      %dma_start3A_187 = tpu.memref_squeeze %dma_start3A_186 : memref<1x2x16x1024xbf16, #tpu.memory_space<vmem>> -> memref<2x16x1024xbf16, #tpu.memory_space<vmem>>
      %dma_start3A_188 = arith.constant 0 : i32
      %dma_start3A_189 = arith.constant 0 : i32
      %dma_start3A_190 = arith.constant 0 : i32
      %dma_start3A_191 = tpu.memref_slice %arg12[%get3A_51, %dma_start3A_188, %dma_start3A_189, %dma_start3A_190] : memref<2048x2x16x1024xbf16, #tpu.memory_space<any>> -> memref<1x2x16x1024xbf16, #tpu.memory_space<any>>
      %dma_start3A_192 = tpu.memref_squeeze %dma_start3A_191 : memref<1x2x16x1024xbf16, #tpu.memory_space<any>> -> memref<2x16x1024xbf16, #tpu.memory_space<any>>
      tpu.enqueue_dma source(%dma_start3A_192 : memref<2x16x1024xbf16, #tpu.memory_space<any>>) target(%dma_start3A_187 : memref<2x16x1024xbf16, #tpu.memory_space<vmem>>) target_semaphore(%dma_start3A_182 : memref<!tpu.dma_semaphore, #tpu.memory_space<semaphore_mem>>)
      %dma_start3A_193 = tpu.memref_slice %arg22[%rem3A_7] : memref<4x!tpu.dma_semaphore, #tpu.memory_space<semaphore_mem>> -> memref<1x!tpu.dma_semaphore, #tpu.memory_space<semaphore_mem>>
      %dma_start3A_194 = tpu.memref_squeeze %dma_start3A_193 : memref<1x!tpu.dma_semaphore, #tpu.memory_space<semaphore_mem>> -> memref<!tpu.dma_semaphore, #tpu.memory_space<semaphore_mem>>
      %dma_start3A_195 = arith.constant 0 : i32
      %dma_start3A_196 = arith.constant 96 : i32
      %dma_start3A_197 = arith.constant 0 : i32
      %dma_start3A_198 = tpu.memref_slice %arg14[%rem3A_7, %dma_start3A_195, %dma_start3A_196, %dma_start3A_197] : memref<4x2x256x1024xbf16, #tpu.memory_space<vmem>> -> memref<1x2x16x1024xbf16, #tpu.memory_space<vmem>>
      %dma_start3A_199 = tpu.memref_squeeze %dma_start3A_198 : memref<1x2x16x1024xbf16, #tpu.memory_space<vmem>> -> memref<2x16x1024xbf16, #tpu.memory_space<vmem>>
      %dma_start3A_200 = arith.constant 0 : i32
      %dma_start3A_201 = arith.constant 0 : i32
      %dma_start3A_202 = arith.constant 0 : i32
      %dma_start3A_203 = tpu.memref_slice %arg12[%get3A_58, %dma_start3A_200, %dma_start3A_201, %dma_start3A_202] : memref<2048x2x16x1024xbf16, #tpu.memory_space<any>> -> memref<1x2x16x1024xbf16, #tpu.memory_space<any>>
      %dma_start3A_204 = tpu.memref_squeeze %dma_start3A_203 : memref<1x2x16x1024xbf16, #tpu.memory_space<any>> -> memref<2x16x1024xbf16, #tpu.memory_space<any>>
      tpu.enqueue_dma source(%dma_start3A_204 : memref<2x16x1024xbf16, #tpu.memory_space<any>>) target(%dma_start3A_199 : memref<2x16x1024xbf16, #tpu.memory_space<vmem>>) target_semaphore(%dma_start3A_194 : memref<!tpu.dma_semaphore, #tpu.memory_space<semaphore_mem>>)
      %dma_start3A_205 = tpu.memref_slice %arg22[%rem3A_7] : memref<4x!tpu.dma_semaphore, #tpu.memory_space<semaphore_mem>> -> memref<1x!tpu.dma_semaphore, #tpu.memory_space<semaphore_mem>>
      %dma_start3A_206 = tpu.memref_squeeze %dma_start3A_205 : memref<1x!tpu.dma_semaphore, #tpu.memory_space<semaphore_mem>> -> memref<!tpu.dma_semaphore, #tpu.memory_space<semaphore_mem>>
      %dma_start3A_207 = arith.constant 0 : i32
      %dma_start3A_208 = arith.constant 112 : i32
      %dma_start3A_209 = arith.constant 0 : i32
      %dma_start3A_210 = tpu.memref_slice %arg14[%rem3A_7, %dma_start3A_207, %dma_start3A_208, %dma_start3A_209] : memref<4x2x256x1024xbf16, #tpu.memory_space<vmem>> -> memref<1x2x16x1024xbf16, #tpu.memory_space<vmem>>
      %dma_start3A_211 = tpu.memref_squeeze %dma_start3A_210 : memref<1x2x16x1024xbf16, #tpu.memory_space<vmem>> -> memref<2x16x1024xbf16, #tpu.memory_space<vmem>>
      %dma_start3A_212 = arith.constant 0 : i32
      %dma_start3A_213 = arith.constant 0 : i32
      %dma_start3A_214 = arith.constant 0 : i32
      %dma_start3A_215 = tpu.memref_slice %arg12[%get3A_65, %dma_start3A_212, %dma_start3A_213, %dma_start3A_214] : memref<2048x2x16x1024xbf16, #tpu.memory_space<any>> -> memref<1x2x16x1024xbf16, #tpu.memory_space<any>>
      %dma_start3A_216 = tpu.memref_squeeze %dma_start3A_215 : memref<1x2x16x1024xbf16, #tpu.memory_space<any>> -> memref<2x16x1024xbf16, #tpu.memory_space<any>>
      tpu.enqueue_dma source(%dma_start3A_216 : memref<2x16x1024xbf16, #tpu.memory_space<any>>) target(%dma_start3A_211 : memref<2x16x1024xbf16, #tpu.memory_space<vmem>>) target_semaphore(%dma_start3A_206 : memref<!tpu.dma_semaphore, #tpu.memory_space<semaphore_mem>>)
      %dma_start3A_217 = tpu.memref_slice %arg22[%rem3A_7] : memref<4x!tpu.dma_semaphore, #tpu.memory_space<semaphore_mem>> -> memref<1x!tpu.dma_semaphore, #tpu.memory_space<semaphore_mem>>
      %dma_start3A_218 = tpu.memref_squeeze %dma_start3A_217 : memref<1x!tpu.dma_semaphore, #tpu.memory_space<semaphore_mem>> -> memref<!tpu.dma_semaphore, #tpu.memory_space<semaphore_mem>>
      %dma_start3A_219 = arith.constant 0 : i32
      %dma_start3A_220 = arith.constant 128 : i32
      %dma_start3A_221 = arith.constant 0 : i32
      %dma_start3A_222 = tpu.memref_slice %arg14[%rem3A_7, %dma_start3A_219, %dma_start3A_220, %dma_start3A_221] : memref<4x2x256x1024xbf16, #tpu.memory_space<vmem>> -> memref<1x2x16x1024xbf16, #tpu.memory_space<vmem>>
      %dma_start3A_223 = tpu.memref_squeeze %dma_start3A_222 : memref<1x2x16x1024xbf16, #tpu.memory_space<vmem>> -> memref<2x16x1024xbf16, #tpu.memory_space<vmem>>
      %dma_start3A_224 = arith.constant 0 : i32
      %dma_start3A_225 = arith.constant 0 : i32
      %dma_start3A_226 = arith.constant 0 : i32
      %dma_start3A_227 = tpu.memref_slice %arg12[%get3A_72, %dma_start3A_224, %dma_start3A_225, %dma_start3A_226] : memref<2048x2x16x1024xbf16, #tpu.memory_space<any>> -> memref<1x2x16x1024xbf16, #tpu.memory_space<any>>
      %dma_start3A_228 = tpu.memref_squeeze %dma_start3A_227 : memref<1x2x16x1024xbf16, #tpu.memory_space<any>> -> memref<2x16x1024xbf16, #tpu.memory_space<any>>
      tpu.enqueue_dma source(%dma_start3A_228 : memref<2x16x1024xbf16, #tpu.memory_space<any>>) target(%dma_start3A_223 : memref<2x16x1024xbf16, #tpu.memory_space<vmem>>) target_semaphore(%dma_start3A_218 : memref<!tpu.dma_semaphore, #tpu.memory_space<semaphore_mem>>)
      %dma_start3A_229 = tpu.memref_slice %arg22[%rem3A_7] : memref<4x!tpu.dma_semaphore, #tpu.memory_space<semaphore_mem>> -> memref<1x!tpu.dma_semaphore, #tpu.memory_space<semaphore_mem>>
      %dma_start3A_230 = tpu.memref_squeeze %dma_start3A_229 : memref<1x!tpu.dma_semaphore, #tpu.memory_space<semaphore_mem>> -> memref<!tpu.dma_semaphore, #tpu.memory_space<semaphore_mem>>
      %dma_start3A_231 = arith.constant 0 : i32
      %dma_start3A_232 = arith.constant 144 : i32
      %dma_start3A_233 = arith.constant 0 : i32
      %dma_start3A_234 = tpu.memref_slice %arg14[%rem3A_7, %dma_start3A_231, %dma_start3A_232, %dma_start3A_233] : memref<4x2x256x1024xbf16, #tpu.memory_space<vmem>> -> memref<1x2x16x1024xbf16, #tpu.memory_space<vmem>>
      %dma_start3A_235 = tpu.memref_squeeze %dma_start3A_234 : memref<1x2x16x1024xbf16, #tpu.memory_space<vmem>> -> memref<2x16x1024xbf16, #tpu.memory_space<vmem>>
      %dma_start3A_236 = arith.constant 0 : i32
      %dma_start3A_237 = arith.constant 0 : i32
      %dma_start3A_238 = arith.constant 0 : i32
      %dma_start3A_239 = tpu.memref_slice %arg12[%get3A_79, %dma_start3A_236, %dma_start3A_237, %dma_start3A_238] : memref<2048x2x16x1024xbf16, #tpu.memory_space<any>> -> memref<1x2x16x1024xbf16, #tpu.memory_space<any>>
      %dma_start3A_240 = tpu.memref_squeeze %dma_start3A_239 : memref<1x2x16x1024xbf16, #tpu.memory_space<any>> -> memref<2x16x1024xbf16, #tpu.memory_space<any>>
      tpu.enqueue_dma source(%dma_start3A_240 : memref<2x16x1024xbf16, #tpu.memory_space<any>>) target(%dma_start3A_235 : memref<2x16x1024xbf16, #tpu.memory_space<vmem>>) target_semaphore(%dma_start3A_230 : memref<!tpu.dma_semaphore, #tpu.memory_space<semaphore_mem>>)
      %dma_start3A_241 = tpu.memref_slice %arg22[%rem3A_7] : memref<4x!tpu.dma_semaphore, #tpu.memory_space<semaphore_mem>> -> memref<1x!tpu.dma_semaphore, #tpu.memory_space<semaphore_mem>>
      %dma_start3A_242 = tpu.memref_squeeze %dma_start3A_241 : memref<1x!tpu.dma_semaphore, #tpu.memory_space<semaphore_mem>> -> memref<!tpu.dma_semaphore, #tpu.memory_space<semaphore_mem>>
      %dma_start3A_243 = arith.constant 0 : i32
      %dma_start3A_244 = arith.constant 160 : i32
      %dma_start3A_245 = arith.constant 0 : i32
      %dma_start3A_246 = tpu.memref_slice %arg14[%rem3A_7, %dma_start3A_243, %dma_start3A_244, %dma_start3A_245] : memref<4x2x256x1024xbf16, #tpu.memory_space<vmem>> -> memref<1x2x16x1024xbf16, #tpu.memory_space<vmem>>
      %dma_start3A_247 = tpu.memref_squeeze %dma_start3A_246 : memref<1x2x16x1024xbf16, #tpu.memory_space<vmem>> -> memref<2x16x1024xbf16, #tpu.memory_space<vmem>>
      %dma_start3A_248 = arith.constant 0 : i32
      %dma_start3A_249 = arith.constant 0 : i32
      %dma_start3A_250 = arith.constant 0 : i32
      %dma_start3A_251 = tpu.memref_slice %arg12[%get3A_86, %dma_start3A_248, %dma_start3A_249, %dma_start3A_250] : memref<2048x2x16x1024xbf16, #tpu.memory_space<any>> -> memref<1x2x16x1024xbf16, #tpu.memory_space<any>>
      %dma_start3A_252 = tpu.memref_squeeze %dma_start3A_251 : memref<1x2x16x1024xbf16, #tpu.memory_space<any>> -> memref<2x16x1024xbf16, #tpu.memory_space<any>>
      tpu.enqueue_dma source(%dma_start3A_252 : memref<2x16x1024xbf16, #tpu.memory_space<any>>) target(%dma_start3A_247 : memref<2x16x1024xbf16, #tpu.memory_space<vmem>>) target_semaphore(%dma_start3A_242 : memref<!tpu.dma_semaphore, #tpu.memory_space<semaphore_mem>>)
      %dma_start3A_253 = tpu.memref_slice %arg22[%rem3A_7] : memref<4x!tpu.dma_semaphore, #tpu.memory_space<semaphore_mem>> -> memref<1x!tpu.dma_semaphore, #tpu.memory_space<semaphore_mem>>
      %dma_start3A_254 = tpu.memref_squeeze %dma_start3A_253 : memref<1x!tpu.dma_semaphore, #tpu.memory_space<semaphore_mem>> -> memref<!tpu.dma_semaphore, #tpu.memory_space<semaphore_mem>>
      %dma_start3A_255 = arith.constant 0 : i32
      %dma_start3A_256 = arith.constant 176 : i32
      %dma_start3A_257 = arith.constant 0 : i32
      %dma_start3A_258 = tpu.memref_slice %arg14[%rem3A_7, %dma_start3A_255, %dma_start3A_256, %dma_start3A_257] : memref<4x2x256x1024xbf16, #tpu.memory_space<vmem>> -> memref<1x2x16x1024xbf16, #tpu.memory_space<vmem>>
      %dma_start3A_259 = tpu.memref_squeeze %dma_start3A_258 : memref<1x2x16x1024xbf16, #tpu.memory_space<vmem>> -> memref<2x16x1024xbf16, #tpu.memory_space<vmem>>
      %dma_start3A_260 = arith.constant 0 : i32
      %dma_start3A_261 = arith.constant 0 : i32
      %dma_start3A_262 = arith.constant 0 : i32
      %dma_start3A_263 = tpu.memref_slice %arg12[%get3A_93, %dma_start3A_260, %dma_start3A_261, %dma_start3A_262] : memref<2048x2x16x1024xbf16, #tpu.memory_space<any>> -> memref<1x2x16x1024xbf16, #tpu.memory_space<any>>
      %dma_start3A_264 = tpu.memref_squeeze %dma_start3A_263 : memref<1x2x16x1024xbf16, #tpu.memory_space<any>> -> memref<2x16x1024xbf16, #tpu.memory_space<any>>
      tpu.enqueue_dma source(%dma_start3A_264 : memref<2x16x1024xbf16, #tpu.memory_space<any>>) target(%dma_start3A_259 : memref<2x16x1024xbf16, #tpu.memory_space<vmem>>) target_semaphore(%dma_start3A_254 : memref<!tpu.dma_semaphore, #tpu.memory_space<semaphore_mem>>)
      %dma_start3A_265 = tpu.memref_slice %arg22[%rem3A_7] : memref<4x!tpu.dma_semaphore, #tpu.memory_space<semaphore_mem>> -> memref<1x!tpu.dma_semaphore, #tpu.memory_space<semaphore_mem>>
      %dma_start3A_266 = tpu.memref_squeeze %dma_start3A_265 : memref<1x!tpu.dma_semaphore, #tpu.memory_space<semaphore_mem>> -> memref<!tpu.dma_semaphore, #tpu.memory_space<semaphore_mem>>
      %dma_start3A_267 = arith.constant 0 : i32
      %dma_start3A_268 = arith.constant 192 : i32
      %dma_start3A_269 = arith.constant 0 : i32
      %dma_start3A_270 = tpu.memref_slice %arg14[%rem3A_7, %dma_start3A_267, %dma_start3A_268, %dma_start3A_269] : memref<4x2x256x1024xbf16, #tpu.memory_space<vmem>> -> memref<1x2x16x1024xbf16, #tpu.memory_space<vmem>>
      %dma_start3A_271 = tpu.memref_squeeze %dma_start3A_270 : memref<1x2x16x1024xbf16, #tpu.memory_space<vmem>> -> memref<2x16x1024xbf16, #tpu.memory_space<vmem>>
      %dma_start3A_272 = arith.constant 0 : i32
      %dma_start3A_273 = arith.constant 0 : i32
      %dma_start3A_274 = arith.constant 0 : i32
      %dma_start3A_275 = tpu.memref_slice %arg12[%get3A_100, %dma_start3A_272, %dma_start3A_273, %dma_start3A_274] : memref<2048x2x16x1024xbf16, #tpu.memory_space<any>> -> memref<1x2x16x1024xbf16, #tpu.memory_space<any>>
      %dma_start3A_276 = tpu.memref_squeeze %dma_start3A_275 : memref<1x2x16x1024xbf16, #tpu.memory_space<any>> -> memref<2x16x1024xbf16, #tpu.memory_space<any>>
      tpu.enqueue_dma source(%dma_start3A_276 : memref<2x16x1024xbf16, #tpu.memory_space<any>>) target(%dma_start3A_271 : memref<2x16x1024xbf16, #tpu.memory_space<vmem>>) target_semaphore(%dma_start3A_266 : memref<!tpu.dma_semaphore, #tpu.memory_space<semaphore_mem>>)
      %dma_start3A_277 = tpu.memref_slice %arg22[%rem3A_7] : memref<4x!tpu.dma_semaphore, #tpu.memory_space<semaphore_mem>> -> memref<1x!tpu.dma_semaphore, #tpu.memory_space<semaphore_mem>>
      %dma_start3A_278 = tpu.memref_squeeze %dma_start3A_277 : memref<1x!tpu.dma_semaphore, #tpu.memory_space<semaphore_mem>> -> memref<!tpu.dma_semaphore, #tpu.memory_space<semaphore_mem>>
      %dma_start3A_279 = arith.constant 0 : i32
      %dma_start3A_280 = arith.constant 208 : i32
      %dma_start3A_281 = arith.constant 0 : i32
      %dma_start3A_282 = tpu.memref_slice %arg14[%rem3A_7, %dma_start3A_279, %dma_start3A_280, %dma_start3A_281] : memref<4x2x256x1024xbf16, #tpu.memory_space<vmem>> -> memref<1x2x16x1024xbf16, #tpu.memory_space<vmem>>
      %dma_start3A_283 = tpu.memref_squeeze %dma_start3A_282 : memref<1x2x16x1024xbf16, #tpu.memory_space<vmem>> -> memref<2x16x1024xbf16, #tpu.memory_space<vmem>>
      %dma_start3A_284 = arith.constant 0 : i32
      %dma_start3A_285 = arith.constant 0 : i32
      %dma_start3A_286 = arith.constant 0 : i32
      %dma_start3A_287 = tpu.memref_slice %arg12[%get3A_107, %dma_start3A_284, %dma_start3A_285, %dma_start3A_286] : memref<2048x2x16x1024xbf16, #tpu.memory_space<any>> -> memref<1x2x16x1024xbf16, #tpu.memory_space<any>>
      %dma_start3A_288 = tpu.memref_squeeze %dma_start3A_287 : memref<1x2x16x1024xbf16, #tpu.memory_space<any>> -> memref<2x16x1024xbf16, #tpu.memory_space<any>>
      tpu.enqueue_dma source(%dma_start3A_288 : memref<2x16x1024xbf16, #tpu.memory_space<any>>) target(%dma_start3A_283 : memref<2x16x1024xbf16, #tpu.memory_space<vmem>>) target_semaphore(%dma_start3A_278 : memref<!tpu.dma_semaphore, #tpu.memory_space<semaphore_mem>>)
      %dma_start3A_289 = tpu.memref_slice %arg22[%rem3A_7] : memref<4x!tpu.dma_semaphore, #tpu.memory_space<semaphore_mem>> -> memref<1x!tpu.dma_semaphore, #tpu.memory_space<semaphore_mem>>
      %dma_start3A_290 = tpu.memref_squeeze %dma_start3A_289 : memref<1x!tpu.dma_semaphore, #tpu.memory_space<semaphore_mem>> -> memref<!tpu.dma_semaphore, #tpu.memory_space<semaphore_mem>>
      %dma_start3A_291 = arith.constant 0 : i32
      %dma_start3A_292 = arith.constant 224 : i32
      %dma_start3A_293 = arith.constant 0 : i32
      %dma_start3A_294 = tpu.memref_slice %arg14[%rem3A_7, %dma_start3A_291, %dma_start3A_292, %dma_start3A_293] : memref<4x2x256x1024xbf16, #tpu.memory_space<vmem>> -> memref<1x2x16x1024xbf16, #tpu.memory_space<vmem>>
      %dma_start3A_295 = tpu.memref_squeeze %dma_start3A_294 : memref<1x2x16x1024xbf16, #tpu.memory_space<vmem>> -> memref<2x16x1024xbf16, #tpu.memory_space<vmem>>
      %dma_start3A_296 = arith.constant 0 : i32
      %dma_start3A_297 = arith.constant 0 : i32
      %dma_start3A_298 = arith.constant 0 : i32
      %dma_start3A_299 = tpu.memref_slice %arg12[%get3A_114, %dma_start3A_296, %dma_start3A_297, %dma_start3A_298] : memref<2048x2x16x1024xbf16, #tpu.memory_space<any>> -> memref<1x2x16x1024xbf16, #tpu.memory_space<any>>
      %dma_start3A_300 = tpu.memref_squeeze %dma_start3A_299 : memref<1x2x16x1024xbf16, #tpu.memory_space<any>> -> memref<2x16x1024xbf16, #tpu.memory_space<any>>
      tpu.enqueue_dma source(%dma_start3A_300 : memref<2x16x1024xbf16, #tpu.memory_space<any>>) target(%dma_start3A_295 : memref<2x16x1024xbf16, #tpu.memory_space<vmem>>) target_semaphore(%dma_start3A_290 : memref<!tpu.dma_semaphore, #tpu.memory_space<semaphore_mem>>)
      %dma_start3A_301 = tpu.memref_slice %arg22[%rem3A_7] : memref<4x!tpu.dma_semaphore, #tpu.memory_space<semaphore_mem>> -> memref<1x!tpu.dma_semaphore, #tpu.memory_space<semaphore_mem>>
      %dma_start3A_302 = tpu.memref_squeeze %dma_start3A_301 : memref<1x!tpu.dma_semaphore, #tpu.memory_space<semaphore_mem>> -> memref<!tpu.dma_semaphore, #tpu.memory_space<semaphore_mem>>
      %dma_start3A_303 = arith.constant 0 : i32
      %dma_start3A_304 = arith.constant 240 : i32
      %dma_start3A_305 = arith.constant 0 : i32
      %dma_start3A_306 = tpu.memref_slice %arg14[%rem3A_7, %dma_start3A_303, %dma_start3A_304, %dma_start3A_305] : memref<4x2x256x1024xbf16, #tpu.memory_space<vmem>> -> memref<1x2x16x1024xbf16, #tpu.memory_space<vmem>>
      %dma_start3A_307 = tpu.memref_squeeze %dma_start3A_306 : memref<1x2x16x1024xbf16, #tpu.memory_space<vmem>> -> memref<2x16x1024xbf16, #tpu.memory_space<vmem>>
      %dma_start3A_308 = arith.constant 0 : i32
      %dma_start3A_309 = arith.constant 0 : i32
      %dma_start3A_310 = arith.constant 0 : i32
      %dma_start3A_311 = tpu.memref_slice %arg12[%get3A_121, %dma_start3A_308, %dma_start3A_309, %dma_start3A_310] : memref<2048x2x16x1024xbf16, #tpu.memory_space<any>> -> memref<1x2x16x1024xbf16, #tpu.memory_space<any>>
      %dma_start3A_312 = tpu.memref_squeeze %dma_start3A_311 : memref<1x2x16x1024xbf16, #tpu.memory_space<any>> -> memref<2x16x1024xbf16, #tpu.memory_space<any>>
      tpu.enqueue_dma source(%dma_start3A_312 : memref<2x16x1024xbf16, #tpu.memory_space<any>>) target(%dma_start3A_307 : memref<2x16x1024xbf16, #tpu.memory_space<vmem>>) target_semaphore(%dma_start3A_302 : memref<!tpu.dma_semaphore, #tpu.memory_space<semaphore_mem>>)
      %rem3A_313 = arith.constant 1 : i32
      %rem3A_314 = arith.constant 4 : i32
      %rem3A_315 = arith.remsi %rem3A_313, %rem3A_314 : i32
      %get3A_316 = arith.constant 1 : index
      %get3A_317 = memref.load %arg1[%get3A_316] : memref<129xi32, #tpu.memory_space<smem>>
      %get3A_318 = arith.constant 1 : index
      %get3A_319 = memref.load %arg2[%get3A_318] : memref<129xi32, #tpu.memory_space<smem>>
      %mul3A_320 = arith.constant 16 : i32
      %mul3A_321 = arith.muli %get3A_319, %mul3A_320 : i32
      %add3A_322 = arith.constant 0 : i32
      %add3A_323 = arith.addi %mul3A_321, %add3A_322 : i32
      %get3A_324 = arith.index_cast %get3A_317 : i32 to index
      %get3A_325 = arith.index_cast %add3A_323 : i32 to index
      %get3A_326 = memref.load %arg4[%get3A_324, %get3A_325] : memref<16x128xi32, #tpu.memory_space<smem>>
      %mul3A_327 = arith.constant 16 : i32
      %mul3A_328 = arith.muli %get3A_319, %mul3A_327 : i32
      %add3A_329 = arith.constant 1 : i32
      %add3A_330 = arith.addi %mul3A_328, %add3A_329 : i32
      %get3A_331 = arith.index_cast %get3A_317 : i32 to index
      %get3A_332 = arith.index_cast %add3A_330 : i32 to index
      %get3A_333 = memref.load %arg4[%get3A_331, %get3A_332] : memref<16x128xi32, #tpu.memory_space<smem>>
      %mul3A_334 = arith.constant 16 : i32
      %mul3A_335 = arith.muli %get3A_319, %mul3A_334 : i32
      %add3A_336 = arith.constant 2 : i32
      %add3A_337 = arith.addi %mul3A_335, %add3A_336 : i32
      %get3A_338 = arith.index_cast %get3A_317 : i32 to index
      %get3A_339 = arith.index_cast %add3A_337 : i32 to index
      %get3A_340 = memref.load %arg4[%get3A_338, %get3A_339] : memref<16x128xi32, #tpu.memory_space<smem>>
      %mul3A_341 = arith.constant 16 : i32
      %mul3A_342 = arith.muli %get3A_319, %mul3A_341 : i32
      %add3A_343 = arith.constant 3 : i32
      %add3A_344 = arith.addi %mul3A_342, %add3A_343 : i32
      %get3A_345 = arith.index_cast %get3A_317 : i32 to index
      %get3A_346 = arith.index_cast %add3A_344 : i32 to index
      %get3A_347 = memref.load %arg4[%get3A_345, %get3A_346] : memref<16x128xi32, #tpu.memory_space<smem>>
      %mul3A_348 = arith.constant 16 : i32
      %mul3A_349 = arith.muli %get3A_319, %mul3A_348 : i32
      %add3A_350 = arith.constant 4 : i32
      %add3A_351 = arith.addi %mul3A_349, %add3A_350 : i32
      %get3A_352 = arith.index_cast %get3A_317 : i32 to index
      %get3A_353 = arith.index_cast %add3A_351 : i32 to index
      %get3A_354 = memref.load %arg4[%get3A_352, %get3A_353] : memref<16x128xi32, #tpu.memory_space<smem>>
      %mul3A_355 = arith.constant 16 : i32
      %mul3A_356 = arith.muli %get3A_319, %mul3A_355 : i32
      %add3A_357 = arith.constant 5 : i32
      %add3A_358 = arith.addi %mul3A_356, %add3A_357 : i32
      %get3A_359 = arith.index_cast %get3A_317 : i32 to index
      %get3A_360 = arith.index_cast %add3A_358 : i32 to index
      %get3A_361 = memref.load %arg4[%get3A_359, %get3A_360] : memref<16x128xi32, #tpu.memory_space<smem>>
      %mul3A_362 = arith.constant 16 : i32
      %mul3A_363 = arith.muli %get3A_319, %mul3A_362 : i32
      %add3A_364 = arith.constant 6 : i32
      %add3A_365 = arith.addi %mul3A_363, %add3A_364 : i32
      %get3A_366 = arith.index_cast %get3A_317 : i32 to index
      %get3A_367 = arith.index_cast %add3A_365 : i32 to index
      %get3A_368 = memref.load %arg4[%get3A_366, %get3A_367] : memref<16x128xi32, #tpu.memory_space<smem>>
      %mul3A_369 = arith.constant 16 : i32
      %mul3A_370 = arith.muli %get3A_319, %mul3A_369 : i32
      %add3A_371 = arith.constant 7 : i32
      %add3A_372 = arith.addi %mul3A_370, %add3A_371 : i32
      %get3A_373 = arith.index_cast %get3A_317 : i32 to index
      %get3A_374 = arith.index_cast %add3A_372 : i32 to index
      %get3A_375 = memref.load %arg4[%get3A_373, %get3A_374] : memref<16x128xi32, #tpu.memory_space<smem>>
      %mul3A_376 = arith.constant 16 : i32
      %mul3A_377 = arith.muli %get3A_319, %mul3A_376 : i32
      %add3A_378 = arith.constant 8 : i32
      %add3A_379 = arith.addi %mul3A_377, %add3A_378 : i32
      %get3A_380 = arith.index_cast %get3A_317 : i32 to index
      %get3A_381 = arith.index_cast %add3A_379 : i32 to index
      %get3A_382 = memref.load %arg4[%get3A_380, %get3A_381] : memref<16x128xi32, #tpu.memory_space<smem>>
      %mul3A_383 = arith.constant 16 : i32
      %mul3A_384 = arith.muli %get3A_319, %mul3A_383 : i32
      %add3A_385 = arith.constant 9 : i32
      %add3A_386 = arith.addi %mul3A_384, %add3A_385 : i32
      %get3A_387 = arith.index_cast %get3A_317 : i32 to index
      %get3A_388 = arith.index_cast %add3A_386 : i32 to index
      %get3A_389 = memref.load %arg4[%get3A_387, %get3A_388] : memref<16x128xi32, #tpu.memory_space<smem>>
      %mul3A_390 = arith.constant 16 : i32
      %mul3A_391 = arith.muli %get3A_319, %mul3A_390 : i32
      %add3A_392 = arith.constant 10 : i32
      %add3A_393 = arith.addi %mul3A_391, %add3A_392 : i32
      %get3A_394 = arith.index_cast %get3A_317 : i32 to index
      %get3A_395 = arith.index_cast %add3A_393 : i32 to index
      %get3A_396 = memref.load %arg4[%get3A_394, %get3A_395] : memref<16x128xi32, #tpu.memory_space<smem>>
      %mul3A_397 = arith.constant 16 : i32
      %mul3A_398 = arith.muli %get3A_319, %mul3A_397 : i32
      %add3A_399 = arith.constant 11 : i32
      %add3A_400 = arith.addi %mul3A_398, %add3A_399 : i32
      %get3A_401 = arith.index_cast %get3A_317 : i32 to index
      %get3A_402 = arith.index_cast %add3A_400 : i32 to index
      %get3A_403 = memref.load %arg4[%get3A_401, %get3A_402] : memref<16x128xi32, #tpu.memory_space<smem>>
      %mul3A_404 = arith.constant 16 : i32
      %mul3A_405 = arith.muli %get3A_319, %mul3A_404 : i32
      %add3A_406 = arith.constant 12 : i32
      %add3A_407 = arith.addi %mul3A_405, %add3A_406 : i32
      %get3A_408 = arith.index_cast %get3A_317 : i32 to index
      %get3A_409 = arith.index_cast %add3A_407 : i32 to index
      %get3A_410 = memref.load %arg4[%get3A_408, %get3A_409] : memref<16x128xi32, #tpu.memory_space<smem>>
      %mul3A_411 = arith.constant 16 : i32
      %mul3A_412 = arith.muli %get3A_319, %mul3A_411 : i32
      %add3A_413 = arith.constant 13 : i32
      %add3A_414 = arith.addi %mul3A_412, %add3A_413 : i32
      %get3A_415 = arith.index_cast %get3A_317 : i32 to index
      %get3A_416 = arith.index_cast %add3A_414 : i32 to index
      %get3A_417 = memref.load %arg4[%get3A_415, %get3A_416] : memref<16x128xi32, #tpu.memory_space<smem>>
      %mul3A_418 = arith.constant 16 : i32
      %mul3A_419 = arith.muli %get3A_319, %mul3A_418 : i32
      %add3A_420 = arith.constant 14 : i32
      %add3A_421 = arith.addi %mul3A_419, %add3A_420 : i32
      %get3A_422 = arith.index_cast %get3A_317 : i32 to index
      %get3A_423 = arith.index_cast %add3A_421 : i32 to index
      %get3A_424 = memref.load %arg4[%get3A_422, %get3A_423] : memref<16x128xi32, #tpu.memory_space<smem>>
      %mul3A_425 = arith.constant 16 : i32
      %mul3A_426 = arith.muli %get3A_319, %mul3A_425 : i32
      %add3A_427 = arith.constant 15 : i32
      %add3A_428 = arith.addi %mul3A_426, %add3A_427 : i32
      %get3A_429 = arith.index_cast %get3A_317 : i32 to index
      %get3A_430 = arith.index_cast %add3A_428 : i32 to index
      %get3A_431 = memref.load %arg4[%get3A_429, %get3A_430] : memref<16x128xi32, #tpu.memory_space<smem>>
      %dma_start3A_432 = tpu.memref_slice %arg22[%rem3A_315] : memref<4x!tpu.dma_semaphore, #tpu.memory_space<semaphore_mem>> -> memref<1x!tpu.dma_semaphore, #tpu.memory_space<semaphore_mem>>
      %dma_start3A_433 = tpu.memref_squeeze %dma_start3A_432 : memref<1x!tpu.dma_semaphore, #tpu.memory_space<semaphore_mem>> -> memref<!tpu.dma_semaphore, #tpu.memory_space<semaphore_mem>>
      %dma_start3A_434 = arith.constant 0 : i32
      %dma_start3A_435 = arith.constant 0 : i32
      %dma_start3A_436 = arith.constant 0 : i32
      %dma_start3A_437 = tpu.memref_slice %arg14[%rem3A_315, %dma_start3A_434, %dma_start3A_435, %dma_start3A_436] : memref<4x2x256x1024xbf16, #tpu.memory_space<vmem>> -> memref<1x2x16x1024xbf16, #tpu.memory_space<vmem>>
      %dma_start3A_438 = tpu.memref_squeeze %dma_start3A_437 : memref<1x2x16x1024xbf16, #tpu.memory_space<vmem>> -> memref<2x16x1024xbf16, #tpu.memory_space<vmem>>
      %dma_start3A_439 = arith.constant 0 : i32
      %dma_start3A_440 = arith.constant 0 : i32
      %dma_start3A_441 = arith.constant 0 : i32
      %dma_start3A_442 = tpu.memref_slice %arg12[%get3A_326, %dma_start3A_439, %dma_start3A_440, %dma_start3A_441] : memref<2048x2x16x1024xbf16, #tpu.memory_space<any>> -> memref<1x2x16x1024xbf16, #tpu.memory_space<any>>
      %dma_start3A_443 = tpu.memref_squeeze %dma_start3A_442 : memref<1x2x16x1024xbf16, #tpu.memory_space<any>> -> memref<2x16x1024xbf16, #tpu.memory_space<any>>
      tpu.enqueue_dma source(%dma_start3A_443 : memref<2x16x1024xbf16, #tpu.memory_space<any>>) target(%dma_start3A_438 : memref<2x16x1024xbf16, #tpu.memory_space<vmem>>) target_semaphore(%dma_start3A_433 : memref<!tpu.dma_semaphore, #tpu.memory_space<semaphore_mem>>)
      %dma_start3A_444 = tpu.memref_slice %arg22[%rem3A_315] : memref<4x!tpu.dma_semaphore, #tpu.memory_space<semaphore_mem>> -> memref<1x!tpu.dma_semaphore, #tpu.memory_space<semaphore_mem>>
      %dma_start3A_445 = tpu.memref_squeeze %dma_start3A_444 : memref<1x!tpu.dma_semaphore, #tpu.memory_space<semaphore_mem>> -> memref<!tpu.dma_semaphore, #tpu.memory_space<semaphore_mem>>
      %dma_start3A_446 = arith.constant 0 : i32
      %dma_start3A_447 = arith.constant 16 : i32
      %dma_start3A_448 = arith.constant 0 : i32
      %dma_start3A_449 = tpu.memref_slice %arg14[%rem3A_315, %dma_start3A_446, %dma_start3A_447, %dma_start3A_448] : memref<4x2x256x1024xbf16, #tpu.memory_space<vmem>> -> memref<1x2x16x1024xbf16, #tpu.memory_space<vmem>>
      %dma_start3A_450 = tpu.memref_squeeze %dma_start3A_449 : memref<1x2x16x1024xbf16, #tpu.memory_space<vmem>> -> memref<2x16x1024xbf16, #tpu.memory_space<vmem>>
      %dma_start3A_451 = arith.constant 0 : i32
      %dma_start3A_452 = arith.constant 0 : i32
      %dma_start3A_453 = arith.constant 0 : i32
      %dma_start3A_454 = tpu.memref_slice %arg12[%get3A_333, %dma_start3A_451, %dma_start3A_452, %dma_start3A_453] : memref<2048x2x16x1024xbf16, #tpu.memory_space<any>> -> memref<1x2x16x1024xbf16, #tpu.memory_space<any>>
      %dma_start3A_455 = tpu.memref_squeeze %dma_start3A_454 : memref<1x2x16x1024xbf16, #tpu.memory_space<any>> -> memref<2x16x1024xbf16, #tpu.memory_space<any>>
      tpu.enqueue_dma source(%dma_start3A_455 : memref<2x16x1024xbf16, #tpu.memory_space<any>>) target(%dma_start3A_450 : memref<2x16x1024xbf16, #tpu.memory_space<vmem>>) target_semaphore(%dma_start3A_445 : memref<!tpu.dma_semaphore, #tpu.memory_space<semaphore_mem>>)
      %dma_start3A_456 = tpu.memref_slice %arg22[%rem3A_315] : memref<4x!tpu.dma_semaphore, #tpu.memory_space<semaphore_mem>> -> memref<1x!tpu.dma_semaphore, #tpu.memory_space<semaphore_mem>>
      %dma_start3A_457 = tpu.memref_squeeze %dma_start3A_456 : memref<1x!tpu.dma_semaphore, #tpu.memory_space<semaphore_mem>> -> memref<!tpu.dma_semaphore, #tpu.memory_space<semaphore_mem>>
      %dma_start3A_458 = arith.constant 0 : i32
      %dma_start3A_459 = arith.constant 32 : i32
      %dma_start3A_460 = arith.constant 0 : i32
      %dma_start3A_461 = tpu.memref_slice %arg14[%rem3A_315, %dma_start3A_458, %dma_start3A_459, %dma_start3A_460] : memref<4x2x256x1024xbf16, #tpu.memory_space<vmem>> -> memref<1x2x16x1024xbf16, #tpu.memory_space<vmem>>
      %dma_start3A_462 = tpu.memref_squeeze %dma_start3A_461 : memref<1x2x16x1024xbf16, #tpu.memory_space<vmem>> -> memref<2x16x1024xbf16, #tpu.memory_space<vmem>>
      %dma_start3A_463 = arith.constant 0 : i32
      %dma_start3A_464 = arith.constant 0 : i32
      %dma_start3A_465 = arith.constant 0 : i32
      %dma_start3A_466 = tpu.memref_slice %arg12[%get3A_340, %dma_start3A_463, %dma_start3A_464, %dma_start3A_465] : memref<2048x2x16x1024xbf16, #tpu.memory_space<any>> -> memref<1x2x16x1024xbf16, #tpu.memory_space<any>>
      %dma_start3A_467 = tpu.memref_squeeze %dma_start3A_466 : memref<1x2x16x1024xbf16, #tpu.memory_space<any>> -> memref<2x16x1024xbf16, #tpu.memory_space<any>>
      tpu.enqueue_dma source(%dma_start3A_467 : memref<2x16x1024xbf16, #tpu.memory_space<any>>) target(%dma_start3A_462 : memref<2x16x1024xbf16, #tpu.memory_space<vmem>>) target_semaphore(%dma_start3A_457 : memref<!tpu.dma_semaphore, #tpu.memory_space<semaphore_mem>>)
      %dma_start3A_468 = tpu.memref_slice %arg22[%rem3A_315] : memref<4x!tpu.dma_semaphore, #tpu.memory_space<semaphore_mem>> -> memref<1x!tpu.dma_semaphore, #tpu.memory_space<semaphore_mem>>
      %dma_start3A_469 = tpu.memref_squeeze %dma_start3A_468 : memref<1x!tpu.dma_semaphore, #tpu.memory_space<semaphore_mem>> -> memref<!tpu.dma_semaphore, #tpu.memory_space<semaphore_mem>>
      %dma_start3A_470 = arith.constant 0 : i32
      %dma_start3A_471 = arith.constant 48 : i32
      %dma_start3A_472 = arith.constant 0 : i32
      %dma_start3A_473 = tpu.memref_slice %arg14[%rem3A_315, %dma_start3A_470, %dma_start3A_471, %dma_start3A_472] : memref<4x2x256x1024xbf16, #tpu.memory_space<vmem>> -> memref<1x2x16x1024xbf16, #tpu.memory_space<vmem>>
      %dma_start3A_474 = tpu.memref_squeeze %dma_start3A_473 : memref<1x2x16x1024xbf16, #tpu.memory_space<vmem>> -> memref<2x16x1024xbf16, #tpu.memory_space<vmem>>
      %dma_start3A_475 = arith.constant 0 : i32
      %dma_start3A_476 = arith.constant 0 : i32
      %dma_start3A_477 = arith.constant 0 : i32
      %dma_start3A_478 = tpu.memref_slice %arg12[%get3A_347, %dma_start3A_475, %dma_start3A_476, %dma_start3A_477] : memref<2048x2x16x1024xbf16, #tpu.memory_space<any>> -> memref<1x2x16x1024xbf16, #tpu.memory_space<any>>
      %dma_start3A_479 = tpu.memref_squeeze %dma_start3A_478 : memref<1x2x16x1024xbf16, #tpu.memory_space<any>> -> memref<2x16x1024xbf16, #tpu.memory_space<any>>
      tpu.enqueue_dma source(%dma_start3A_479 : memref<2x16x1024xbf16, #tpu.memory_space<any>>) target(%dma_start3A_474 : memref<2x16x1024xbf16, #tpu.memory_space<vmem>>) target_semaphore(%dma_start3A_469 : memref<!tpu.dma_semaphore, #tpu.memory_space<semaphore_mem>>)
      %dma_start3A_480 = tpu.memref_slice %arg22[%rem3A_315] : memref<4x!tpu.dma_semaphore, #tpu.memory_space<semaphore_mem>> -> memref<1x!tpu.dma_semaphore, #tpu.memory_space<semaphore_mem>>
      %dma_start3A_481 = tpu.memref_squeeze %dma_start3A_480 : memref<1x!tpu.dma_semaphore, #tpu.memory_space<semaphore_mem>> -> memref<!tpu.dma_semaphore, #tpu.memory_space<semaphore_mem>>
      %dma_start3A_482 = arith.constant 0 : i32
      %dma_start3A_483 = arith.constant 64 : i32
      %dma_start3A_484 = arith.constant 0 : i32
      %dma_start3A_485 = tpu.memref_slice %arg14[%rem3A_315, %dma_start3A_482, %dma_start3A_483, %dma_start3A_484] : memref<4x2x256x1024xbf16, #tpu.memory_space<vmem>> -> memref<1x2x16x1024xbf16, #tpu.memory_space<vmem>>
      %dma_start3A_486 = tpu.memref_squeeze %dma_start3A_485 : memref<1x2x16x1024xbf16, #tpu.memory_space<vmem>> -> memref<2x16x1024xbf16, #tpu.memory_space<vmem>>
      %dma_start3A_487 = arith.constant 0 : i32
      %dma_start3A_488 = arith.constant 0 : i32
      %dma_start3A_489 = arith.constant 0 : i32
      %dma_start3A_490 = tpu.memref_slice %arg12[%get3A_354, %dma_start3A_487, %dma_start3A_488, %dma_start3A_489] : memref<2048x2x16x1024xbf16, #tpu.memory_space<any>> -> memref<1x2x16x1024xbf16, #tpu.memory_space<any>>
      %dma_start3A_491 = tpu.memref_squeeze %dma_start3A_490 : memref<1x2x16x1024xbf16, #tpu.memory_space<any>> -> memref<2x16x1024xbf16, #tpu.memory_space<any>>
      tpu.enqueue_dma source(%dma_start3A_491 : memref<2x16x1024xbf16, #tpu.memory_space<any>>) target(%dma_start3A_486 : memref<2x16x1024xbf16, #tpu.memory_space<vmem>>) target_semaphore(%dma_start3A_481 : memref<!tpu.dma_semaphore, #tpu.memory_space<semaphore_mem>>)
      %dma_start3A_492 = tpu.memref_slice %arg22[%rem3A_315] : memref<4x!tpu.dma_semaphore, #tpu.memory_space<semaphore_mem>> -> memref<1x!tpu.dma_semaphore, #tpu.memory_space<semaphore_mem>>
      %dma_start3A_493 = tpu.memref_squeeze %dma_start3A_492 : memref<1x!tpu.dma_semaphore, #tpu.memory_space<semaphore_mem>> -> memref<!tpu.dma_semaphore, #tpu.memory_space<semaphore_mem>>
      %dma_start3A_494 = arith.constant 0 : i32
      %dma_start3A_495 = arith.constant 80 : i32
      %dma_start3A_496 = arith.constant 0 : i32
      %dma_start3A_497 = tpu.memref_slice %arg14[%rem3A_315, %dma_start3A_494, %dma_start3A_495, %dma_start3A_496] : memref<4x2x256x1024xbf16, #tpu.memory_space<vmem>> -> memref<1x2x16x1024xbf16, #tpu.memory_space<vmem>>
      %dma_start3A_498 = tpu.memref_squeeze %dma_start3A_497 : memref<1x2x16x1024xbf16, #tpu.memory_space<vmem>> -> memref<2x16x1024xbf16, #tpu.memory_space<vmem>>
      %dma_start3A_499 = arith.constant 0 : i32
      %dma_start3A_500 = arith.constant 0 : i32
      %dma_start3A_501 = arith.constant 0 : i32
      %dma_start3A_502 = tpu.memref_slice %arg12[%get3A_361, %dma_start3A_499, %dma_start3A_500, %dma_start3A_501] : memref<2048x2x16x1024xbf16, #tpu.memory_space<any>> -> memref<1x2x16x1024xbf16, #tpu.memory_space<any>>
      %dma_start3A_503 = tpu.memref_squeeze %dma_start3A_502 : memref<1x2x16x1024xbf16, #tpu.memory_space<any>> -> memref<2x16x1024xbf16, #tpu.memory_space<any>>
      tpu.enqueue_dma source(%dma_start3A_503 : memref<2x16x1024xbf16, #tpu.memory_space<any>>) target(%dma_start3A_498 : memref<2x16x1024xbf16, #tpu.memory_space<vmem>>) target_semaphore(%dma_start3A_493 : memref<!tpu.dma_semaphore, #tpu.memory_space<semaphore_mem>>)
      %dma_start3A_504 = tpu.memref_slice %arg22[%rem3A_315] : memref<4x!tpu.dma_semaphore, #tpu.memory_space<semaphore_mem>> -> memref<1x!tpu.dma_semaphore, #tpu.memory_space<semaphore_mem>>
      %dma_start3A_505 = tpu.memref_squeeze %dma_start3A_504 : memref<1x!tpu.dma_semaphore, #tpu.memory_space<semaphore_mem>> -> memref<!tpu.dma_semaphore, #tpu.memory_space<semaphore_mem>>
      %dma_start3A_506 = arith.constant 0 : i32
      %dma_start3A_507 = arith.constant 96 : i32
      %dma_start3A_508 = arith.constant 0 : i32
      %dma_start3A_509 = tpu.memref_slice %arg14[%rem3A_315, %dma_start3A_506, %dma_start3A_507, %dma_start3A_508] : memref<4x2x256x1024xbf16, #tpu.memory_space<vmem>> -> memref<1x2x16x1024xbf16, #tpu.memory_space<vmem>>
      %dma_start3A_510 = tpu.memref_squeeze %dma_start3A_509 : memref<1x2x16x1024xbf16, #tpu.memory_space<vmem>> -> memref<2x16x1024xbf16, #tpu.memory_space<vmem>>
      %dma_start3A_511 = arith.constant 0 : i32
      %dma_start3A_512 = arith.constant 0 : i32
      %dma_start3A_513 = arith.constant 0 : i32
      %dma_start3A_514 = tpu.memref_slice %arg12[%get3A_368, %dma_start3A_511, %dma_start3A_512, %dma_start3A_513] : memref<2048x2x16x1024xbf16, #tpu.memory_space<any>> -> memref<1x2x16x1024xbf16, #tpu.memory_space<any>>
      %dma_start3A_515 = tpu.memref_squeeze %dma_start3A_514 : memref<1x2x16x1024xbf16, #tpu.memory_space<any>> -> memref<2x16x1024xbf16, #tpu.memory_space<any>>
      tpu.enqueue_dma source(%dma_start3A_515 : memref<2x16x1024xbf16, #tpu.memory_space<any>>) target(%dma_start3A_510 : memref<2x16x1024xbf16, #tpu.memory_space<vmem>>) target_semaphore(%dma_start3A_505 : memref<!tpu.dma_semaphore, #tpu.memory_space<semaphore_mem>>)
      %dma_start3A_516 = tpu.memref_slice %arg22[%rem3A_315] : memref<4x!tpu.dma_semaphore, #tpu.memory_space<semaphore_mem>> -> memref<1x!tpu.dma_semaphore, #tpu.memory_space<semaphore_mem>>
      %dma_start3A_517 = tpu.memref_squeeze %dma_start3A_516 : memref<1x!tpu.dma_semaphore, #tpu.memory_space<semaphore_mem>> -> memref<!tpu.dma_semaphore, #tpu.memory_space<semaphore_mem>>
      %dma_start3A_518 = arith.constant 0 : i32
      %dma_start3A_519 = arith.constant 112 : i32
      %dma_start3A_520 = arith.constant 0 : i32
      %dma_start3A_521 = tpu.memref_slice %arg14[%rem3A_315, %dma_start3A_518, %dma_start3A_519, %dma_start3A_520] : memref<4x2x256x1024xbf16, #tpu.memory_space<vmem>> -> memref<1x2x16x1024xbf16, #tpu.memory_space<vmem>>
      %dma_start3A_522 = tpu.memref_squeeze %dma_start3A_521 : memref<1x2x16x1024xbf16, #tpu.memory_space<vmem>> -> memref<2x16x1024xbf16, #tpu.memory_space<vmem>>
      %dma_start3A_523 = arith.constant 0 : i32
      %dma_start3A_524 = arith.constant 0 : i32
      %dma_start3A_525 = arith.constant 0 : i32
      %dma_start3A_526 = tpu.memref_slice %arg12[%get3A_375, %dma_start3A_523, %dma_start3A_524, %dma_start3A_525] : memref<2048x2x16x1024xbf16, #tpu.memory_space<any>> -> memref<1x2x16x1024xbf16, #tpu.memory_space<any>>
      %dma_start3A_527 = tpu.memref_squeeze %dma_start3A_526 : memref<1x2x16x1024xbf16, #tpu.memory_space<any>> -> memref<2x16x1024xbf16, #tpu.memory_space<any>>
      tpu.enqueue_dma source(%dma_start3A_527 : memref<2x16x1024xbf16, #tpu.memory_space<any>>) target(%dma_start3A_522 : memref<2x16x1024xbf16, #tpu.memory_space<vmem>>) target_semaphore(%dma_start3A_517 : memref<!tpu.dma_semaphore, #tpu.memory_space<semaphore_mem>>)
      %dma_start3A_528 = tpu.memref_slice %arg22[%rem3A_315] : memref<4x!tpu.dma_semaphore, #tpu.memory_space<semaphore_mem>> -> memref<1x!tpu.dma_semaphore, #tpu.memory_space<semaphore_mem>>
      %dma_start3A_529 = tpu.memref_squeeze %dma_start3A_528 : memref<1x!tpu.dma_semaphore, #tpu.memory_space<semaphore_mem>> -> memref<!tpu.dma_semaphore, #tpu.memory_space<semaphore_mem>>
      %dma_start3A_530 = arith.constant 0 : i32
      %dma_start3A_531 = arith.constant 128 : i32
      %dma_start3A_532 = arith.constant 0 : i32
      %dma_start3A_533 = tpu.memref_slice %arg14[%rem3A_315, %dma_start3A_530, %dma_start3A_531, %dma_start3A_532] : memref<4x2x256x1024xbf16, #tpu.memory_space<vmem>> -> memref<1x2x16x1024xbf16, #tpu.memory_space<vmem>>
      %dma_start3A_534 = tpu.memref_squeeze %dma_start3A_533 : memref<1x2x16x1024xbf16, #tpu.memory_space<vmem>> -> memref<2x16x1024xbf16, #tpu.memory_space<vmem>>
      %dma_start3A_535 = arith.constant 0 : i32
      %dma_start3A_536 = arith.constant 0 : i32
      %dma_start3A_537 = arith.constant 0 : i32
      %dma_start3A_538 = tpu.memref_slice %arg12[%get3A_382, %dma_start3A_535, %dma_start3A_536, %dma_start3A_537] : memref<2048x2x16x1024xbf16, #tpu.memory_space<any>> -> memref<1x2x16x1024xbf16, #tpu.memory_space<any>>
      %dma_start3A_539 = tpu.memref_squeeze %dma_start3A_538 : memref<1x2x16x1024xbf16, #tpu.memory_space<any>> -> memref<2x16x1024xbf16, #tpu.memory_space<any>>
      tpu.enqueue_dma source(%dma_start3A_539 : memref<2x16x1024xbf16, #tpu.memory_space<any>>) target(%dma_start3A_534 : memref<2x16x1024xbf16, #tpu.memory_space<vmem>>) target_semaphore(%dma_start3A_529 : memref<!tpu.dma_semaphore, #tpu.memory_space<semaphore_mem>>)
      %dma_start3A_540 = tpu.memref_slice %arg22[%rem3A_315] : memref<4x!tpu.dma_semaphore, #tpu.memory_space<semaphore_mem>> -> memref<1x!tpu.dma_semaphore, #tpu.memory_space<semaphore_mem>>
      %dma_start3A_541 = tpu.memref_squeeze %dma_start3A_540 : memref<1x!tpu.dma_semaphore, #tpu.memory_space<semaphore_mem>> -> memref<!tpu.dma_semaphore, #tpu.memory_space<semaphore_mem>>
      %dma_start3A_542 = arith.constant 0 : i32
      %dma_start3A_543 = arith.constant 144 : i32
      %dma_start3A_544 = arith.constant 0 : i32
      %dma_start3A_545 = tpu.memref_slice %arg14[%rem3A_315, %dma_start3A_542, %dma_start3A_543, %dma_start3A_544] : memref<4x2x256x1024xbf16, #tpu.memory_space<vmem>> -> memref<1x2x16x1024xbf16, #tpu.memory_space<vmem>>
      %dma_start3A_546 = tpu.memref_squeeze %dma_start3A_545 : memref<1x2x16x1024xbf16, #tpu.memory_space<vmem>> -> memref<2x16x1024xbf16, #tpu.memory_space<vmem>>
      %dma_start3A_547 = arith.constant 0 : i32
      %dma_start3A_548 = arith.constant 0 : i32
      %dma_start3A_549 = arith.constant 0 : i32
      %dma_start3A_550 = tpu.memref_slice %arg12[%get3A_389, %dma_start3A_547, %dma_start3A_548, %dma_start3A_549] : memref<2048x2x16x1024xbf16, #tpu.memory_space<any>> -> memref<1x2x16x1024xbf16, #tpu.memory_space<any>>
      %dma_start3A_551 = tpu.memref_squeeze %dma_start3A_550 : memref<1x2x16x1024xbf16, #tpu.memory_space<any>> -> memref<2x16x1024xbf16, #tpu.memory_space<any>>
      tpu.enqueue_dma source(%dma_start3A_551 : memref<2x16x1024xbf16, #tpu.memory_space<any>>) target(%dma_start3A_546 : memref<2x16x1024xbf16, #tpu.memory_space<vmem>>) target_semaphore(%dma_start3A_541 : memref<!tpu.dma_semaphore, #tpu.memory_space<semaphore_mem>>)
      %dma_start3A_552 = tpu.memref_slice %arg22[%rem3A_315] : memref<4x!tpu.dma_semaphore, #tpu.memory_space<semaphore_mem>> -> memref<1x!tpu.dma_semaphore, #tpu.memory_space<semaphore_mem>>
      %dma_start3A_553 = tpu.memref_squeeze %dma_start3A_552 : memref<1x!tpu.dma_semaphore, #tpu.memory_space<semaphore_mem>> -> memref<!tpu.dma_semaphore, #tpu.memory_space<semaphore_mem>>
      %dma_start3A_554 = arith.constant 0 : i32
      %dma_start3A_555 = arith.constant 160 : i32
      %dma_start3A_556 = arith.constant 0 : i32
      %dma_start3A_557 = tpu.memref_slice %arg14[%rem3A_315, %dma_start3A_554, %dma_start3A_555, %dma_start3A_556] : memref<4x2x256x1024xbf16, #tpu.memory_space<vmem>> -> memref<1x2x16x1024xbf16, #tpu.memory_space<vmem>>
      %dma_start3A_558 = tpu.memref_squeeze %dma_start3A_557 : memref<1x2x16x1024xbf16, #tpu.memory_space<vmem>> -> memref<2x16x1024xbf16, #tpu.memory_space<vmem>>
      %dma_start3A_559 = arith.constant 0 : i32
      %dma_start3A_560 = arith.constant 0 : i32
      %dma_start3A_561 = arith.constant 0 : i32
      %dma_start3A_562 = tpu.memref_slice %arg12[%get3A_396, %dma_start3A_559, %dma_start3A_560, %dma_start3A_561] : memref<2048x2x16x1024xbf16, #tpu.memory_space<any>> -> memref<1x2x16x1024xbf16, #tpu.memory_space<any>>
      %dma_start3A_563 = tpu.memref_squeeze %dma_start3A_562 : memref<1x2x16x1024xbf16, #tpu.memory_space<any>> -> memref<2x16x1024xbf16, #tpu.memory_space<any>>
      tpu.enqueue_dma source(%dma_start3A_563 : memref<2x16x1024xbf16, #tpu.memory_space<any>>) target(%dma_start3A_558 : memref<2x16x1024xbf16, #tpu.memory_space<vmem>>) target_semaphore(%dma_start3A_553 : memref<!tpu.dma_semaphore, #tpu.memory_space<semaphore_mem>>)
      %dma_start3A_564 = tpu.memref_slice %arg22[%rem3A_315] : memref<4x!tpu.dma_semaphore, #tpu.memory_space<semaphore_mem>> -> memref<1x!tpu.dma_semaphore, #tpu.memory_space<semaphore_mem>>
      %dma_start3A_565 = tpu.memref_squeeze %dma_start3A_564 : memref<1x!tpu.dma_semaphore, #tpu.memory_space<semaphore_mem>> -> memref<!tpu.dma_semaphore, #tpu.memory_space<semaphore_mem>>
      %dma_start3A_566 = arith.constant 0 : i32
      %dma_start3A_567 = arith.constant 176 : i32
      %dma_start3A_568 = arith.constant 0 : i32
      %dma_start3A_569 = tpu.memref_slice %arg14[%rem3A_315, %dma_start3A_566, %dma_start3A_567, %dma_start3A_568] : memref<4x2x256x1024xbf16, #tpu.memory_space<vmem>> -> memref<1x2x16x1024xbf16, #tpu.memory_space<vmem>>
      %dma_start3A_570 = tpu.memref_squeeze %dma_start3A_569 : memref<1x2x16x1024xbf16, #tpu.memory_space<vmem>> -> memref<2x16x1024xbf16, #tpu.memory_space<vmem>>
      %dma_start3A_571 = arith.constant 0 : i32
      %dma_start3A_572 = arith.constant 0 : i32
      %dma_start3A_573 = arith.constant 0 : i32
      %dma_start3A_574 = tpu.memref_slice %arg12[%get3A_403, %dma_start3A_571, %dma_start3A_572, %dma_start3A_573] : memref<2048x2x16x1024xbf16, #tpu.memory_space<any>> -> memref<1x2x16x1024xbf16, #tpu.memory_space<any>>
      %dma_start3A_575 = tpu.memref_squeeze %dma_start3A_574 : memref<1x2x16x1024xbf16, #tpu.memory_space<any>> -> memref<2x16x1024xbf16, #tpu.memory_space<any>>
      tpu.enqueue_dma source(%dma_start3A_575 : memref<2x16x1024xbf16, #tpu.memory_space<any>>) target(%dma_start3A_570 : memref<2x16x1024xbf16, #tpu.memory_space<vmem>>) target_semaphore(%dma_start3A_565 : memref<!tpu.dma_semaphore, #tpu.memory_space<semaphore_mem>>)
      %dma_start3A_576 = tpu.memref_slice %arg22[%rem3A_315] : memref<4x!tpu.dma_semaphore, #tpu.memory_space<semaphore_mem>> -> memref<1x!tpu.dma_semaphore, #tpu.memory_space<semaphore_mem>>
      %dma_start3A_577 = tpu.memref_squeeze %dma_start3A_576 : memref<1x!tpu.dma_semaphore, #tpu.memory_space<semaphore_mem>> -> memref<!tpu.dma_semaphore, #tpu.memory_space<semaphore_mem>>
      %dma_start3A_578 = arith.constant 0 : i32
      %dma_start3A_579 = arith.constant 192 : i32
      %dma_start3A_580 = arith.constant 0 : i32
      %dma_start3A_581 = tpu.memref_slice %arg14[%rem3A_315, %dma_start3A_578, %dma_start3A_579, %dma_start3A_580] : memref<4x2x256x1024xbf16, #tpu.memory_space<vmem>> -> memref<1x2x16x1024xbf16, #tpu.memory_space<vmem>>
      %dma_start3A_582 = tpu.memref_squeeze %dma_start3A_581 : memref<1x2x16x1024xbf16, #tpu.memory_space<vmem>> -> memref<2x16x1024xbf16, #tpu.memory_space<vmem>>
      %dma_start3A_583 = arith.constant 0 : i32
      %dma_start3A_584 = arith.constant 0 : i32
      %dma_start3A_585 = arith.constant 0 : i32
      %dma_start3A_586 = tpu.memref_slice %arg12[%get3A_410, %dma_start3A_583, %dma_start3A_584, %dma_start3A_585] : memref<2048x2x16x1024xbf16, #tpu.memory_space<any>> -> memref<1x2x16x1024xbf16, #tpu.memory_space<any>>
      %dma_start3A_587 = tpu.memref_squeeze %dma_start3A_586 : memref<1x2x16x1024xbf16, #tpu.memory_space<any>> -> memref<2x16x1024xbf16, #tpu.memory_space<any>>
      tpu.enqueue_dma source(%dma_start3A_587 : memref<2x16x1024xbf16, #tpu.memory_space<any>>) target(%dma_start3A_582 : memref<2x16x1024xbf16, #tpu.memory_space<vmem>>) target_semaphore(%dma_start3A_577 : memref<!tpu.dma_semaphore, #tpu.memory_space<semaphore_mem>>)
      %dma_start3A_588 = tpu.memref_slice %arg22[%rem3A_315] : memref<4x!tpu.dma_semaphore, #tpu.memory_space<semaphore_mem>> -> memref<1x!tpu.dma_semaphore, #tpu.memory_space<semaphore_mem>>
      %dma_start3A_589 = tpu.memref_squeeze %dma_start3A_588 : memref<1x!tpu.dma_semaphore, #tpu.memory_space<semaphore_mem>> -> memref<!tpu.dma_semaphore, #tpu.memory_space<semaphore_mem>>
      %dma_start3A_590 = arith.constant 0 : i32
      %dma_start3A_591 = arith.constant 208 : i32
      %dma_start3A_592 = arith.constant 0 : i32
      %dma_start3A_593 = tpu.memref_slice %arg14[%rem3A_315, %dma_start3A_590, %dma_start3A_591, %dma_start3A_592] : memref<4x2x256x1024xbf16, #tpu.memory_space<vmem>> -> memref<1x2x16x1024xbf16, #tpu.memory_space<vmem>>
      %dma_start3A_594 = tpu.memref_squeeze %dma_start3A_593 : memref<1x2x16x1024xbf16, #tpu.memory_space<vmem>> -> memref<2x16x1024xbf16, #tpu.memory_space<vmem>>
      %dma_start3A_595 = arith.constant 0 : i32
      %dma_start3A_596 = arith.constant 0 : i32
      %dma_start3A_597 = arith.constant 0 : i32
      %dma_start3A_598 = tpu.memref_slice %arg12[%get3A_417, %dma_start3A_595, %dma_start3A_596, %dma_start3A_597] : memref<2048x2x16x1024xbf16, #tpu.memory_space<any>> -> memref<1x2x16x1024xbf16, #tpu.memory_space<any>>
      %dma_start3A_599 = tpu.memref_squeeze %dma_start3A_598 : memref<1x2x16x1024xbf16, #tpu.memory_space<any>> -> memref<2x16x1024xbf16, #tpu.memory_space<any>>
      tpu.enqueue_dma source(%dma_start3A_599 : memref<2x16x1024xbf16, #tpu.memory_space<any>>) target(%dma_start3A_594 : memref<2x16x1024xbf16, #tpu.memory_space<vmem>>) target_semaphore(%dma_start3A_589 : memref<!tpu.dma_semaphore, #tpu.memory_space<semaphore_mem>>)
      %dma_start3A_600 = tpu.memref_slice %arg22[%rem3A_315] : memref<4x!tpu.dma_semaphore, #tpu.memory_space<semaphore_mem>> -> memref<1x!tpu.dma_semaphore, #tpu.memory_space<semaphore_mem>>
      %dma_start3A_601 = tpu.memref_squeeze %dma_start3A_600 : memref<1x!tpu.dma_semaphore, #tpu.memory_space<semaphore_mem>> -> memref<!tpu.dma_semaphore, #tpu.memory_space<semaphore_mem>>
      %dma_start3A_602 = arith.constant 0 : i32
      %dma_start3A_603 = arith.constant 224 : i32
      %dma_start3A_604 = arith.constant 0 : i32
      %dma_start3A_605 = tpu.memref_slice %arg14[%rem3A_315, %dma_start3A_602, %dma_start3A_603, %dma_start3A_604] : memref<4x2x256x1024xbf16, #tpu.memory_space<vmem>> -> memref<1x2x16x1024xbf16, #tpu.memory_space<vmem>>
      %dma_start3A_606 = tpu.memref_squeeze %dma_start3A_605 : memref<1x2x16x1024xbf16, #tpu.memory_space<vmem>> -> memref<2x16x1024xbf16, #tpu.memory_space<vmem>>
      %dma_start3A_607 = arith.constant 0 : i32
      %dma_start3A_608 = arith.constant 0 : i32
      %dma_start3A_609 = arith.constant 0 : i32
      %dma_start3A_610 = tpu.memref_slice %arg12[%get3A_424, %dma_start3A_607, %dma_start3A_608, %dma_start3A_609] : memref<2048x2x16x1024xbf16, #tpu.memory_space<any>> -> memref<1x2x16x1024xbf16, #tpu.memory_space<any>>
      %dma_start3A_611 = tpu.memref_squeeze %dma_start3A_610 : memref<1x2x16x1024xbf16, #tpu.memory_space<any>> -> memref<2x16x1024xbf16, #tpu.memory_space<any>>
      tpu.enqueue_dma source(%dma_start3A_611 : memref<2x16x1024xbf16, #tpu.memory_space<any>>) target(%dma_start3A_606 : memref<2x16x1024xbf16, #tpu.memory_space<vmem>>) target_semaphore(%dma_start3A_601 : memref<!tpu.dma_semaphore, #tpu.memory_space<semaphore_mem>>)
      %dma_start3A_612 = tpu.memref_slice %arg22[%rem3A_315] : memref<4x!tpu.dma_semaphore, #tpu.memory_space<semaphore_mem>> -> memref<1x!tpu.dma_semaphore, #tpu.memory_space<semaphore_mem>>
      %dma_start3A_613 = tpu.memref_squeeze %dma_start3A_612 : memref<1x!tpu.dma_semaphore, #tpu.memory_space<semaphore_mem>> -> memref<!tpu.dma_semaphore, #tpu.memory_space<semaphore_mem>>
      %dma_start3A_614 = arith.constant 0 : i32
      %dma_start3A_615 = arith.constant 240 : i32
      %dma_start3A_616 = arith.constant 0 : i32
      %dma_start3A_617 = tpu.memref_slice %arg14[%rem3A_315, %dma_start3A_614, %dma_start3A_615, %dma_start3A_616] : memref<4x2x256x1024xbf16, #tpu.memory_space<vmem>> -> memref<1x2x16x1024xbf16, #tpu.memory_space<vmem>>
      %dma_start3A_618 = tpu.memref_squeeze %dma_start3A_617 : memref<1x2x16x1024xbf16, #tpu.memory_space<vmem>> -> memref<2x16x1024xbf16, #tpu.memory_space<vmem>>
      %dma_start3A_619 = arith.constant 0 : i32
      %dma_start3A_620 = arith.constant 0 : i32
      %dma_start3A_621 = arith.constant 0 : i32
      %dma_start3A_622 = tpu.memref_slice %arg12[%get3A_431, %dma_start3A_619, %dma_start3A_620, %dma_start3A_621] : memref<2048x2x16x1024xbf16, #tpu.memory_space<any>> -> memref<1x2x16x1024xbf16, #tpu.memory_space<any>>
      %dma_start3A_623 = tpu.memref_squeeze %dma_start3A_622 : memref<1x2x16x1024xbf16, #tpu.memory_space<any>> -> memref<2x16x1024xbf16, #tpu.memory_space<any>>
      tpu.enqueue_dma source(%dma_start3A_623 : memref<2x16x1024xbf16, #tpu.memory_space<any>>) target(%dma_start3A_618 : memref<2x16x1024xbf16, #tpu.memory_space<vmem>>) target_semaphore(%dma_start3A_613 : memref<!tpu.dma_semaphore, #tpu.memory_space<semaphore_mem>>)
      %rem3A_624 = arith.constant 2 : i32
      %rem3A_625 = arith.constant 4 : i32
      %rem3A_626 = arith.remsi %rem3A_624, %rem3A_625 : i32
      %get3A_627 = arith.constant 2 : index
      %get3A_628 = memref.load %arg1[%get3A_627] : memref<129xi32, #tpu.memory_space<smem>>
      %get3A_629 = arith.constant 2 : index
      %get3A_630 = memref.load %arg2[%get3A_629] : memref<129xi32, #tpu.memory_space<smem>>
      %mul3A_631 = arith.constant 16 : i32
      %mul3A_632 = arith.muli %get3A_630, %mul3A_631 : i32
      %add3A_633 = arith.constant 0 : i32
      %add3A_634 = arith.addi %mul3A_632, %add3A_633 : i32
      %get3A_635 = arith.index_cast %get3A_628 : i32 to index
      %get3A_636 = arith.index_cast %add3A_634 : i32 to index
      %get3A_637 = memref.load %arg4[%get3A_635, %get3A_636] : memref<16x128xi32, #tpu.memory_space<smem>>
      %mul3A_638 = arith.constant 16 : i32
      %mul3A_639 = arith.muli %get3A_630, %mul3A_638 : i32
      %add3A_640 = arith.constant 1 : i32
      %add3A_641 = arith.addi %mul3A_639, %add3A_640 : i32
      %get3A_642 = arith.index_cast %get3A_628 : i32 to index
      %get3A_643 = arith.index_cast %add3A_641 : i32 to index
      %get3A_644 = memref.load %arg4[%get3A_642, %get3A_643] : memref<16x128xi32, #tpu.memory_space<smem>>
      %mul3A_645 = arith.constant 16 : i32
      %mul3A_646 = arith.muli %get3A_630, %mul3A_645 : i32
      %add3A_647 = arith.constant 2 : i32
      %add3A_648 = arith.addi %mul3A_646, %add3A_647 : i32
      %get3A_649 = arith.index_cast %get3A_628 : i32 to index
      %get3A_650 = arith.index_cast %add3A_648 : i32 to index
      %get3A_651 = memref.load %arg4[%get3A_649, %get3A_650] : memref<16x128xi32, #tpu.memory_space<smem>>
      %mul3A_652 = arith.constant 16 : i32
      %mul3A_653 = arith.muli %get3A_630, %mul3A_652 : i32
      %add3A_654 = arith.constant 3 : i32
      %add3A_655 = arith.addi %mul3A_653, %add3A_654 : i32
      %get3A_656 = arith.index_cast %get3A_628 : i32 to index
      %get3A_657 = arith.index_cast %add3A_655 : i32 to index
      %get3A_658 = memref.load %arg4[%get3A_656, %get3A_657] : memref<16x128xi32, #tpu.memory_space<smem>>
      %mul3A_659 = arith.constant 16 : i32
      %mul3A_660 = arith.muli %get3A_630, %mul3A_659 : i32
      %add3A_661 = arith.constant 4 : i32
      %add3A_662 = arith.addi %mul3A_660, %add3A_661 : i32
      %get3A_663 = arith.index_cast %get3A_628 : i32 to index
      %get3A_664 = arith.index_cast %add3A_662 : i32 to index
      %get3A_665 = memref.load %arg4[%get3A_663, %get3A_664] : memref<16x128xi32, #tpu.memory_space<smem>>
      %mul3A_666 = arith.constant 16 : i32
      %mul3A_667 = arith.muli %get3A_630, %mul3A_666 : i32
      %add3A_668 = arith.constant 5 : i32
      %add3A_669 = arith.addi %mul3A_667, %add3A_668 : i32
      %get3A_670 = arith.index_cast %get3A_628 : i32 to index
      %get3A_671 = arith.index_cast %add3A_669 : i32 to index
      %get3A_672 = memref.load %arg4[%get3A_670, %get3A_671] : memref<16x128xi32, #tpu.memory_space<smem>>
      %mul3A_673 = arith.constant 16 : i32
      %mul3A_674 = arith.muli %get3A_630, %mul3A_673 : i32
      %add3A_675 = arith.constant 6 : i32
      %add3A_676 = arith.addi %mul3A_674, %add3A_675 : i32
      %get3A_677 = arith.index_cast %get3A_628 : i32 to index
      %get3A_678 = arith.index_cast %add3A_676 : i32 to index
      %get3A_679 = memref.load %arg4[%get3A_677, %get3A_678] : memref<16x128xi32, #tpu.memory_space<smem>>
      %mul3A_680 = arith.constant 16 : i32
      %mul3A_681 = arith.muli %get3A_630, %mul3A_680 : i32
      %add3A_682 = arith.constant 7 : i32
      %add3A_683 = arith.addi %mul3A_681, %add3A_682 : i32
      %get3A_684 = arith.index_cast %get3A_628 : i32 to index
      %get3A_685 = arith.index_cast %add3A_683 : i32 to index
      %get3A_686 = memref.load %arg4[%get3A_684, %get3A_685] : memref<16x128xi32, #tpu.memory_space<smem>>
      %mul3A_687 = arith.constant 16 : i32
      %mul3A_688 = arith.muli %get3A_630, %mul3A_687 : i32
      %add3A_689 = arith.constant 8 : i32
      %add3A_690 = arith.addi %mul3A_688, %add3A_689 : i32
      %get3A_691 = arith.index_cast %get3A_628 : i32 to index
      %get3A_692 = arith.index_cast %add3A_690 : i32 to index
      %get3A_693 = memref.load %arg4[%get3A_691, %get3A_692] : memref<16x128xi32, #tpu.memory_space<smem>>
      %mul3A_694 = arith.constant 16 : i32
      %mul3A_695 = arith.muli %get3A_630, %mul3A_694 : i32
      %add3A_696 = arith.constant 9 : i32
      %add3A_697 = arith.addi %mul3A_695, %add3A_696 : i32
      %get3A_698 = arith.index_cast %get3A_628 : i32 to index
      %get3A_699 = arith.index_cast %add3A_697 : i32 to index
      %get3A_700 = memref.load %arg4[%get3A_698, %get3A_699] : memref<16x128xi32, #tpu.memory_space<smem>>
      %mul3A_701 = arith.constant 16 : i32
      %mul3A_702 = arith.muli %get3A_630, %mul3A_701 : i32
      %add3A_703 = arith.constant 10 : i32
      %add3A_704 = arith.addi %mul3A_702, %add3A_703 : i32
      %get3A_705 = arith.index_cast %get3A_628 : i32 to index
      %get3A_706 = arith.index_cast %add3A_704 : i32 to index
      %get3A_707 = memref.load %arg4[%get3A_705, %get3A_706] : memref<16x128xi32, #tpu.memory_space<smem>>
      %mul3A_708 = arith.constant 16 : i32
      %mul3A_709 = arith.muli %get3A_630, %mul3A_708 : i32
      %add3A_710 = arith.constant 11 : i32
      %add3A_711 = arith.addi %mul3A_709, %add3A_710 : i32
      %get3A_712 = arith.index_cast %get3A_628 : i32 to index
      %get3A_713 = arith.index_cast %add3A_711 : i32 to index
      %get3A_714 = memref.load %arg4[%get3A_712, %get3A_713] : memref<16x128xi32, #tpu.memory_space<smem>>
      %mul3A_715 = arith.constant 16 : i32
      %mul3A_716 = arith.muli %get3A_630, %mul3A_715 : i32
      %add3A_717 = arith.constant 12 : i32
      %add3A_718 = arith.addi %mul3A_716, %add3A_717 : i32
      %get3A_719 = arith.index_cast %get3A_628 : i32 to index
      %get3A_720 = arith.index_cast %add3A_718 : i32 to index
      %get3A_721 = memref.load %arg4[%get3A_719, %get3A_720] : memref<16x128xi32, #tpu.memory_space<smem>>
      %mul3A_722 = arith.constant 16 : i32
      %mul3A_723 = arith.muli %get3A_630, %mul3A_722 : i32
      %add3A_724 = arith.constant 13 : i32
      %add3A_725 = arith.addi %mul3A_723, %add3A_724 : i32
      %get3A_726 = arith.index_cast %get3A_628 : i32 to index
      %get3A_727 = arith.index_cast %add3A_725 : i32 to index
      %get3A_728 = memref.load %arg4[%get3A_726, %get3A_727] : memref<16x128xi32, #tpu.memory_space<smem>>
      %mul3A_729 = arith.constant 16 : i32
      %mul3A_730 = arith.muli %get3A_630, %mul3A_729 : i32
      %add3A_731 = arith.constant 14 : i32
      %add3A_732 = arith.addi %mul3A_730, %add3A_731 : i32
      %get3A_733 = arith.index_cast %get3A_628 : i32 to index
      %get3A_734 = arith.index_cast %add3A_732 : i32 to index
      %get3A_735 = memref.load %arg4[%get3A_733, %get3A_734] : memref<16x128xi32, #tpu.memory_space<smem>>
      %mul3A_736 = arith.constant 16 : i32
      %mul3A_737 = arith.muli %get3A_630, %mul3A_736 : i32
      %add3A_738 = arith.constant 15 : i32
      %add3A_739 = arith.addi %mul3A_737, %add3A_738 : i32
      %get3A_740 = arith.index_cast %get3A_628 : i32 to index
      %get3A_741 = arith.index_cast %add3A_739 : i32 to index
      %get3A_742 = memref.load %arg4[%get3A_740, %get3A_741] : memref<16x128xi32, #tpu.memory_space<smem>>
      %dma_start3A_743 = tpu.memref_slice %arg22[%rem3A_626] : memref<4x!tpu.dma_semaphore, #tpu.memory_space<semaphore_mem>> -> memref<1x!tpu.dma_semaphore, #tpu.memory_space<semaphore_mem>>
      %dma_start3A_744 = tpu.memref_squeeze %dma_start3A_743 : memref<1x!tpu.dma_semaphore, #tpu.memory_space<semaphore_mem>> -> memref<!tpu.dma_semaphore, #tpu.memory_space<semaphore_mem>>
      %dma_start3A_745 = arith.constant 0 : i32
      %dma_start3A_746 = arith.constant 0 : i32
      %dma_start3A_747 = arith.constant 0 : i32
      %dma_start3A_748 = tpu.memref_slice %arg14[%rem3A_626, %dma_start3A_745, %dma_start3A_746, %dma_start3A_747] : memref<4x2x256x1024xbf16, #tpu.memory_space<vmem>> -> memref<1x2x16x1024xbf16, #tpu.memory_space<vmem>>
      %dma_start3A_749 = tpu.memref_squeeze %dma_start3A_748 : memref<1x2x16x1024xbf16, #tpu.memory_space<vmem>> -> memref<2x16x1024xbf16, #tpu.memory_space<vmem>>
      %dma_start3A_750 = arith.constant 0 : i32
      %dma_start3A_751 = arith.constant 0 : i32
      %dma_start3A_752 = arith.constant 0 : i32
      %dma_start3A_753 = tpu.memref_slice %arg12[%get3A_637, %dma_start3A_750, %dma_start3A_751, %dma_start3A_752] : memref<2048x2x16x1024xbf16, #tpu.memory_space<any>> -> memref<1x2x16x1024xbf16, #tpu.memory_space<any>>
      %dma_start3A_754 = tpu.memref_squeeze %dma_start3A_753 : memref<1x2x16x1024xbf16, #tpu.memory_space<any>> -> memref<2x16x1024xbf16, #tpu.memory_space<any>>
      tpu.enqueue_dma source(%dma_start3A_754 : memref<2x16x1024xbf16, #tpu.memory_space<any>>) target(%dma_start3A_749 : memref<2x16x1024xbf16, #tpu.memory_space<vmem>>) target_semaphore(%dma_start3A_744 : memref<!tpu.dma_semaphore, #tpu.memory_space<semaphore_mem>>)
      %dma_start3A_755 = tpu.memref_slice %arg22[%rem3A_626] : memref<4x!tpu.dma_semaphore, #tpu.memory_space<semaphore_mem>> -> memref<1x!tpu.dma_semaphore, #tpu.memory_space<semaphore_mem>>
      %dma_start3A_756 = tpu.memref_squeeze %dma_start3A_755 : memref<1x!tpu.dma_semaphore, #tpu.memory_space<semaphore_mem>> -> memref<!tpu.dma_semaphore, #tpu.memory_space<semaphore_mem>>
      %dma_start3A_757 = arith.constant 0 : i32
      %dma_start3A_758 = arith.constant 16 : i32
      %dma_start3A_759 = arith.constant 0 : i32
      %dma_start3A_760 = tpu.memref_slice %arg14[%rem3A_626, %dma_start3A_757, %dma_start3A_758, %dma_start3A_759] : memref<4x2x256x1024xbf16, #tpu.memory_space<vmem>> -> memref<1x2x16x1024xbf16, #tpu.memory_space<vmem>>
      %dma_start3A_761 = tpu.memref_squeeze %dma_start3A_760 : memref<1x2x16x1024xbf16, #tpu.memory_space<vmem>> -> memref<2x16x1024xbf16, #tpu.memory_space<vmem>>
      %dma_start3A_762 = arith.constant 0 : i32
      %dma_start3A_763 = arith.constant 0 : i32
      %dma_start3A_764 = arith.constant 0 : i32
      %dma_start3A_765 = tpu.memref_slice %arg12[%get3A_644, %dma_start3A_762, %dma_start3A_763, %dma_start3A_764] : memref<2048x2x16x1024xbf16, #tpu.memory_space<any>> -> memref<1x2x16x1024xbf16, #tpu.memory_space<any>>
      %dma_start3A_766 = tpu.memref_squeeze %dma_start3A_765 : memref<1x2x16x1024xbf16, #tpu.memory_space<any>> -> memref<2x16x1024xbf16, #tpu.memory_space<any>>
      tpu.enqueue_dma source(%dma_start3A_766 : memref<2x16x1024xbf16, #tpu.memory_space<any>>) target(%dma_start3A_761 : memref<2x16x1024xbf16, #tpu.memory_space<vmem>>) target_semaphore(%dma_start3A_756 : memref<!tpu.dma_semaphore, #tpu.memory_space<semaphore_mem>>)
      %dma_start3A_767 = tpu.memref_slice %arg22[%rem3A_626] : memref<4x!tpu.dma_semaphore, #tpu.memory_space<semaphore_mem>> -> memref<1x!tpu.dma_semaphore, #tpu.memory_space<semaphore_mem>>
      %dma_start3A_768 = tpu.memref_squeeze %dma_start3A_767 : memref<1x!tpu.dma_semaphore, #tpu.memory_space<semaphore_mem>> -> memref<!tpu.dma_semaphore, #tpu.memory_space<semaphore_mem>>
      %dma_start3A_769 = arith.constant 0 : i32
      %dma_start3A_770 = arith.constant 32 : i32
      %dma_start3A_771 = arith.constant 0 : i32
      %dma_start3A_772 = tpu.memref_slice %arg14[%rem3A_626, %dma_start3A_769, %dma_start3A_770, %dma_start3A_771] : memref<4x2x256x1024xbf16, #tpu.memory_space<vmem>> -> memref<1x2x16x1024xbf16, #tpu.memory_space<vmem>>
      %dma_start3A_773 = tpu.memref_squeeze %dma_start3A_772 : memref<1x2x16x1024xbf16, #tpu.memory_space<vmem>> -> memref<2x16x1024xbf16, #tpu.memory_space<vmem>>
      %dma_start3A_774 = arith.constant 0 : i32
      %dma_start3A_775 = arith.constant 0 : i32
      %dma_start3A_776 = arith.constant 0 : i32
      %dma_start3A_777 = tpu.memref_slice %arg12[%get3A_651, %dma_start3A_774, %dma_start3A_775, %dma_start3A_776] : memref<2048x2x16x1024xbf16, #tpu.memory_space<any>> -> memref<1x2x16x1024xbf16, #tpu.memory_space<any>>
      %dma_start3A_778 = tpu.memref_squeeze %dma_start3A_777 : memref<1x2x16x1024xbf16, #tpu.memory_space<any>> -> memref<2x16x1024xbf16, #tpu.memory_space<any>>
      tpu.enqueue_dma source(%dma_start3A_778 : memref<2x16x1024xbf16, #tpu.memory_space<any>>) target(%dma_start3A_773 : memref<2x16x1024xbf16, #tpu.memory_space<vmem>>) target_semaphore(%dma_start3A_768 : memref<!tpu.dma_semaphore, #tpu.memory_space<semaphore_mem>>)
      %dma_start3A_779 = tpu.memref_slice %arg22[%rem3A_626] : memref<4x!tpu.dma_semaphore, #tpu.memory_space<semaphore_mem>> -> memref<1x!tpu.dma_semaphore, #tpu.memory_space<semaphore_mem>>
      %dma_start3A_780 = tpu.memref_squeeze %dma_start3A_779 : memref<1x!tpu.dma_semaphore, #tpu.memory_space<semaphore_mem>> -> memref<!tpu.dma_semaphore, #tpu.memory_space<semaphore_mem>>
      %dma_start3A_781 = arith.constant 0 : i32
      %dma_start3A_782 = arith.constant 48 : i32
      %dma_start3A_783 = arith.constant 0 : i32
      %dma_start3A_784 = tpu.memref_slice %arg14[%rem3A_626, %dma_start3A_781, %dma_start3A_782, %dma_start3A_783] : memref<4x2x256x1024xbf16, #tpu.memory_space<vmem>> -> memref<1x2x16x1024xbf16, #tpu.memory_space<vmem>>
      %dma_start3A_785 = tpu.memref_squeeze %dma_start3A_784 : memref<1x2x16x1024xbf16, #tpu.memory_space<vmem>> -> memref<2x16x1024xbf16, #tpu.memory_space<vmem>>
      %dma_start3A_786 = arith.constant 0 : i32
      %dma_start3A_787 = arith.constant 0 : i32
      %dma_start3A_788 = arith.constant 0 : i32
      %dma_start3A_789 = tpu.memref_slice %arg12[%get3A_658, %dma_start3A_786, %dma_start3A_787, %dma_start3A_788] : memref<2048x2x16x1024xbf16, #tpu.memory_space<any>> -> memref<1x2x16x1024xbf16, #tpu.memory_space<any>>
      %dma_start3A_790 = tpu.memref_squeeze %dma_start3A_789 : memref<1x2x16x1024xbf16, #tpu.memory_space<any>> -> memref<2x16x1024xbf16, #tpu.memory_space<any>>
      tpu.enqueue_dma source(%dma_start3A_790 : memref<2x16x1024xbf16, #tpu.memory_space<any>>) target(%dma_start3A_785 : memref<2x16x1024xbf16, #tpu.memory_space<vmem>>) target_semaphore(%dma_start3A_780 : memref<!tpu.dma_semaphore, #tpu.memory_space<semaphore_mem>>)
      %dma_start3A_791 = tpu.memref_slice %arg22[%rem3A_626] : memref<4x!tpu.dma_semaphore, #tpu.memory_space<semaphore_mem>> -> memref<1x!tpu.dma_semaphore, #tpu.memory_space<semaphore_mem>>
      %dma_start3A_792 = tpu.memref_squeeze %dma_start3A_791 : memref<1x!tpu.dma_semaphore, #tpu.memory_space<semaphore_mem>> -> memref<!tpu.dma_semaphore, #tpu.memory_space<semaphore_mem>>
      %dma_start3A_793 = arith.constant 0 : i32
      %dma_start3A_794 = arith.constant 64 : i32
      %dma_start3A_795 = arith.constant 0 : i32
      %dma_start3A_796 = tpu.memref_slice %arg14[%rem3A_626, %dma_start3A_793, %dma_start3A_794, %dma_start3A_795] : memref<4x2x256x1024xbf16, #tpu.memory_space<vmem>> -> memref<1x2x16x1024xbf16, #tpu.memory_space<vmem>>
      %dma_start3A_797 = tpu.memref_squeeze %dma_start3A_796 : memref<1x2x16x1024xbf16, #tpu.memory_space<vmem>> -> memref<2x16x1024xbf16, #tpu.memory_space<vmem>>
      %dma_start3A_798 = arith.constant 0 : i32
      %dma_start3A_799 = arith.constant 0 : i32
      %dma_start3A_800 = arith.constant 0 : i32
      %dma_start3A_801 = tpu.memref_slice %arg12[%get3A_665, %dma_start3A_798, %dma_start3A_799, %dma_start3A_800] : memref<2048x2x16x1024xbf16, #tpu.memory_space<any>> -> memref<1x2x16x1024xbf16, #tpu.memory_space<any>>
      %dma_start3A_802 = tpu.memref_squeeze %dma_start3A_801 : memref<1x2x16x1024xbf16, #tpu.memory_space<any>> -> memref<2x16x1024xbf16, #tpu.memory_space<any>>
      tpu.enqueue_dma source(%dma_start3A_802 : memref<2x16x1024xbf16, #tpu.memory_space<any>>) target(%dma_start3A_797 : memref<2x16x1024xbf16, #tpu.memory_space<vmem>>) target_semaphore(%dma_start3A_792 : memref<!tpu.dma_semaphore, #tpu.memory_space<semaphore_mem>>)
      %dma_start3A_803 = tpu.memref_slice %arg22[%rem3A_626] : memref<4x!tpu.dma_semaphore, #tpu.memory_space<semaphore_mem>> -> memref<1x!tpu.dma_semaphore, #tpu.memory_space<semaphore_mem>>
      %dma_start3A_804 = tpu.memref_squeeze %dma_start3A_803 : memref<1x!tpu.dma_semaphore, #tpu.memory_space<semaphore_mem>> -> memref<!tpu.dma_semaphore, #tpu.memory_space<semaphore_mem>>
      %dma_start3A_805 = arith.constant 0 : i32
      %dma_start3A_806 = arith.constant 80 : i32
      %dma_start3A_807 = arith.constant 0 : i32
      %dma_start3A_808 = tpu.memref_slice %arg14[%rem3A_626, %dma_start3A_805, %dma_start3A_806, %dma_start3A_807] : memref<4x2x256x1024xbf16, #tpu.memory_space<vmem>> -> memref<1x2x16x1024xbf16, #tpu.memory_space<vmem>>
      %dma_start3A_809 = tpu.memref_squeeze %dma_start3A_808 : memref<1x2x16x1024xbf16, #tpu.memory_space<vmem>> -> memref<2x16x1024xbf16, #tpu.memory_space<vmem>>
      %dma_start3A_810 = arith.constant 0 : i32
      %dma_start3A_811 = arith.constant 0 : i32
      %dma_start3A_812 = arith.constant 0 : i32
      %dma_start3A_813 = tpu.memref_slice %arg12[%get3A_672, %dma_start3A_810, %dma_start3A_811, %dma_start3A_812] : memref<2048x2x16x1024xbf16, #tpu.memory_space<any>> -> memref<1x2x16x1024xbf16, #tpu.memory_space<any>>
      %dma_start3A_814 = tpu.memref_squeeze %dma_start3A_813 : memref<1x2x16x1024xbf16, #tpu.memory_space<any>> -> memref<2x16x1024xbf16, #tpu.memory_space<any>>
      tpu.enqueue_dma source(%dma_start3A_814 : memref<2x16x1024xbf16, #tpu.memory_space<any>>) target(%dma_start3A_809 : memref<2x16x1024xbf16, #tpu.memory_space<vmem>>) target_semaphore(%dma_start3A_804 : memref<!tpu.dma_semaphore, #tpu.memory_space<semaphore_mem>>)
      %dma_start3A_815 = tpu.memref_slice %arg22[%rem3A_626] : memref<4x!tpu.dma_semaphore, #tpu.memory_space<semaphore_mem>> -> memref<1x!tpu.dma_semaphore, #tpu.memory_space<semaphore_mem>>
      %dma_start3A_816 = tpu.memref_squeeze %dma_start3A_815 : memref<1x!tpu.dma_semaphore, #tpu.memory_space<semaphore_mem>> -> memref<!tpu.dma_semaphore, #tpu.memory_space<semaphore_mem>>
      %dma_start3A_817 = arith.constant 0 : i32
      %dma_start3A_818 = arith.constant 96 : i32
      %dma_start3A_819 = arith.constant 0 : i32
      %dma_start3A_820 = tpu.memref_slice %arg14[%rem3A_626, %dma_start3A_817, %dma_start3A_818, %dma_start3A_819] : memref<4x2x256x1024xbf16, #tpu.memory_space<vmem>> -> memref<1x2x16x1024xbf16, #tpu.memory_space<vmem>>
      %dma_start3A_821 = tpu.memref_squeeze %dma_start3A_820 : memref<1x2x16x1024xbf16, #tpu.memory_space<vmem>> -> memref<2x16x1024xbf16, #tpu.memory_space<vmem>>
      %dma_start3A_822 = arith.constant 0 : i32
      %dma_start3A_823 = arith.constant 0 : i32
      %dma_start3A_824 = arith.constant 0 : i32
      %dma_start3A_825 = tpu.memref_slice %arg12[%get3A_679, %dma_start3A_822, %dma_start3A_823, %dma_start3A_824] : memref<2048x2x16x1024xbf16, #tpu.memory_space<any>> -> memref<1x2x16x1024xbf16, #tpu.memory_space<any>>
      %dma_start3A_826 = tpu.memref_squeeze %dma_start3A_825 : memref<1x2x16x1024xbf16, #tpu.memory_space<any>> -> memref<2x16x1024xbf16, #tpu.memory_space<any>>
      tpu.enqueue_dma source(%dma_start3A_826 : memref<2x16x1024xbf16, #tpu.memory_space<any>>) target(%dma_start3A_821 : memref<2x16x1024xbf16, #tpu.memory_space<vmem>>) target_semaphore(%dma_start3A_816 : memref<!tpu.dma_semaphore, #tpu.memory_space<semaphore_mem>>)
      %dma_start3A_827 = tpu.memref_slice %arg22[%rem3A_626] : memref<4x!tpu.dma_semaphore, #tpu.memory_space<semaphore_mem>> -> memref<1x!tpu.dma_semaphore, #tpu.memory_space<semaphore_mem>>
      %dma_start3A_828 = tpu.memref_squeeze %dma_start3A_827 : memref<1x!tpu.dma_semaphore, #tpu.memory_space<semaphore_mem>> -> memref<!tpu.dma_semaphore, #tpu.memory_space<semaphore_mem>>
      %dma_start3A_829 = arith.constant 0 : i32
      %dma_start3A_830 = arith.constant 112 : i32
      %dma_start3A_831 = arith.constant 0 : i32
      %dma_start3A_832 = tpu.memref_slice %arg14[%rem3A_626, %dma_start3A_829, %dma_start3A_830, %dma_start3A_831] : memref<4x2x256x1024xbf16, #tpu.memory_space<vmem>> -> memref<1x2x16x1024xbf16, #tpu.memory_space<vmem>>
      %dma_start3A_833 = tpu.memref_squeeze %dma_start3A_832 : memref<1x2x16x1024xbf16, #tpu.memory_space<vmem>> -> memref<2x16x1024xbf16, #tpu.memory_space<vmem>>
      %dma_start3A_834 = arith.constant 0 : i32
      %dma_start3A_835 = arith.constant 0 : i32
      %dma_start3A_836 = arith.constant 0 : i32
      %dma_start3A_837 = tpu.memref_slice %arg12[%get3A_686, %dma_start3A_834, %dma_start3A_835, %dma_start3A_836] : memref<2048x2x16x1024xbf16, #tpu.memory_space<any>> -> memref<1x2x16x1024xbf16, #tpu.memory_space<any>>
      %dma_start3A_838 = tpu.memref_squeeze %dma_start3A_837 : memref<1x2x16x1024xbf16, #tpu.memory_space<any>> -> memref<2x16x1024xbf16, #tpu.memory_space<any>>
      tpu.enqueue_dma source(%dma_start3A_838 : memref<2x16x1024xbf16, #tpu.memory_space<any>>) target(%dma_start3A_833 : memref<2x16x1024xbf16, #tpu.memory_space<vmem>>) target_semaphore(%dma_start3A_828 : memref<!tpu.dma_semaphore, #tpu.memory_space<semaphore_mem>>)
      %dma_start3A_839 = tpu.memref_slice %arg22[%rem3A_626] : memref<4x!tpu.dma_semaphore, #tpu.memory_space<semaphore_mem>> -> memref<1x!tpu.dma_semaphore, #tpu.memory_space<semaphore_mem>>
      %dma_start3A_840 = tpu.memref_squeeze %dma_start3A_839 : memref<1x!tpu.dma_semaphore, #tpu.memory_space<semaphore_mem>> -> memref<!tpu.dma_semaphore, #tpu.memory_space<semaphore_mem>>
      %dma_start3A_841 = arith.constant 0 : i32
      %dma_start3A_842 = arith.constant 128 : i32
      %dma_start3A_843 = arith.constant 0 : i32
      %dma_start3A_844 = tpu.memref_slice %arg14[%rem3A_626, %dma_start3A_841, %dma_start3A_842, %dma_start3A_843] : memref<4x2x256x1024xbf16, #tpu.memory_space<vmem>> -> memref<1x2x16x1024xbf16, #tpu.memory_space<vmem>>
      %dma_start3A_845 = tpu.memref_squeeze %dma_start3A_844 : memref<1x2x16x1024xbf16, #tpu.memory_space<vmem>> -> memref<2x16x1024xbf16, #tpu.memory_space<vmem>>
      %dma_start3A_846 = arith.constant 0 : i32
      %dma_start3A_847 = arith.constant 0 : i32
      %dma_start3A_848 = arith.constant 0 : i32
      %dma_start3A_849 = tpu.memref_slice %arg12[%get3A_693, %dma_start3A_846, %dma_start3A_847, %dma_start3A_848] : memref<2048x2x16x1024xbf16, #tpu.memory_space<any>> -> memref<1x2x16x1024xbf16, #tpu.memory_space<any>>
      %dma_start3A_850 = tpu.memref_squeeze %dma_start3A_849 : memref<1x2x16x1024xbf16, #tpu.memory_space<any>> -> memref<2x16x1024xbf16, #tpu.memory_space<any>>
      tpu.enqueue_dma source(%dma_start3A_850 : memref<2x16x1024xbf16, #tpu.memory_space<any>>) target(%dma_start3A_845 : memref<2x16x1024xbf16, #tpu.memory_space<vmem>>) target_semaphore(%dma_start3A_840 : memref<!tpu.dma_semaphore, #tpu.memory_space<semaphore_mem>>)
      %dma_start3A_851 = tpu.memref_slice %arg22[%rem3A_626] : memref<4x!tpu.dma_semaphore, #tpu.memory_space<semaphore_mem>> -> memref<1x!tpu.dma_semaphore, #tpu.memory_space<semaphore_mem>>
      %dma_start3A_852 = tpu.memref_squeeze %dma_start3A_851 : memref<1x!tpu.dma_semaphore, #tpu.memory_space<semaphore_mem>> -> memref<!tpu.dma_semaphore, #tpu.memory_space<semaphore_mem>>
      %dma_start3A_853 = arith.constant 0 : i32
      %dma_start3A_854 = arith.constant 144 : i32
      %dma_start3A_855 = arith.constant 0 : i32
      %dma_start3A_856 = tpu.memref_slice %arg14[%rem3A_626, %dma_start3A_853, %dma_start3A_854, %dma_start3A_855] : memref<4x2x256x1024xbf16, #tpu.memory_space<vmem>> -> memref<1x2x16x1024xbf16, #tpu.memory_space<vmem>>
      %dma_start3A_857 = tpu.memref_squeeze %dma_start3A_856 : memref<1x2x16x1024xbf16, #tpu.memory_space<vmem>> -> memref<2x16x1024xbf16, #tpu.memory_space<vmem>>
      %dma_start3A_858 = arith.constant 0 : i32
      %dma_start3A_859 = arith.constant 0 : i32
      %dma_start3A_860 = arith.constant 0 : i32
      %dma_start3A_861 = tpu.memref_slice %arg12[%get3A_700, %dma_start3A_858, %dma_start3A_859, %dma_start3A_860] : memref<2048x2x16x1024xbf16, #tpu.memory_space<any>> -> memref<1x2x16x1024xbf16, #tpu.memory_space<any>>
      %dma_start3A_862 = tpu.memref_squeeze %dma_start3A_861 : memref<1x2x16x1024xbf16, #tpu.memory_space<any>> -> memref<2x16x1024xbf16, #tpu.memory_space<any>>
      tpu.enqueue_dma source(%dma_start3A_862 : memref<2x16x1024xbf16, #tpu.memory_space<any>>) target(%dma_start3A_857 : memref<2x16x1024xbf16, #tpu.memory_space<vmem>>) target_semaphore(%dma_start3A_852 : memref<!tpu.dma_semaphore, #tpu.memory_space<semaphore_mem>>)
      %dma_start3A_863 = tpu.memref_slice %arg22[%rem3A_626] : memref<4x!tpu.dma_semaphore, #tpu.memory_space<semaphore_mem>> -> memref<1x!tpu.dma_semaphore, #tpu.memory_space<semaphore_mem>>
      %dma_start3A_864 = tpu.memref_squeeze %dma_start3A_863 : memref<1x!tpu.dma_semaphore, #tpu.memory_space<semaphore_mem>> -> memref<!tpu.dma_semaphore, #tpu.memory_space<semaphore_mem>>
      %dma_start3A_865 = arith.constant 0 : i32
      %dma_start3A_866 = arith.constant 160 : i32
      %dma_start3A_867 = arith.constant 0 : i32
      %dma_start3A_868 = tpu.memref_slice %arg14[%rem3A_626, %dma_start3A_865, %dma_start3A_866, %dma_start3A_867] : memref<4x2x256x1024xbf16, #tpu.memory_space<vmem>> -> memref<1x2x16x1024xbf16, #tpu.memory_space<vmem>>
      %dma_start3A_869 = tpu.memref_squeeze %dma_start3A_868 : memref<1x2x16x1024xbf16, #tpu.memory_space<vmem>> -> memref<2x16x1024xbf16, #tpu.memory_space<vmem>>
      %dma_start3A_870 = arith.constant 0 : i32
      %dma_start3A_871 = arith.constant 0 : i32
      %dma_start3A_872 = arith.constant 0 : i32
      %dma_start3A_873 = tpu.memref_slice %arg12[%get3A_707, %dma_start3A_870, %dma_start3A_871, %dma_start3A_872] : memref<2048x2x16x1024xbf16, #tpu.memory_space<any>> -> memref<1x2x16x1024xbf16, #tpu.memory_space<any>>
      %dma_start3A_874 = tpu.memref_squeeze %dma_start3A_873 : memref<1x2x16x1024xbf16, #tpu.memory_space<any>> -> memref<2x16x1024xbf16, #tpu.memory_space<any>>
      tpu.enqueue_dma source(%dma_start3A_874 : memref<2x16x1024xbf16, #tpu.memory_space<any>>) target(%dma_start3A_869 : memref<2x16x1024xbf16, #tpu.memory_space<vmem>>) target_semaphore(%dma_start3A_864 : memref<!tpu.dma_semaphore, #tpu.memory_space<semaphore_mem>>)
      %dma_start3A_875 = tpu.memref_slice %arg22[%rem3A_626] : memref<4x!tpu.dma_semaphore, #tpu.memory_space<semaphore_mem>> -> memref<1x!tpu.dma_semaphore, #tpu.memory_space<semaphore_mem>>
      %dma_start3A_876 = tpu.memref_squeeze %dma_start3A_875 : memref<1x!tpu.dma_semaphore, #tpu.memory_space<semaphore_mem>> -> memref<!tpu.dma_semaphore, #tpu.memory_space<semaphore_mem>>
      %dma_start3A_877 = arith.constant 0 : i32
      %dma_start3A_878 = arith.constant 176 : i32
      %dma_start3A_879 = arith.constant 0 : i32
      %dma_start3A_880 = tpu.memref_slice %arg14[%rem3A_626, %dma_start3A_877, %dma_start3A_878, %dma_start3A_879] : memref<4x2x256x1024xbf16, #tpu.memory_space<vmem>> -> memref<1x2x16x1024xbf16, #tpu.memory_space<vmem>>
      %dma_start3A_881 = tpu.memref_squeeze %dma_start3A_880 : memref<1x2x16x1024xbf16, #tpu.memory_space<vmem>> -> memref<2x16x1024xbf16, #tpu.memory_space<vmem>>
      %dma_start3A_882 = arith.constant 0 : i32
      %dma_start3A_883 = arith.constant 0 : i32
      %dma_start3A_884 = arith.constant 0 : i32
      %dma_start3A_885 = tpu.memref_slice %arg12[%get3A_714, %dma_start3A_882, %dma_start3A_883, %dma_start3A_884] : memref<2048x2x16x1024xbf16, #tpu.memory_space<any>> -> memref<1x2x16x1024xbf16, #tpu.memory_space<any>>
      %dma_start3A_886 = tpu.memref_squeeze %dma_start3A_885 : memref<1x2x16x1024xbf16, #tpu.memory_space<any>> -> memref<2x16x1024xbf16, #tpu.memory_space<any>>
      tpu.enqueue_dma source(%dma_start3A_886 : memref<2x16x1024xbf16, #tpu.memory_space<any>>) target(%dma_start3A_881 : memref<2x16x1024xbf16, #tpu.memory_space<vmem>>) target_semaphore(%dma_start3A_876 : memref<!tpu.dma_semaphore, #tpu.memory_space<semaphore_mem>>)
      %dma_start3A_887 = tpu.memref_slice %arg22[%rem3A_626] : memref<4x!tpu.dma_semaphore, #tpu.memory_space<semaphore_mem>> -> memref<1x!tpu.dma_semaphore, #tpu.memory_space<semaphore_mem>>
      %dma_start3A_888 = tpu.memref_squeeze %dma_start3A_887 : memref<1x!tpu.dma_semaphore, #tpu.memory_space<semaphore_mem>> -> memref<!tpu.dma_semaphore, #tpu.memory_space<semaphore_mem>>
      %dma_start3A_889 = arith.constant 0 : i32
      %dma_start3A_890 = arith.constant 192 : i32
      %dma_start3A_891 = arith.constant 0 : i32
      %dma_start3A_892 = tpu.memref_slice %arg14[%rem3A_626, %dma_start3A_889, %dma_start3A_890, %dma_start3A_891] : memref<4x2x256x1024xbf16, #tpu.memory_space<vmem>> -> memref<1x2x16x1024xbf16, #tpu.memory_space<vmem>>
      %dma_start3A_893 = tpu.memref_squeeze %dma_start3A_892 : memref<1x2x16x1024xbf16, #tpu.memory_space<vmem>> -> memref<2x16x1024xbf16, #tpu.memory_space<vmem>>
      %dma_start3A_894 = arith.constant 0 : i32
      %dma_start3A_895 = arith.constant 0 : i32
      %dma_start3A_896 = arith.constant 0 : i32
      %dma_start3A_897 = tpu.memref_slice %arg12[%get3A_721, %dma_start3A_894, %dma_start3A_895, %dma_start3A_896] : memref<2048x2x16x1024xbf16, #tpu.memory_space<any>> -> memref<1x2x16x1024xbf16, #tpu.memory_space<any>>
      %dma_start3A_898 = tpu.memref_squeeze %dma_start3A_897 : memref<1x2x16x1024xbf16, #tpu.memory_space<any>> -> memref<2x16x1024xbf16, #tpu.memory_space<any>>
      tpu.enqueue_dma source(%dma_start3A_898 : memref<2x16x1024xbf16, #tpu.memory_space<any>>) target(%dma_start3A_893 : memref<2x16x1024xbf16, #tpu.memory_space<vmem>>) target_semaphore(%dma_start3A_888 : memref<!tpu.dma_semaphore, #tpu.memory_space<semaphore_mem>>)
      %dma_start3A_899 = tpu.memref_slice %arg22[%rem3A_626] : memref<4x!tpu.dma_semaphore, #tpu.memory_space<semaphore_mem>> -> memref<1x!tpu.dma_semaphore, #tpu.memory_space<semaphore_mem>>
      %dma_start3A_900 = tpu.memref_squeeze %dma_start3A_899 : memref<1x!tpu.dma_semaphore, #tpu.memory_space<semaphore_mem>> -> memref<!tpu.dma_semaphore, #tpu.memory_space<semaphore_mem>>
      %dma_start3A_901 = arith.constant 0 : i32
      %dma_start3A_902 = arith.constant 208 : i32
      %dma_start3A_903 = arith.constant 0 : i32
      %dma_start3A_904 = tpu.memref_slice %arg14[%rem3A_626, %dma_start3A_901, %dma_start3A_902, %dma_start3A_903] : memref<4x2x256x1024xbf16, #tpu.memory_space<vmem>> -> memref<1x2x16x1024xbf16, #tpu.memory_space<vmem>>
      %dma_start3A_905 = tpu.memref_squeeze %dma_start3A_904 : memref<1x2x16x1024xbf16, #tpu.memory_space<vmem>> -> memref<2x16x1024xbf16, #tpu.memory_space<vmem>>
      %dma_start3A_906 = arith.constant 0 : i32
      %dma_start3A_907 = arith.constant 0 : i32
      %dma_start3A_908 = arith.constant 0 : i32
      %dma_start3A_909 = tpu.memref_slice %arg12[%get3A_728, %dma_start3A_906, %dma_start3A_907, %dma_start3A_908] : memref<2048x2x16x1024xbf16, #tpu.memory_space<any>> -> memref<1x2x16x1024xbf16, #tpu.memory_space<any>>
      %dma_start3A_910 = tpu.memref_squeeze %dma_start3A_909 : memref<1x2x16x1024xbf16, #tpu.memory_space<any>> -> memref<2x16x1024xbf16, #tpu.memory_space<any>>
      tpu.enqueue_dma source(%dma_start3A_910 : memref<2x16x1024xbf16, #tpu.memory_space<any>>) target(%dma_start3A_905 : memref<2x16x1024xbf16, #tpu.memory_space<vmem>>) target_semaphore(%dma_start3A_900 : memref<!tpu.dma_semaphore, #tpu.memory_space<semaphore_mem>>)
      %dma_start3A_911 = tpu.memref_slice %arg22[%rem3A_626] : memref<4x!tpu.dma_semaphore, #tpu.memory_space<semaphore_mem>> -> memref<1x!tpu.dma_semaphore, #tpu.memory_space<semaphore_mem>>
      %dma_start3A_912 = tpu.memref_squeeze %dma_start3A_911 : memref<1x!tpu.dma_semaphore, #tpu.memory_space<semaphore_mem>> -> memref<!tpu.dma_semaphore, #tpu.memory_space<semaphore_mem>>
      %dma_start3A_913 = arith.constant 0 : i32
      %dma_start3A_914 = arith.constant 224 : i32
      %dma_start3A_915 = arith.constant 0 : i32
      %dma_start3A_916 = tpu.memref_slice %arg14[%rem3A_626, %dma_start3A_913, %dma_start3A_914, %dma_start3A_915] : memref<4x2x256x1024xbf16, #tpu.memory_space<vmem>> -> memref<1x2x16x1024xbf16, #tpu.memory_space<vmem>>
      %dma_start3A_917 = tpu.memref_squeeze %dma_start3A_916 : memref<1x2x16x1024xbf16, #tpu.memory_space<vmem>> -> memref<2x16x1024xbf16, #tpu.memory_space<vmem>>
      %dma_start3A_918 = arith.constant 0 : i32
      %dma_start3A_919 = arith.constant 0 : i32
      %dma_start3A_920 = arith.constant 0 : i32
      %dma_start3A_921 = tpu.memref_slice %arg12[%get3A_735, %dma_start3A_918, %dma_start3A_919, %dma_start3A_920] : memref<2048x2x16x1024xbf16, #tpu.memory_space<any>> -> memref<1x2x16x1024xbf16, #tpu.memory_space<any>>
      %dma_start3A_922 = tpu.memref_squeeze %dma_start3A_921 : memref<1x2x16x1024xbf16, #tpu.memory_space<any>> -> memref<2x16x1024xbf16, #tpu.memory_space<any>>
      tpu.enqueue_dma source(%dma_start3A_922 : memref<2x16x1024xbf16, #tpu.memory_space<any>>) target(%dma_start3A_917 : memref<2x16x1024xbf16, #tpu.memory_space<vmem>>) target_semaphore(%dma_start3A_912 : memref<!tpu.dma_semaphore, #tpu.memory_space<semaphore_mem>>)
      %dma_start3A_923 = tpu.memref_slice %arg22[%rem3A_626] : memref<4x!tpu.dma_semaphore, #tpu.memory_space<semaphore_mem>> -> memref<1x!tpu.dma_semaphore, #tpu.memory_space<semaphore_mem>>
      %dma_start3A_924 = tpu.memref_squeeze %dma_start3A_923 : memref<1x!tpu.dma_semaphore, #tpu.memory_space<semaphore_mem>> -> memref<!tpu.dma_semaphore, #tpu.memory_space<semaphore_mem>>
      %dma_start3A_925 = arith.constant 0 : i32
      %dma_start3A_926 = arith.constant 240 : i32
      %dma_start3A_927 = arith.constant 0 : i32
      %dma_start3A_928 = tpu.memref_slice %arg14[%rem3A_626, %dma_start3A_925, %dma_start3A_926, %dma_start3A_927] : memref<4x2x256x1024xbf16, #tpu.memory_space<vmem>> -> memref<1x2x16x1024xbf16, #tpu.memory_space<vmem>>
      %dma_start3A_929 = tpu.memref_squeeze %dma_start3A_928 : memref<1x2x16x1024xbf16, #tpu.memory_space<vmem>> -> memref<2x16x1024xbf16, #tpu.memory_space<vmem>>
      %dma_start3A_930 = arith.constant 0 : i32
      %dma_start3A_931 = arith.constant 0 : i32
      %dma_start3A_932 = arith.constant 0 : i32
      %dma_start3A_933 = tpu.memref_slice %arg12[%get3A_742, %dma_start3A_930, %dma_start3A_931, %dma_start3A_932] : memref<2048x2x16x1024xbf16, #tpu.memory_space<any>> -> memref<1x2x16x1024xbf16, #tpu.memory_space<any>>
      %dma_start3A_934 = tpu.memref_squeeze %dma_start3A_933 : memref<1x2x16x1024xbf16, #tpu.memory_space<any>> -> memref<2x16x1024xbf16, #tpu.memory_space<any>>
      tpu.enqueue_dma source(%dma_start3A_934 : memref<2x16x1024xbf16, #tpu.memory_space<any>>) target(%dma_start3A_929 : memref<2x16x1024xbf16, #tpu.memory_space<vmem>>) target_semaphore(%dma_start3A_924 : memref<!tpu.dma_semaphore, #tpu.memory_space<semaphore_mem>>)
    } else {
    }
    %lt3A = arith.cmpi slt, %arg0, %get3A_0 : i32
    %convert_element_type3A_3 = arith.extui %lt3A : i1 to i32
    %cond3A_4 = arith.constant 0 : i32
    %cond3A_5 = arith.cmpi ne, %convert_element_type3A_3, %cond3A_4 : i32
    scf.if %cond3A_5 {
      %get3A_6 = arith.index_cast %arg0 : i32 to index
      %get3A_7 = memref.load %arg1[%get3A_6] : memref<129xi32, #tpu.memory_space<smem>>
      %get3A_8 = arith.index_cast %arg0 : i32 to index
      %get3A_9 = memref.load %arg2[%get3A_8] : memref<129xi32, #tpu.memory_space<smem>>
      %get3A_10 = arith.index_cast %get3A_7 : i32 to index
      %get3A_11 = memref.load %arg5[%get3A_10] : memref<16xi32, #tpu.memory_space<smem>>
      %max3A = arith.constant 1 : i32
      %max3A_12 = arith.maxsi %get3A_11, %max3A : i32
      %rem3A = arith.constant 4 : i32
      %rem3A_13 = arith.remsi %arg0, %rem3A : i32
      %get3A_14 = arith.index_cast %arg0 : i32 to index
      %get3A_15 = memref.load %arg1[%get3A_14] : memref<129xi32, #tpu.memory_space<smem>>
      %get3A_16 = arith.index_cast %arg0 : i32 to index
      %get3A_17 = memref.load %arg2[%get3A_16] : memref<129xi32, #tpu.memory_space<smem>>
      %mul3A = arith.constant 16 : i32
      %mul3A_18 = arith.muli %get3A_17, %mul3A : i32
      %add3A = arith.constant 0 : i32
      %add3A_19 = arith.addi %mul3A_18, %add3A : i32
      %get3A_20 = arith.index_cast %get3A_15 : i32 to index
      %get3A_21 = arith.index_cast %add3A_19 : i32 to index
      %get3A_22 = memref.load %arg4[%get3A_20, %get3A_21] : memref<16x128xi32, #tpu.memory_space<smem>>
      %mul3A_23 = arith.constant 16 : i32
      %mul3A_24 = arith.muli %get3A_17, %mul3A_23 : i32
      %add3A_25 = arith.constant 1 : i32
      %add3A_26 = arith.addi %mul3A_24, %add3A_25 : i32
      %get3A_27 = arith.index_cast %get3A_15 : i32 to index
      %get3A_28 = arith.index_cast %add3A_26 : i32 to index
      %get3A_29 = memref.load %arg4[%get3A_27, %get3A_28] : memref<16x128xi32, #tpu.memory_space<smem>>
      %mul3A_30 = arith.constant 16 : i32
      %mul3A_31 = arith.muli %get3A_17, %mul3A_30 : i32
      %add3A_32 = arith.constant 2 : i32
      %add3A_33 = arith.addi %mul3A_31, %add3A_32 : i32
      %get3A_34 = arith.index_cast %get3A_15 : i32 to index
      %get3A_35 = arith.index_cast %add3A_33 : i32 to index
      %get3A_36 = memref.load %arg4[%get3A_34, %get3A_35] : memref<16x128xi32, #tpu.memory_space<smem>>
      %mul3A_37 = arith.constant 16 : i32
      %mul3A_38 = arith.muli %get3A_17, %mul3A_37 : i32
      %add3A_39 = arith.constant 3 : i32
      %add3A_40 = arith.addi %mul3A_38, %add3A_39 : i32
      %get3A_41 = arith.index_cast %get3A_15 : i32 to index
      %get3A_42 = arith.index_cast %add3A_40 : i32 to index
      %get3A_43 = memref.load %arg4[%get3A_41, %get3A_42] : memref<16x128xi32, #tpu.memory_space<smem>>
      %mul3A_44 = arith.constant 16 : i32
      %mul3A_45 = arith.muli %get3A_17, %mul3A_44 : i32
      %add3A_46 = arith.constant 4 : i32
      %add3A_47 = arith.addi %mul3A_45, %add3A_46 : i32
      %get3A_48 = arith.index_cast %get3A_15 : i32 to index
      %get3A_49 = arith.index_cast %add3A_47 : i32 to index
      %get3A_50 = memref.load %arg4[%get3A_48, %get3A_49] : memref<16x128xi32, #tpu.memory_space<smem>>
      %mul3A_51 = arith.constant 16 : i32
      %mul3A_52 = arith.muli %get3A_17, %mul3A_51 : i32
      %add3A_53 = arith.constant 5 : i32
      %add3A_54 = arith.addi %mul3A_52, %add3A_53 : i32
      %get3A_55 = arith.index_cast %get3A_15 : i32 to index
      %get3A_56 = arith.index_cast %add3A_54 : i32 to index
      %get3A_57 = memref.load %arg4[%get3A_55, %get3A_56] : memref<16x128xi32, #tpu.memory_space<smem>>
      %mul3A_58 = arith.constant 16 : i32
      %mul3A_59 = arith.muli %get3A_17, %mul3A_58 : i32
      %add3A_60 = arith.constant 6 : i32
      %add3A_61 = arith.addi %mul3A_59, %add3A_60 : i32
      %get3A_62 = arith.index_cast %get3A_15 : i32 to index
      %get3A_63 = arith.index_cast %add3A_61 : i32 to index
      %get3A_64 = memref.load %arg4[%get3A_62, %get3A_63] : memref<16x128xi32, #tpu.memory_space<smem>>
      %mul3A_65 = arith.constant 16 : i32
      %mul3A_66 = arith.muli %get3A_17, %mul3A_65 : i32
      %add3A_67 = arith.constant 7 : i32
      %add3A_68 = arith.addi %mul3A_66, %add3A_67 : i32
      %get3A_69 = arith.index_cast %get3A_15 : i32 to index
      %get3A_70 = arith.index_cast %add3A_68 : i32 to index
      %get3A_71 = memref.load %arg4[%get3A_69, %get3A_70] : memref<16x128xi32, #tpu.memory_space<smem>>
      %mul3A_72 = arith.constant 16 : i32
      %mul3A_73 = arith.muli %get3A_17, %mul3A_72 : i32
      %add3A_74 = arith.constant 8 : i32
      %add3A_75 = arith.addi %mul3A_73, %add3A_74 : i32
      %get3A_76 = arith.index_cast %get3A_15 : i32 to index
      %get3A_77 = arith.index_cast %add3A_75 : i32 to index
      %get3A_78 = memref.load %arg4[%get3A_76, %get3A_77] : memref<16x128xi32, #tpu.memory_space<smem>>
      %mul3A_79 = arith.constant 16 : i32
      %mul3A_80 = arith.muli %get3A_17, %mul3A_79 : i32
      %add3A_81 = arith.constant 9 : i32
      %add3A_82 = arith.addi %mul3A_80, %add3A_81 : i32
      %get3A_83 = arith.index_cast %get3A_15 : i32 to index
      %get3A_84 = arith.index_cast %add3A_82 : i32 to index
      %get3A_85 = memref.load %arg4[%get3A_83, %get3A_84] : memref<16x128xi32, #tpu.memory_space<smem>>
      %mul3A_86 = arith.constant 16 : i32
      %mul3A_87 = arith.muli %get3A_17, %mul3A_86 : i32
      %add3A_88 = arith.constant 10 : i32
      %add3A_89 = arith.addi %mul3A_87, %add3A_88 : i32
      %get3A_90 = arith.index_cast %get3A_15 : i32 to index
      %get3A_91 = arith.index_cast %add3A_89 : i32 to index
      %get3A_92 = memref.load %arg4[%get3A_90, %get3A_91] : memref<16x128xi32, #tpu.memory_space<smem>>
      %mul3A_93 = arith.constant 16 : i32
      %mul3A_94 = arith.muli %get3A_17, %mul3A_93 : i32
      %add3A_95 = arith.constant 11 : i32
      %add3A_96 = arith.addi %mul3A_94, %add3A_95 : i32
      %get3A_97 = arith.index_cast %get3A_15 : i32 to index
      %get3A_98 = arith.index_cast %add3A_96 : i32 to index
      %get3A_99 = memref.load %arg4[%get3A_97, %get3A_98] : memref<16x128xi32, #tpu.memory_space<smem>>
      %mul3A_100 = arith.constant 16 : i32
      %mul3A_101 = arith.muli %get3A_17, %mul3A_100 : i32
      %add3A_102 = arith.constant 12 : i32
      %add3A_103 = arith.addi %mul3A_101, %add3A_102 : i32
      %get3A_104 = arith.index_cast %get3A_15 : i32 to index
      %get3A_105 = arith.index_cast %add3A_103 : i32 to index
      %get3A_106 = memref.load %arg4[%get3A_104, %get3A_105] : memref<16x128xi32, #tpu.memory_space<smem>>
      %mul3A_107 = arith.constant 16 : i32
      %mul3A_108 = arith.muli %get3A_17, %mul3A_107 : i32
      %add3A_109 = arith.constant 13 : i32
      %add3A_110 = arith.addi %mul3A_108, %add3A_109 : i32
      %get3A_111 = arith.index_cast %get3A_15 : i32 to index
      %get3A_112 = arith.index_cast %add3A_110 : i32 to index
      %get3A_113 = memref.load %arg4[%get3A_111, %get3A_112] : memref<16x128xi32, #tpu.memory_space<smem>>
      %mul3A_114 = arith.constant 16 : i32
      %mul3A_115 = arith.muli %get3A_17, %mul3A_114 : i32
      %add3A_116 = arith.constant 14 : i32
      %add3A_117 = arith.addi %mul3A_115, %add3A_116 : i32
      %get3A_118 = arith.index_cast %get3A_15 : i32 to index
      %get3A_119 = arith.index_cast %add3A_117 : i32 to index
      %get3A_120 = memref.load %arg4[%get3A_118, %get3A_119] : memref<16x128xi32, #tpu.memory_space<smem>>
      %mul3A_121 = arith.constant 16 : i32
      %mul3A_122 = arith.muli %get3A_17, %mul3A_121 : i32
      %add3A_123 = arith.constant 15 : i32
      %add3A_124 = arith.addi %mul3A_122, %add3A_123 : i32
      %get3A_125 = arith.index_cast %get3A_15 : i32 to index
      %get3A_126 = arith.index_cast %add3A_124 : i32 to index
      %get3A_127 = memref.load %arg4[%get3A_125, %get3A_126] : memref<16x128xi32, #tpu.memory_space<smem>>
      %dma_wait3A = tpu.memref_slice %arg22[%rem3A_13] : memref<4x!tpu.dma_semaphore, #tpu.memory_space<semaphore_mem>> -> memref<1x!tpu.dma_semaphore, #tpu.memory_space<semaphore_mem>>
      %dma_wait3A_128 = tpu.memref_squeeze %dma_wait3A : memref<1x!tpu.dma_semaphore, #tpu.memory_space<semaphore_mem>> -> memref<!tpu.dma_semaphore, #tpu.memory_space<semaphore_mem>>
      %dma_wait3A_129 = arith.constant 0 : i32
      %dma_wait3A_130 = arith.constant 0 : i32
      %dma_wait3A_131 = arith.constant 0 : i32
      %dma_wait3A_132 = tpu.memref_slice %arg14[%rem3A_13, %dma_wait3A_129, %dma_wait3A_130, %dma_wait3A_131] : memref<4x2x256x1024xbf16, #tpu.memory_space<vmem>> -> memref<1x2x16x1024xbf16, #tpu.memory_space<vmem>>
      %dma_wait3A_133 = tpu.memref_squeeze %dma_wait3A_132 : memref<1x2x16x1024xbf16, #tpu.memory_space<vmem>> -> memref<2x16x1024xbf16, #tpu.memory_space<vmem>>
      %dma_wait3A_134 = arith.constant 0 : i32
      %dma_wait3A_135 = arith.constant 0 : i32
      %dma_wait3A_136 = arith.constant 0 : i32
      %dma_wait3A_137 = tpu.memref_slice %arg12[%get3A_22, %dma_wait3A_134, %dma_wait3A_135, %dma_wait3A_136] : memref<2048x2x16x1024xbf16, #tpu.memory_space<any>> -> memref<1x2x16x1024xbf16, #tpu.memory_space<any>>
      %dma_wait3A_138 = tpu.memref_squeeze %dma_wait3A_137 : memref<1x2x16x1024xbf16, #tpu.memory_space<any>> -> memref<2x16x1024xbf16, #tpu.memory_space<any>>
      tpu.wait_dma2 semaphore(%dma_wait3A_128 : memref<!tpu.dma_semaphore, #tpu.memory_space<semaphore_mem>>) src(%dma_wait3A_138 : memref<2x16x1024xbf16, #tpu.memory_space<any>>) dst(%dma_wait3A_133 : memref<2x16x1024xbf16, #tpu.memory_space<vmem>>)
      %dma_wait3A_139 = tpu.memref_slice %arg22[%rem3A_13] : memref<4x!tpu.dma_semaphore, #tpu.memory_space<semaphore_mem>> -> memref<1x!tpu.dma_semaphore, #tpu.memory_space<semaphore_mem>>
      %dma_wait3A_140 = tpu.memref_squeeze %dma_wait3A_139 : memref<1x!tpu.dma_semaphore, #tpu.memory_space<semaphore_mem>> -> memref<!tpu.dma_semaphore, #tpu.memory_space<semaphore_mem>>
      %dma_wait3A_141 = arith.constant 0 : i32
      %dma_wait3A_142 = arith.constant 16 : i32
      %dma_wait3A_143 = arith.constant 0 : i32
      %dma_wait3A_144 = tpu.memref_slice %arg14[%rem3A_13, %dma_wait3A_141, %dma_wait3A_142, %dma_wait3A_143] : memref<4x2x256x1024xbf16, #tpu.memory_space<vmem>> -> memref<1x2x16x1024xbf16, #tpu.memory_space<vmem>>
      %dma_wait3A_145 = tpu.memref_squeeze %dma_wait3A_144 : memref<1x2x16x1024xbf16, #tpu.memory_space<vmem>> -> memref<2x16x1024xbf16, #tpu.memory_space<vmem>>
      %dma_wait3A_146 = arith.constant 0 : i32
      %dma_wait3A_147 = arith.constant 0 : i32
      %dma_wait3A_148 = arith.constant 0 : i32
      %dma_wait3A_149 = tpu.memref_slice %arg12[%get3A_29, %dma_wait3A_146, %dma_wait3A_147, %dma_wait3A_148] : memref<2048x2x16x1024xbf16, #tpu.memory_space<any>> -> memref<1x2x16x1024xbf16, #tpu.memory_space<any>>
      %dma_wait3A_150 = tpu.memref_squeeze %dma_wait3A_149 : memref<1x2x16x1024xbf16, #tpu.memory_space<any>> -> memref<2x16x1024xbf16, #tpu.memory_space<any>>
      tpu.wait_dma2 semaphore(%dma_wait3A_140 : memref<!tpu.dma_semaphore, #tpu.memory_space<semaphore_mem>>) src(%dma_wait3A_150 : memref<2x16x1024xbf16, #tpu.memory_space<any>>) dst(%dma_wait3A_145 : memref<2x16x1024xbf16, #tpu.memory_space<vmem>>)
      %dma_wait3A_151 = tpu.memref_slice %arg22[%rem3A_13] : memref<4x!tpu.dma_semaphore, #tpu.memory_space<semaphore_mem>> -> memref<1x!tpu.dma_semaphore, #tpu.memory_space<semaphore_mem>>
      %dma_wait3A_152 = tpu.memref_squeeze %dma_wait3A_151 : memref<1x!tpu.dma_semaphore, #tpu.memory_space<semaphore_mem>> -> memref<!tpu.dma_semaphore, #tpu.memory_space<semaphore_mem>>
      %dma_wait3A_153 = arith.constant 0 : i32
      %dma_wait3A_154 = arith.constant 32 : i32
      %dma_wait3A_155 = arith.constant 0 : i32
      %dma_wait3A_156 = tpu.memref_slice %arg14[%rem3A_13, %dma_wait3A_153, %dma_wait3A_154, %dma_wait3A_155] : memref<4x2x256x1024xbf16, #tpu.memory_space<vmem>> -> memref<1x2x16x1024xbf16, #tpu.memory_space<vmem>>
      %dma_wait3A_157 = tpu.memref_squeeze %dma_wait3A_156 : memref<1x2x16x1024xbf16, #tpu.memory_space<vmem>> -> memref<2x16x1024xbf16, #tpu.memory_space<vmem>>
      %dma_wait3A_158 = arith.constant 0 : i32
      %dma_wait3A_159 = arith.constant 0 : i32
      %dma_wait3A_160 = arith.constant 0 : i32
      %dma_wait3A_161 = tpu.memref_slice %arg12[%get3A_36, %dma_wait3A_158, %dma_wait3A_159, %dma_wait3A_160] : memref<2048x2x16x1024xbf16, #tpu.memory_space<any>> -> memref<1x2x16x1024xbf16, #tpu.memory_space<any>>
      %dma_wait3A_162 = tpu.memref_squeeze %dma_wait3A_161 : memref<1x2x16x1024xbf16, #tpu.memory_space<any>> -> memref<2x16x1024xbf16, #tpu.memory_space<any>>
      tpu.wait_dma2 semaphore(%dma_wait3A_152 : memref<!tpu.dma_semaphore, #tpu.memory_space<semaphore_mem>>) src(%dma_wait3A_162 : memref<2x16x1024xbf16, #tpu.memory_space<any>>) dst(%dma_wait3A_157 : memref<2x16x1024xbf16, #tpu.memory_space<vmem>>)
      %dma_wait3A_163 = tpu.memref_slice %arg22[%rem3A_13] : memref<4x!tpu.dma_semaphore, #tpu.memory_space<semaphore_mem>> -> memref<1x!tpu.dma_semaphore, #tpu.memory_space<semaphore_mem>>
      %dma_wait3A_164 = tpu.memref_squeeze %dma_wait3A_163 : memref<1x!tpu.dma_semaphore, #tpu.memory_space<semaphore_mem>> -> memref<!tpu.dma_semaphore, #tpu.memory_space<semaphore_mem>>
      %dma_wait3A_165 = arith.constant 0 : i32
      %dma_wait3A_166 = arith.constant 48 : i32
      %dma_wait3A_167 = arith.constant 0 : i32
      %dma_wait3A_168 = tpu.memref_slice %arg14[%rem3A_13, %dma_wait3A_165, %dma_wait3A_166, %dma_wait3A_167] : memref<4x2x256x1024xbf16, #tpu.memory_space<vmem>> -> memref<1x2x16x1024xbf16, #tpu.memory_space<vmem>>
      %dma_wait3A_169 = tpu.memref_squeeze %dma_wait3A_168 : memref<1x2x16x1024xbf16, #tpu.memory_space<vmem>> -> memref<2x16x1024xbf16, #tpu.memory_space<vmem>>
      %dma_wait3A_170 = arith.constant 0 : i32
      %dma_wait3A_171 = arith.constant 0 : i32
      %dma_wait3A_172 = arith.constant 0 : i32
      %dma_wait3A_173 = tpu.memref_slice %arg12[%get3A_43, %dma_wait3A_170, %dma_wait3A_171, %dma_wait3A_172] : memref<2048x2x16x1024xbf16, #tpu.memory_space<any>> -> memref<1x2x16x1024xbf16, #tpu.memory_space<any>>
      %dma_wait3A_174 = tpu.memref_squeeze %dma_wait3A_173 : memref<1x2x16x1024xbf16, #tpu.memory_space<any>> -> memref<2x16x1024xbf16, #tpu.memory_space<any>>
      tpu.wait_dma2 semaphore(%dma_wait3A_164 : memref<!tpu.dma_semaphore, #tpu.memory_space<semaphore_mem>>) src(%dma_wait3A_174 : memref<2x16x1024xbf16, #tpu.memory_space<any>>) dst(%dma_wait3A_169 : memref<2x16x1024xbf16, #tpu.memory_space<vmem>>)
      %dma_wait3A_175 = tpu.memref_slice %arg22[%rem3A_13] : memref<4x!tpu.dma_semaphore, #tpu.memory_space<semaphore_mem>> -> memref<1x!tpu.dma_semaphore, #tpu.memory_space<semaphore_mem>>
      %dma_wait3A_176 = tpu.memref_squeeze %dma_wait3A_175 : memref<1x!tpu.dma_semaphore, #tpu.memory_space<semaphore_mem>> -> memref<!tpu.dma_semaphore, #tpu.memory_space<semaphore_mem>>
      %dma_wait3A_177 = arith.constant 0 : i32
      %dma_wait3A_178 = arith.constant 64 : i32
      %dma_wait3A_179 = arith.constant 0 : i32
      %dma_wait3A_180 = tpu.memref_slice %arg14[%rem3A_13, %dma_wait3A_177, %dma_wait3A_178, %dma_wait3A_179] : memref<4x2x256x1024xbf16, #tpu.memory_space<vmem>> -> memref<1x2x16x1024xbf16, #tpu.memory_space<vmem>>
      %dma_wait3A_181 = tpu.memref_squeeze %dma_wait3A_180 : memref<1x2x16x1024xbf16, #tpu.memory_space<vmem>> -> memref<2x16x1024xbf16, #tpu.memory_space<vmem>>
      %dma_wait3A_182 = arith.constant 0 : i32
      %dma_wait3A_183 = arith.constant 0 : i32
      %dma_wait3A_184 = arith.constant 0 : i32
      %dma_wait3A_185 = tpu.memref_slice %arg12[%get3A_50, %dma_wait3A_182, %dma_wait3A_183, %dma_wait3A_184] : memref<2048x2x16x1024xbf16, #tpu.memory_space<any>> -> memref<1x2x16x1024xbf16, #tpu.memory_space<any>>
      %dma_wait3A_186 = tpu.memref_squeeze %dma_wait3A_185 : memref<1x2x16x1024xbf16, #tpu.memory_space<any>> -> memref<2x16x1024xbf16, #tpu.memory_space<any>>
      tpu.wait_dma2 semaphore(%dma_wait3A_176 : memref<!tpu.dma_semaphore, #tpu.memory_space<semaphore_mem>>) src(%dma_wait3A_186 : memref<2x16x1024xbf16, #tpu.memory_space<any>>) dst(%dma_wait3A_181 : memref<2x16x1024xbf16, #tpu.memory_space<vmem>>)
      %dma_wait3A_187 = tpu.memref_slice %arg22[%rem3A_13] : memref<4x!tpu.dma_semaphore, #tpu.memory_space<semaphore_mem>> -> memref<1x!tpu.dma_semaphore, #tpu.memory_space<semaphore_mem>>
      %dma_wait3A_188 = tpu.memref_squeeze %dma_wait3A_187 : memref<1x!tpu.dma_semaphore, #tpu.memory_space<semaphore_mem>> -> memref<!tpu.dma_semaphore, #tpu.memory_space<semaphore_mem>>
      %dma_wait3A_189 = arith.constant 0 : i32
      %dma_wait3A_190 = arith.constant 80 : i32
      %dma_wait3A_191 = arith.constant 0 : i32
      %dma_wait3A_192 = tpu.memref_slice %arg14[%rem3A_13, %dma_wait3A_189, %dma_wait3A_190, %dma_wait3A_191] : memref<4x2x256x1024xbf16, #tpu.memory_space<vmem>> -> memref<1x2x16x1024xbf16, #tpu.memory_space<vmem>>
      %dma_wait3A_193 = tpu.memref_squeeze %dma_wait3A_192 : memref<1x2x16x1024xbf16, #tpu.memory_space<vmem>> -> memref<2x16x1024xbf16, #tpu.memory_space<vmem>>
      %dma_wait3A_194 = arith.constant 0 : i32
      %dma_wait3A_195 = arith.constant 0 : i32
      %dma_wait3A_196 = arith.constant 0 : i32
      %dma_wait3A_197 = tpu.memref_slice %arg12[%get3A_57, %dma_wait3A_194, %dma_wait3A_195, %dma_wait3A_196] : memref<2048x2x16x1024xbf16, #tpu.memory_space<any>> -> memref<1x2x16x1024xbf16, #tpu.memory_space<any>>
      %dma_wait3A_198 = tpu.memref_squeeze %dma_wait3A_197 : memref<1x2x16x1024xbf16, #tpu.memory_space<any>> -> memref<2x16x1024xbf16, #tpu.memory_space<any>>
      tpu.wait_dma2 semaphore(%dma_wait3A_188 : memref<!tpu.dma_semaphore, #tpu.memory_space<semaphore_mem>>) src(%dma_wait3A_198 : memref<2x16x1024xbf16, #tpu.memory_space<any>>) dst(%dma_wait3A_193 : memref<2x16x1024xbf16, #tpu.memory_space<vmem>>)
      %dma_wait3A_199 = tpu.memref_slice %arg22[%rem3A_13] : memref<4x!tpu.dma_semaphore, #tpu.memory_space<semaphore_mem>> -> memref<1x!tpu.dma_semaphore, #tpu.memory_space<semaphore_mem>>
      %dma_wait3A_200 = tpu.memref_squeeze %dma_wait3A_199 : memref<1x!tpu.dma_semaphore, #tpu.memory_space<semaphore_mem>> -> memref<!tpu.dma_semaphore, #tpu.memory_space<semaphore_mem>>
      %dma_wait3A_201 = arith.constant 0 : i32
      %dma_wait3A_202 = arith.constant 96 : i32
      %dma_wait3A_203 = arith.constant 0 : i32
      %dma_wait3A_204 = tpu.memref_slice %arg14[%rem3A_13, %dma_wait3A_201, %dma_wait3A_202, %dma_wait3A_203] : memref<4x2x256x1024xbf16, #tpu.memory_space<vmem>> -> memref<1x2x16x1024xbf16, #tpu.memory_space<vmem>>
      %dma_wait3A_205 = tpu.memref_squeeze %dma_wait3A_204 : memref<1x2x16x1024xbf16, #tpu.memory_space<vmem>> -> memref<2x16x1024xbf16, #tpu.memory_space<vmem>>
      %dma_wait3A_206 = arith.constant 0 : i32
      %dma_wait3A_207 = arith.constant 0 : i32
      %dma_wait3A_208 = arith.constant 0 : i32
      %dma_wait3A_209 = tpu.memref_slice %arg12[%get3A_64, %dma_wait3A_206, %dma_wait3A_207, %dma_wait3A_208] : memref<2048x2x16x1024xbf16, #tpu.memory_space<any>> -> memref<1x2x16x1024xbf16, #tpu.memory_space<any>>
      %dma_wait3A_210 = tpu.memref_squeeze %dma_wait3A_209 : memref<1x2x16x1024xbf16, #tpu.memory_space<any>> -> memref<2x16x1024xbf16, #tpu.memory_space<any>>
      tpu.wait_dma2 semaphore(%dma_wait3A_200 : memref<!tpu.dma_semaphore, #tpu.memory_space<semaphore_mem>>) src(%dma_wait3A_210 : memref<2x16x1024xbf16, #tpu.memory_space<any>>) dst(%dma_wait3A_205 : memref<2x16x1024xbf16, #tpu.memory_space<vmem>>)
      %dma_wait3A_211 = tpu.memref_slice %arg22[%rem3A_13] : memref<4x!tpu.dma_semaphore, #tpu.memory_space<semaphore_mem>> -> memref<1x!tpu.dma_semaphore, #tpu.memory_space<semaphore_mem>>
      %dma_wait3A_212 = tpu.memref_squeeze %dma_wait3A_211 : memref<1x!tpu.dma_semaphore, #tpu.memory_space<semaphore_mem>> -> memref<!tpu.dma_semaphore, #tpu.memory_space<semaphore_mem>>
      %dma_wait3A_213 = arith.constant 0 : i32
      %dma_wait3A_214 = arith.constant 112 : i32
      %dma_wait3A_215 = arith.constant 0 : i32
      %dma_wait3A_216 = tpu.memref_slice %arg14[%rem3A_13, %dma_wait3A_213, %dma_wait3A_214, %dma_wait3A_215] : memref<4x2x256x1024xbf16, #tpu.memory_space<vmem>> -> memref<1x2x16x1024xbf16, #tpu.memory_space<vmem>>
      %dma_wait3A_217 = tpu.memref_squeeze %dma_wait3A_216 : memref<1x2x16x1024xbf16, #tpu.memory_space<vmem>> -> memref<2x16x1024xbf16, #tpu.memory_space<vmem>>
      %dma_wait3A_218 = arith.constant 0 : i32
      %dma_wait3A_219 = arith.constant 0 : i32
      %dma_wait3A_220 = arith.constant 0 : i32
      %dma_wait3A_221 = tpu.memref_slice %arg12[%get3A_71, %dma_wait3A_218, %dma_wait3A_219, %dma_wait3A_220] : memref<2048x2x16x1024xbf16, #tpu.memory_space<any>> -> memref<1x2x16x1024xbf16, #tpu.memory_space<any>>
      %dma_wait3A_222 = tpu.memref_squeeze %dma_wait3A_221 : memref<1x2x16x1024xbf16, #tpu.memory_space<any>> -> memref<2x16x1024xbf16, #tpu.memory_space<any>>
      tpu.wait_dma2 semaphore(%dma_wait3A_212 : memref<!tpu.dma_semaphore, #tpu.memory_space<semaphore_mem>>) src(%dma_wait3A_222 : memref<2x16x1024xbf16, #tpu.memory_space<any>>) dst(%dma_wait3A_217 : memref<2x16x1024xbf16, #tpu.memory_space<vmem>>)
      %dma_wait3A_223 = tpu.memref_slice %arg22[%rem3A_13] : memref<4x!tpu.dma_semaphore, #tpu.memory_space<semaphore_mem>> -> memref<1x!tpu.dma_semaphore, #tpu.memory_space<semaphore_mem>>
      %dma_wait3A_224 = tpu.memref_squeeze %dma_wait3A_223 : memref<1x!tpu.dma_semaphore, #tpu.memory_space<semaphore_mem>> -> memref<!tpu.dma_semaphore, #tpu.memory_space<semaphore_mem>>
      %dma_wait3A_225 = arith.constant 0 : i32
      %dma_wait3A_226 = arith.constant 128 : i32
      %dma_wait3A_227 = arith.constant 0 : i32
      %dma_wait3A_228 = tpu.memref_slice %arg14[%rem3A_13, %dma_wait3A_225, %dma_wait3A_226, %dma_wait3A_227] : memref<4x2x256x1024xbf16, #tpu.memory_space<vmem>> -> memref<1x2x16x1024xbf16, #tpu.memory_space<vmem>>
      %dma_wait3A_229 = tpu.memref_squeeze %dma_wait3A_228 : memref<1x2x16x1024xbf16, #tpu.memory_space<vmem>> -> memref<2x16x1024xbf16, #tpu.memory_space<vmem>>
      %dma_wait3A_230 = arith.constant 0 : i32
      %dma_wait3A_231 = arith.constant 0 : i32
      %dma_wait3A_232 = arith.constant 0 : i32
      %dma_wait3A_233 = tpu.memref_slice %arg12[%get3A_78, %dma_wait3A_230, %dma_wait3A_231, %dma_wait3A_232] : memref<2048x2x16x1024xbf16, #tpu.memory_space<any>> -> memref<1x2x16x1024xbf16, #tpu.memory_space<any>>
      %dma_wait3A_234 = tpu.memref_squeeze %dma_wait3A_233 : memref<1x2x16x1024xbf16, #tpu.memory_space<any>> -> memref<2x16x1024xbf16, #tpu.memory_space<any>>
      tpu.wait_dma2 semaphore(%dma_wait3A_224 : memref<!tpu.dma_semaphore, #tpu.memory_space<semaphore_mem>>) src(%dma_wait3A_234 : memref<2x16x1024xbf16, #tpu.memory_space<any>>) dst(%dma_wait3A_229 : memref<2x16x1024xbf16, #tpu.memory_space<vmem>>)
      %dma_wait3A_235 = tpu.memref_slice %arg22[%rem3A_13] : memref<4x!tpu.dma_semaphore, #tpu.memory_space<semaphore_mem>> -> memref<1x!tpu.dma_semaphore, #tpu.memory_space<semaphore_mem>>
      %dma_wait3A_236 = tpu.memref_squeeze %dma_wait3A_235 : memref<1x!tpu.dma_semaphore, #tpu.memory_space<semaphore_mem>> -> memref<!tpu.dma_semaphore, #tpu.memory_space<semaphore_mem>>
      %dma_wait3A_237 = arith.constant 0 : i32
      %dma_wait3A_238 = arith.constant 144 : i32
      %dma_wait3A_239 = arith.constant 0 : i32
      %dma_wait3A_240 = tpu.memref_slice %arg14[%rem3A_13, %dma_wait3A_237, %dma_wait3A_238, %dma_wait3A_239] : memref<4x2x256x1024xbf16, #tpu.memory_space<vmem>> -> memref<1x2x16x1024xbf16, #tpu.memory_space<vmem>>
      %dma_wait3A_241 = tpu.memref_squeeze %dma_wait3A_240 : memref<1x2x16x1024xbf16, #tpu.memory_space<vmem>> -> memref<2x16x1024xbf16, #tpu.memory_space<vmem>>
      %dma_wait3A_242 = arith.constant 0 : i32
      %dma_wait3A_243 = arith.constant 0 : i32
      %dma_wait3A_244 = arith.constant 0 : i32
      %dma_wait3A_245 = tpu.memref_slice %arg12[%get3A_85, %dma_wait3A_242, %dma_wait3A_243, %dma_wait3A_244] : memref<2048x2x16x1024xbf16, #tpu.memory_space<any>> -> memref<1x2x16x1024xbf16, #tpu.memory_space<any>>
      %dma_wait3A_246 = tpu.memref_squeeze %dma_wait3A_245 : memref<1x2x16x1024xbf16, #tpu.memory_space<any>> -> memref<2x16x1024xbf16, #tpu.memory_space<any>>
      tpu.wait_dma2 semaphore(%dma_wait3A_236 : memref<!tpu.dma_semaphore, #tpu.memory_space<semaphore_mem>>) src(%dma_wait3A_246 : memref<2x16x1024xbf16, #tpu.memory_space<any>>) dst(%dma_wait3A_241 : memref<2x16x1024xbf16, #tpu.memory_space<vmem>>)
      %dma_wait3A_247 = tpu.memref_slice %arg22[%rem3A_13] : memref<4x!tpu.dma_semaphore, #tpu.memory_space<semaphore_mem>> -> memref<1x!tpu.dma_semaphore, #tpu.memory_space<semaphore_mem>>
      %dma_wait3A_248 = tpu.memref_squeeze %dma_wait3A_247 : memref<1x!tpu.dma_semaphore, #tpu.memory_space<semaphore_mem>> -> memref<!tpu.dma_semaphore, #tpu.memory_space<semaphore_mem>>
      %dma_wait3A_249 = arith.constant 0 : i32
      %dma_wait3A_250 = arith.constant 160 : i32
      %dma_wait3A_251 = arith.constant 0 : i32
      %dma_wait3A_252 = tpu.memref_slice %arg14[%rem3A_13, %dma_wait3A_249, %dma_wait3A_250, %dma_wait3A_251] : memref<4x2x256x1024xbf16, #tpu.memory_space<vmem>> -> memref<1x2x16x1024xbf16, #tpu.memory_space<vmem>>
      %dma_wait3A_253 = tpu.memref_squeeze %dma_wait3A_252 : memref<1x2x16x1024xbf16, #tpu.memory_space<vmem>> -> memref<2x16x1024xbf16, #tpu.memory_space<vmem>>
      %dma_wait3A_254 = arith.constant 0 : i32
      %dma_wait3A_255 = arith.constant 0 : i32
      %dma_wait3A_256 = arith.constant 0 : i32
      %dma_wait3A_257 = tpu.memref_slice %arg12[%get3A_92, %dma_wait3A_254, %dma_wait3A_255, %dma_wait3A_256] : memref<2048x2x16x1024xbf16, #tpu.memory_space<any>> -> memref<1x2x16x1024xbf16, #tpu.memory_space<any>>
      %dma_wait3A_258 = tpu.memref_squeeze %dma_wait3A_257 : memref<1x2x16x1024xbf16, #tpu.memory_space<any>> -> memref<2x16x1024xbf16, #tpu.memory_space<any>>
      tpu.wait_dma2 semaphore(%dma_wait3A_248 : memref<!tpu.dma_semaphore, #tpu.memory_space<semaphore_mem>>) src(%dma_wait3A_258 : memref<2x16x1024xbf16, #tpu.memory_space<any>>) dst(%dma_wait3A_253 : memref<2x16x1024xbf16, #tpu.memory_space<vmem>>)
      %dma_wait3A_259 = tpu.memref_slice %arg22[%rem3A_13] : memref<4x!tpu.dma_semaphore, #tpu.memory_space<semaphore_mem>> -> memref<1x!tpu.dma_semaphore, #tpu.memory_space<semaphore_mem>>
      %dma_wait3A_260 = tpu.memref_squeeze %dma_wait3A_259 : memref<1x!tpu.dma_semaphore, #tpu.memory_space<semaphore_mem>> -> memref<!tpu.dma_semaphore, #tpu.memory_space<semaphore_mem>>
      %dma_wait3A_261 = arith.constant 0 : i32
      %dma_wait3A_262 = arith.constant 176 : i32
      %dma_wait3A_263 = arith.constant 0 : i32
      %dma_wait3A_264 = tpu.memref_slice %arg14[%rem3A_13, %dma_wait3A_261, %dma_wait3A_262, %dma_wait3A_263] : memref<4x2x256x1024xbf16, #tpu.memory_space<vmem>> -> memref<1x2x16x1024xbf16, #tpu.memory_space<vmem>>
      %dma_wait3A_265 = tpu.memref_squeeze %dma_wait3A_264 : memref<1x2x16x1024xbf16, #tpu.memory_space<vmem>> -> memref<2x16x1024xbf16, #tpu.memory_space<vmem>>
      %dma_wait3A_266 = arith.constant 0 : i32
      %dma_wait3A_267 = arith.constant 0 : i32
      %dma_wait3A_268 = arith.constant 0 : i32
      %dma_wait3A_269 = tpu.memref_slice %arg12[%get3A_99, %dma_wait3A_266, %dma_wait3A_267, %dma_wait3A_268] : memref<2048x2x16x1024xbf16, #tpu.memory_space<any>> -> memref<1x2x16x1024xbf16, #tpu.memory_space<any>>
      %dma_wait3A_270 = tpu.memref_squeeze %dma_wait3A_269 : memref<1x2x16x1024xbf16, #tpu.memory_space<any>> -> memref<2x16x1024xbf16, #tpu.memory_space<any>>
      tpu.wait_dma2 semaphore(%dma_wait3A_260 : memref<!tpu.dma_semaphore, #tpu.memory_space<semaphore_mem>>) src(%dma_wait3A_270 : memref<2x16x1024xbf16, #tpu.memory_space<any>>) dst(%dma_wait3A_265 : memref<2x16x1024xbf16, #tpu.memory_space<vmem>>)
      %dma_wait3A_271 = tpu.memref_slice %arg22[%rem3A_13] : memref<4x!tpu.dma_semaphore, #tpu.memory_space<semaphore_mem>> -> memref<1x!tpu.dma_semaphore, #tpu.memory_space<semaphore_mem>>
      %dma_wait3A_272 = tpu.memref_squeeze %dma_wait3A_271 : memref<1x!tpu.dma_semaphore, #tpu.memory_space<semaphore_mem>> -> memref<!tpu.dma_semaphore, #tpu.memory_space<semaphore_mem>>
      %dma_wait3A_273 = arith.constant 0 : i32
      %dma_wait3A_274 = arith.constant 192 : i32
      %dma_wait3A_275 = arith.constant 0 : i32
      %dma_wait3A_276 = tpu.memref_slice %arg14[%rem3A_13, %dma_wait3A_273, %dma_wait3A_274, %dma_wait3A_275] : memref<4x2x256x1024xbf16, #tpu.memory_space<vmem>> -> memref<1x2x16x1024xbf16, #tpu.memory_space<vmem>>
      %dma_wait3A_277 = tpu.memref_squeeze %dma_wait3A_276 : memref<1x2x16x1024xbf16, #tpu.memory_space<vmem>> -> memref<2x16x1024xbf16, #tpu.memory_space<vmem>>
      %dma_wait3A_278 = arith.constant 0 : i32
      %dma_wait3A_279 = arith.constant 0 : i32
      %dma_wait3A_280 = arith.constant 0 : i32
      %dma_wait3A_281 = tpu.memref_slice %arg12[%get3A_106, %dma_wait3A_278, %dma_wait3A_279, %dma_wait3A_280] : memref<2048x2x16x1024xbf16, #tpu.memory_space<any>> -> memref<1x2x16x1024xbf16, #tpu.memory_space<any>>
      %dma_wait3A_282 = tpu.memref_squeeze %dma_wait3A_281 : memref<1x2x16x1024xbf16, #tpu.memory_space<any>> -> memref<2x16x1024xbf16, #tpu.memory_space<any>>
      tpu.wait_dma2 semaphore(%dma_wait3A_272 : memref<!tpu.dma_semaphore, #tpu.memory_space<semaphore_mem>>) src(%dma_wait3A_282 : memref<2x16x1024xbf16, #tpu.memory_space<any>>) dst(%dma_wait3A_277 : memref<2x16x1024xbf16, #tpu.memory_space<vmem>>)
      %dma_wait3A_283 = tpu.memref_slice %arg22[%rem3A_13] : memref<4x!tpu.dma_semaphore, #tpu.memory_space<semaphore_mem>> -> memref<1x!tpu.dma_semaphore, #tpu.memory_space<semaphore_mem>>
      %dma_wait3A_284 = tpu.memref_squeeze %dma_wait3A_283 : memref<1x!tpu.dma_semaphore, #tpu.memory_space<semaphore_mem>> -> memref<!tpu.dma_semaphore, #tpu.memory_space<semaphore_mem>>
      %dma_wait3A_285 = arith.constant 0 : i32
      %dma_wait3A_286 = arith.constant 208 : i32
      %dma_wait3A_287 = arith.constant 0 : i32
      %dma_wait3A_288 = tpu.memref_slice %arg14[%rem3A_13, %dma_wait3A_285, %dma_wait3A_286, %dma_wait3A_287] : memref<4x2x256x1024xbf16, #tpu.memory_space<vmem>> -> memref<1x2x16x1024xbf16, #tpu.memory_space<vmem>>
      %dma_wait3A_289 = tpu.memref_squeeze %dma_wait3A_288 : memref<1x2x16x1024xbf16, #tpu.memory_space<vmem>> -> memref<2x16x1024xbf16, #tpu.memory_space<vmem>>
      %dma_wait3A_290 = arith.constant 0 : i32
      %dma_wait3A_291 = arith.constant 0 : i32
      %dma_wait3A_292 = arith.constant 0 : i32
      %dma_wait3A_293 = tpu.memref_slice %arg12[%get3A_113, %dma_wait3A_290, %dma_wait3A_291, %dma_wait3A_292] : memref<2048x2x16x1024xbf16, #tpu.memory_space<any>> -> memref<1x2x16x1024xbf16, #tpu.memory_space<any>>
      %dma_wait3A_294 = tpu.memref_squeeze %dma_wait3A_293 : memref<1x2x16x1024xbf16, #tpu.memory_space<any>> -> memref<2x16x1024xbf16, #tpu.memory_space<any>>
      tpu.wait_dma2 semaphore(%dma_wait3A_284 : memref<!tpu.dma_semaphore, #tpu.memory_space<semaphore_mem>>) src(%dma_wait3A_294 : memref<2x16x1024xbf16, #tpu.memory_space<any>>) dst(%dma_wait3A_289 : memref<2x16x1024xbf16, #tpu.memory_space<vmem>>)
      %dma_wait3A_295 = tpu.memref_slice %arg22[%rem3A_13] : memref<4x!tpu.dma_semaphore, #tpu.memory_space<semaphore_mem>> -> memref<1x!tpu.dma_semaphore, #tpu.memory_space<semaphore_mem>>
      %dma_wait3A_296 = tpu.memref_squeeze %dma_wait3A_295 : memref<1x!tpu.dma_semaphore, #tpu.memory_space<semaphore_mem>> -> memref<!tpu.dma_semaphore, #tpu.memory_space<semaphore_mem>>
      %dma_wait3A_297 = arith.constant 0 : i32
      %dma_wait3A_298 = arith.constant 224 : i32
      %dma_wait3A_299 = arith.constant 0 : i32
      %dma_wait3A_300 = tpu.memref_slice %arg14[%rem3A_13, %dma_wait3A_297, %dma_wait3A_298, %dma_wait3A_299] : memref<4x2x256x1024xbf16, #tpu.memory_space<vmem>> -> memref<1x2x16x1024xbf16, #tpu.memory_space<vmem>>
      %dma_wait3A_301 = tpu.memref_squeeze %dma_wait3A_300 : memref<1x2x16x1024xbf16, #tpu.memory_space<vmem>> -> memref<2x16x1024xbf16, #tpu.memory_space<vmem>>
      %dma_wait3A_302 = arith.constant 0 : i32
      %dma_wait3A_303 = arith.constant 0 : i32
      %dma_wait3A_304 = arith.constant 0 : i32
      %dma_wait3A_305 = tpu.memref_slice %arg12[%get3A_120, %dma_wait3A_302, %dma_wait3A_303, %dma_wait3A_304] : memref<2048x2x16x1024xbf16, #tpu.memory_space<any>> -> memref<1x2x16x1024xbf16, #tpu.memory_space<any>>
      %dma_wait3A_306 = tpu.memref_squeeze %dma_wait3A_305 : memref<1x2x16x1024xbf16, #tpu.memory_space<any>> -> memref<2x16x1024xbf16, #tpu.memory_space<any>>
      tpu.wait_dma2 semaphore(%dma_wait3A_296 : memref<!tpu.dma_semaphore, #tpu.memory_space<semaphore_mem>>) src(%dma_wait3A_306 : memref<2x16x1024xbf16, #tpu.memory_space<any>>) dst(%dma_wait3A_301 : memref<2x16x1024xbf16, #tpu.memory_space<vmem>>)
      %dma_wait3A_307 = tpu.memref_slice %arg22[%rem3A_13] : memref<4x!tpu.dma_semaphore, #tpu.memory_space<semaphore_mem>> -> memref<1x!tpu.dma_semaphore, #tpu.memory_space<semaphore_mem>>
      %dma_wait3A_308 = tpu.memref_squeeze %dma_wait3A_307 : memref<1x!tpu.dma_semaphore, #tpu.memory_space<semaphore_mem>> -> memref<!tpu.dma_semaphore, #tpu.memory_space<semaphore_mem>>
      %dma_wait3A_309 = arith.constant 0 : i32
      %dma_wait3A_310 = arith.constant 240 : i32
      %dma_wait3A_311 = arith.constant 0 : i32
      %dma_wait3A_312 = tpu.memref_slice %arg14[%rem3A_13, %dma_wait3A_309, %dma_wait3A_310, %dma_wait3A_311] : memref<4x2x256x1024xbf16, #tpu.memory_space<vmem>> -> memref<1x2x16x1024xbf16, #tpu.memory_space<vmem>>
      %dma_wait3A_313 = tpu.memref_squeeze %dma_wait3A_312 : memref<1x2x16x1024xbf16, #tpu.memory_space<vmem>> -> memref<2x16x1024xbf16, #tpu.memory_space<vmem>>
      %dma_wait3A_314 = arith.constant 0 : i32
      %dma_wait3A_315 = arith.constant 0 : i32
      %dma_wait3A_316 = arith.constant 0 : i32
      %dma_wait3A_317 = tpu.memref_slice %arg12[%get3A_127, %dma_wait3A_314, %dma_wait3A_315, %dma_wait3A_316] : memref<2048x2x16x1024xbf16, #tpu.memory_space<any>> -> memref<1x2x16x1024xbf16, #tpu.memory_space<any>>
      %dma_wait3A_318 = tpu.memref_squeeze %dma_wait3A_317 : memref<1x2x16x1024xbf16, #tpu.memory_space<any>> -> memref<2x16x1024xbf16, #tpu.memory_space<any>>
      tpu.wait_dma2 semaphore(%dma_wait3A_308 : memref<!tpu.dma_semaphore, #tpu.memory_space<semaphore_mem>>) src(%dma_wait3A_318 : memref<2x16x1024xbf16, #tpu.memory_space<any>>) dst(%dma_wait3A_313 : memref<2x16x1024xbf16, #tpu.memory_space<vmem>>)
      %add3A_319 = arith.constant 3 : i32
      %add3A_320 = arith.addi %arg0, %add3A_319 : i32
      %lt3A_321 = arith.cmpi slt, %add3A_320, %get3A_0 : i32
      %convert_element_type3A_322 = arith.extui %lt3A_321 : i1 to i32
      %cond3A_323 = arith.constant 0 : i32
      %cond3A_324 = arith.cmpi ne, %convert_element_type3A_322, %cond3A_323 : i32
      scf.if %cond3A_324 {
        %add3A_471 = arith.constant 3 : i32
        %add3A_472 = arith.addi %arg0, %add3A_471 : i32
        %rem3A_473 = arith.constant 4 : i32
        %rem3A_474 = arith.remsi %add3A_472, %rem3A_473 : i32
        %get3A_475 = arith.index_cast %add3A_472 : i32 to index
        %get3A_476 = memref.load %arg1[%get3A_475] : memref<129xi32, #tpu.memory_space<smem>>
        %get3A_477 = arith.index_cast %add3A_472 : i32 to index
        %get3A_478 = memref.load %arg2[%get3A_477] : memref<129xi32, #tpu.memory_space<smem>>
        %mul3A_479 = arith.constant 16 : i32
        %mul3A_480 = arith.muli %get3A_478, %mul3A_479 : i32
        %add3A_481 = arith.constant 0 : i32
        %add3A_482 = arith.addi %mul3A_480, %add3A_481 : i32
        %get3A_483 = arith.index_cast %get3A_476 : i32 to index
        %get3A_484 = arith.index_cast %add3A_482 : i32 to index
        %get3A_485 = memref.load %arg4[%get3A_483, %get3A_484] : memref<16x128xi32, #tpu.memory_space<smem>>
        %mul3A_486 = arith.constant 16 : i32
        %mul3A_487 = arith.muli %get3A_478, %mul3A_486 : i32
        %add3A_488 = arith.constant 1 : i32
        %add3A_489 = arith.addi %mul3A_487, %add3A_488 : i32
        %get3A_490 = arith.index_cast %get3A_476 : i32 to index
        %get3A_491 = arith.index_cast %add3A_489 : i32 to index
        %get3A_492 = memref.load %arg4[%get3A_490, %get3A_491] : memref<16x128xi32, #tpu.memory_space<smem>>
        %mul3A_493 = arith.constant 16 : i32
        %mul3A_494 = arith.muli %get3A_478, %mul3A_493 : i32
        %add3A_495 = arith.constant 2 : i32
        %add3A_496 = arith.addi %mul3A_494, %add3A_495 : i32
        %get3A_497 = arith.index_cast %get3A_476 : i32 to index
        %get3A_498 = arith.index_cast %add3A_496 : i32 to index
        %get3A_499 = memref.load %arg4[%get3A_497, %get3A_498] : memref<16x128xi32, #tpu.memory_space<smem>>
        %mul3A_500 = arith.constant 16 : i32
        %mul3A_501 = arith.muli %get3A_478, %mul3A_500 : i32
        %add3A_502 = arith.constant 3 : i32
        %add3A_503 = arith.addi %mul3A_501, %add3A_502 : i32
        %get3A_504 = arith.index_cast %get3A_476 : i32 to index
        %get3A_505 = arith.index_cast %add3A_503 : i32 to index
        %get3A_506 = memref.load %arg4[%get3A_504, %get3A_505] : memref<16x128xi32, #tpu.memory_space<smem>>
        %mul3A_507 = arith.constant 16 : i32
        %mul3A_508 = arith.muli %get3A_478, %mul3A_507 : i32
        %add3A_509 = arith.constant 4 : i32
        %add3A_510 = arith.addi %mul3A_508, %add3A_509 : i32
        %get3A_511 = arith.index_cast %get3A_476 : i32 to index
        %get3A_512 = arith.index_cast %add3A_510 : i32 to index
        %get3A_513 = memref.load %arg4[%get3A_511, %get3A_512] : memref<16x128xi32, #tpu.memory_space<smem>>
        %mul3A_514 = arith.constant 16 : i32
        %mul3A_515 = arith.muli %get3A_478, %mul3A_514 : i32
        %add3A_516 = arith.constant 5 : i32
        %add3A_517 = arith.addi %mul3A_515, %add3A_516 : i32
        %get3A_518 = arith.index_cast %get3A_476 : i32 to index
        %get3A_519 = arith.index_cast %add3A_517 : i32 to index
        %get3A_520 = memref.load %arg4[%get3A_518, %get3A_519] : memref<16x128xi32, #tpu.memory_space<smem>>
        %mul3A_521 = arith.constant 16 : i32
        %mul3A_522 = arith.muli %get3A_478, %mul3A_521 : i32
        %add3A_523 = arith.constant 6 : i32
        %add3A_524 = arith.addi %mul3A_522, %add3A_523 : i32
        %get3A_525 = arith.index_cast %get3A_476 : i32 to index
        %get3A_526 = arith.index_cast %add3A_524 : i32 to index
        %get3A_527 = memref.load %arg4[%get3A_525, %get3A_526] : memref<16x128xi32, #tpu.memory_space<smem>>
        %mul3A_528 = arith.constant 16 : i32
        %mul3A_529 = arith.muli %get3A_478, %mul3A_528 : i32
        %add3A_530 = arith.constant 7 : i32
        %add3A_531 = arith.addi %mul3A_529, %add3A_530 : i32
        %get3A_532 = arith.index_cast %get3A_476 : i32 to index
        %get3A_533 = arith.index_cast %add3A_531 : i32 to index
        %get3A_534 = memref.load %arg4[%get3A_532, %get3A_533] : memref<16x128xi32, #tpu.memory_space<smem>>
        %mul3A_535 = arith.constant 16 : i32
        %mul3A_536 = arith.muli %get3A_478, %mul3A_535 : i32
        %add3A_537 = arith.constant 8 : i32
        %add3A_538 = arith.addi %mul3A_536, %add3A_537 : i32
        %get3A_539 = arith.index_cast %get3A_476 : i32 to index
        %get3A_540 = arith.index_cast %add3A_538 : i32 to index
        %get3A_541 = memref.load %arg4[%get3A_539, %get3A_540] : memref<16x128xi32, #tpu.memory_space<smem>>
        %mul3A_542 = arith.constant 16 : i32
        %mul3A_543 = arith.muli %get3A_478, %mul3A_542 : i32
        %add3A_544 = arith.constant 9 : i32
        %add3A_545 = arith.addi %mul3A_543, %add3A_544 : i32
        %get3A_546 = arith.index_cast %get3A_476 : i32 to index
        %get3A_547 = arith.index_cast %add3A_545 : i32 to index
        %get3A_548 = memref.load %arg4[%get3A_546, %get3A_547] : memref<16x128xi32, #tpu.memory_space<smem>>
        %mul3A_549 = arith.constant 16 : i32
        %mul3A_550 = arith.muli %get3A_478, %mul3A_549 : i32
        %add3A_551 = arith.constant 10 : i32
        %add3A_552 = arith.addi %mul3A_550, %add3A_551 : i32
        %get3A_553 = arith.index_cast %get3A_476 : i32 to index
        %get3A_554 = arith.index_cast %add3A_552 : i32 to index
        %get3A_555 = memref.load %arg4[%get3A_553, %get3A_554] : memref<16x128xi32, #tpu.memory_space<smem>>
        %mul3A_556 = arith.constant 16 : i32
        %mul3A_557 = arith.muli %get3A_478, %mul3A_556 : i32
        %add3A_558 = arith.constant 11 : i32
        %add3A_559 = arith.addi %mul3A_557, %add3A_558 : i32
        %get3A_560 = arith.index_cast %get3A_476 : i32 to index
        %get3A_561 = arith.index_cast %add3A_559 : i32 to index
        %get3A_562 = memref.load %arg4[%get3A_560, %get3A_561] : memref<16x128xi32, #tpu.memory_space<smem>>
        %mul3A_563 = arith.constant 16 : i32
        %mul3A_564 = arith.muli %get3A_478, %mul3A_563 : i32
        %add3A_565 = arith.constant 12 : i32
        %add3A_566 = arith.addi %mul3A_564, %add3A_565 : i32
        %get3A_567 = arith.index_cast %get3A_476 : i32 to index
        %get3A_568 = arith.index_cast %add3A_566 : i32 to index
        %get3A_569 = memref.load %arg4[%get3A_567, %get3A_568] : memref<16x128xi32, #tpu.memory_space<smem>>
        %mul3A_570 = arith.constant 16 : i32
        %mul3A_571 = arith.muli %get3A_478, %mul3A_570 : i32
        %add3A_572 = arith.constant 13 : i32
        %add3A_573 = arith.addi %mul3A_571, %add3A_572 : i32
        %get3A_574 = arith.index_cast %get3A_476 : i32 to index
        %get3A_575 = arith.index_cast %add3A_573 : i32 to index
        %get3A_576 = memref.load %arg4[%get3A_574, %get3A_575] : memref<16x128xi32, #tpu.memory_space<smem>>
        %mul3A_577 = arith.constant 16 : i32
        %mul3A_578 = arith.muli %get3A_478, %mul3A_577 : i32
        %add3A_579 = arith.constant 14 : i32
        %add3A_580 = arith.addi %mul3A_578, %add3A_579 : i32
        %get3A_581 = arith.index_cast %get3A_476 : i32 to index
        %get3A_582 = arith.index_cast %add3A_580 : i32 to index
        %get3A_583 = memref.load %arg4[%get3A_581, %get3A_582] : memref<16x128xi32, #tpu.memory_space<smem>>
        %mul3A_584 = arith.constant 16 : i32
        %mul3A_585 = arith.muli %get3A_478, %mul3A_584 : i32
        %add3A_586 = arith.constant 15 : i32
        %add3A_587 = arith.addi %mul3A_585, %add3A_586 : i32
        %get3A_588 = arith.index_cast %get3A_476 : i32 to index
        %get3A_589 = arith.index_cast %add3A_587 : i32 to index
        %get3A_590 = memref.load %arg4[%get3A_588, %get3A_589] : memref<16x128xi32, #tpu.memory_space<smem>>
        %dma_start3A = tpu.memref_slice %arg22[%rem3A_474] : memref<4x!tpu.dma_semaphore, #tpu.memory_space<semaphore_mem>> -> memref<1x!tpu.dma_semaphore, #tpu.memory_space<semaphore_mem>>
        %dma_start3A_591 = tpu.memref_squeeze %dma_start3A : memref<1x!tpu.dma_semaphore, #tpu.memory_space<semaphore_mem>> -> memref<!tpu.dma_semaphore, #tpu.memory_space<semaphore_mem>>
        %dma_start3A_592 = arith.constant 0 : i32
        %dma_start3A_593 = arith.constant 0 : i32
        %dma_start3A_594 = arith.constant 0 : i32
        %dma_start3A_595 = tpu.memref_slice %arg14[%rem3A_474, %dma_start3A_592, %dma_start3A_593, %dma_start3A_594] : memref<4x2x256x1024xbf16, #tpu.memory_space<vmem>> -> memref<1x2x16x1024xbf16, #tpu.memory_space<vmem>>
        %dma_start3A_596 = tpu.memref_squeeze %dma_start3A_595 : memref<1x2x16x1024xbf16, #tpu.memory_space<vmem>> -> memref<2x16x1024xbf16, #tpu.memory_space<vmem>>
        %dma_start3A_597 = arith.constant 0 : i32
        %dma_start3A_598 = arith.constant 0 : i32
        %dma_start3A_599 = arith.constant 0 : i32
        %dma_start3A_600 = tpu.memref_slice %arg12[%get3A_485, %dma_start3A_597, %dma_start3A_598, %dma_start3A_599] : memref<2048x2x16x1024xbf16, #tpu.memory_space<any>> -> memref<1x2x16x1024xbf16, #tpu.memory_space<any>>
        %dma_start3A_601 = tpu.memref_squeeze %dma_start3A_600 : memref<1x2x16x1024xbf16, #tpu.memory_space<any>> -> memref<2x16x1024xbf16, #tpu.memory_space<any>>
        tpu.enqueue_dma source(%dma_start3A_601 : memref<2x16x1024xbf16, #tpu.memory_space<any>>) target(%dma_start3A_596 : memref<2x16x1024xbf16, #tpu.memory_space<vmem>>) target_semaphore(%dma_start3A_591 : memref<!tpu.dma_semaphore, #tpu.memory_space<semaphore_mem>>)
        %dma_start3A_602 = tpu.memref_slice %arg22[%rem3A_474] : memref<4x!tpu.dma_semaphore, #tpu.memory_space<semaphore_mem>> -> memref<1x!tpu.dma_semaphore, #tpu.memory_space<semaphore_mem>>
        %dma_start3A_603 = tpu.memref_squeeze %dma_start3A_602 : memref<1x!tpu.dma_semaphore, #tpu.memory_space<semaphore_mem>> -> memref<!tpu.dma_semaphore, #tpu.memory_space<semaphore_mem>>
        %dma_start3A_604 = arith.constant 0 : i32
        %dma_start3A_605 = arith.constant 16 : i32
        %dma_start3A_606 = arith.constant 0 : i32
        %dma_start3A_607 = tpu.memref_slice %arg14[%rem3A_474, %dma_start3A_604, %dma_start3A_605, %dma_start3A_606] : memref<4x2x256x1024xbf16, #tpu.memory_space<vmem>> -> memref<1x2x16x1024xbf16, #tpu.memory_space<vmem>>
        %dma_start3A_608 = tpu.memref_squeeze %dma_start3A_607 : memref<1x2x16x1024xbf16, #tpu.memory_space<vmem>> -> memref<2x16x1024xbf16, #tpu.memory_space<vmem>>
        %dma_start3A_609 = arith.constant 0 : i32
        %dma_start3A_610 = arith.constant 0 : i32
        %dma_start3A_611 = arith.constant 0 : i32
        %dma_start3A_612 = tpu.memref_slice %arg12[%get3A_492, %dma_start3A_609, %dma_start3A_610, %dma_start3A_611] : memref<2048x2x16x1024xbf16, #tpu.memory_space<any>> -> memref<1x2x16x1024xbf16, #tpu.memory_space<any>>
        %dma_start3A_613 = tpu.memref_squeeze %dma_start3A_612 : memref<1x2x16x1024xbf16, #tpu.memory_space<any>> -> memref<2x16x1024xbf16, #tpu.memory_space<any>>
        tpu.enqueue_dma source(%dma_start3A_613 : memref<2x16x1024xbf16, #tpu.memory_space<any>>) target(%dma_start3A_608 : memref<2x16x1024xbf16, #tpu.memory_space<vmem>>) target_semaphore(%dma_start3A_603 : memref<!tpu.dma_semaphore, #tpu.memory_space<semaphore_mem>>)
        %dma_start3A_614 = tpu.memref_slice %arg22[%rem3A_474] : memref<4x!tpu.dma_semaphore, #tpu.memory_space<semaphore_mem>> -> memref<1x!tpu.dma_semaphore, #tpu.memory_space<semaphore_mem>>
        %dma_start3A_615 = tpu.memref_squeeze %dma_start3A_614 : memref<1x!tpu.dma_semaphore, #tpu.memory_space<semaphore_mem>> -> memref<!tpu.dma_semaphore, #tpu.memory_space<semaphore_mem>>
        %dma_start3A_616 = arith.constant 0 : i32
        %dma_start3A_617 = arith.constant 32 : i32
        %dma_start3A_618 = arith.constant 0 : i32
        %dma_start3A_619 = tpu.memref_slice %arg14[%rem3A_474, %dma_start3A_616, %dma_start3A_617, %dma_start3A_618] : memref<4x2x256x1024xbf16, #tpu.memory_space<vmem>> -> memref<1x2x16x1024xbf16, #tpu.memory_space<vmem>>
        %dma_start3A_620 = tpu.memref_squeeze %dma_start3A_619 : memref<1x2x16x1024xbf16, #tpu.memory_space<vmem>> -> memref<2x16x1024xbf16, #tpu.memory_space<vmem>>
        %dma_start3A_621 = arith.constant 0 : i32
        %dma_start3A_622 = arith.constant 0 : i32
        %dma_start3A_623 = arith.constant 0 : i32
        %dma_start3A_624 = tpu.memref_slice %arg12[%get3A_499, %dma_start3A_621, %dma_start3A_622, %dma_start3A_623] : memref<2048x2x16x1024xbf16, #tpu.memory_space<any>> -> memref<1x2x16x1024xbf16, #tpu.memory_space<any>>
        %dma_start3A_625 = tpu.memref_squeeze %dma_start3A_624 : memref<1x2x16x1024xbf16, #tpu.memory_space<any>> -> memref<2x16x1024xbf16, #tpu.memory_space<any>>
        tpu.enqueue_dma source(%dma_start3A_625 : memref<2x16x1024xbf16, #tpu.memory_space<any>>) target(%dma_start3A_620 : memref<2x16x1024xbf16, #tpu.memory_space<vmem>>) target_semaphore(%dma_start3A_615 : memref<!tpu.dma_semaphore, #tpu.memory_space<semaphore_mem>>)
        %dma_start3A_626 = tpu.memref_slice %arg22[%rem3A_474] : memref<4x!tpu.dma_semaphore, #tpu.memory_space<semaphore_mem>> -> memref<1x!tpu.dma_semaphore, #tpu.memory_space<semaphore_mem>>
        %dma_start3A_627 = tpu.memref_squeeze %dma_start3A_626 : memref<1x!tpu.dma_semaphore, #tpu.memory_space<semaphore_mem>> -> memref<!tpu.dma_semaphore, #tpu.memory_space<semaphore_mem>>
        %dma_start3A_628 = arith.constant 0 : i32
        %dma_start3A_629 = arith.constant 48 : i32
        %dma_start3A_630 = arith.constant 0 : i32
        %dma_start3A_631 = tpu.memref_slice %arg14[%rem3A_474, %dma_start3A_628, %dma_start3A_629, %dma_start3A_630] : memref<4x2x256x1024xbf16, #tpu.memory_space<vmem>> -> memref<1x2x16x1024xbf16, #tpu.memory_space<vmem>>
        %dma_start3A_632 = tpu.memref_squeeze %dma_start3A_631 : memref<1x2x16x1024xbf16, #tpu.memory_space<vmem>> -> memref<2x16x1024xbf16, #tpu.memory_space<vmem>>
        %dma_start3A_633 = arith.constant 0 : i32
        %dma_start3A_634 = arith.constant 0 : i32
        %dma_start3A_635 = arith.constant 0 : i32
        %dma_start3A_636 = tpu.memref_slice %arg12[%get3A_506, %dma_start3A_633, %dma_start3A_634, %dma_start3A_635] : memref<2048x2x16x1024xbf16, #tpu.memory_space<any>> -> memref<1x2x16x1024xbf16, #tpu.memory_space<any>>
        %dma_start3A_637 = tpu.memref_squeeze %dma_start3A_636 : memref<1x2x16x1024xbf16, #tpu.memory_space<any>> -> memref<2x16x1024xbf16, #tpu.memory_space<any>>
        tpu.enqueue_dma source(%dma_start3A_637 : memref<2x16x1024xbf16, #tpu.memory_space<any>>) target(%dma_start3A_632 : memref<2x16x1024xbf16, #tpu.memory_space<vmem>>) target_semaphore(%dma_start3A_627 : memref<!tpu.dma_semaphore, #tpu.memory_space<semaphore_mem>>)
        %dma_start3A_638 = tpu.memref_slice %arg22[%rem3A_474] : memref<4x!tpu.dma_semaphore, #tpu.memory_space<semaphore_mem>> -> memref<1x!tpu.dma_semaphore, #tpu.memory_space<semaphore_mem>>
        %dma_start3A_639 = tpu.memref_squeeze %dma_start3A_638 : memref<1x!tpu.dma_semaphore, #tpu.memory_space<semaphore_mem>> -> memref<!tpu.dma_semaphore, #tpu.memory_space<semaphore_mem>>
        %dma_start3A_640 = arith.constant 0 : i32
        %dma_start3A_641 = arith.constant 64 : i32
        %dma_start3A_642 = arith.constant 0 : i32
        %dma_start3A_643 = tpu.memref_slice %arg14[%rem3A_474, %dma_start3A_640, %dma_start3A_641, %dma_start3A_642] : memref<4x2x256x1024xbf16, #tpu.memory_space<vmem>> -> memref<1x2x16x1024xbf16, #tpu.memory_space<vmem>>
        %dma_start3A_644 = tpu.memref_squeeze %dma_start3A_643 : memref<1x2x16x1024xbf16, #tpu.memory_space<vmem>> -> memref<2x16x1024xbf16, #tpu.memory_space<vmem>>
        %dma_start3A_645 = arith.constant 0 : i32
        %dma_start3A_646 = arith.constant 0 : i32
        %dma_start3A_647 = arith.constant 0 : i32
        %dma_start3A_648 = tpu.memref_slice %arg12[%get3A_513, %dma_start3A_645, %dma_start3A_646, %dma_start3A_647] : memref<2048x2x16x1024xbf16, #tpu.memory_space<any>> -> memref<1x2x16x1024xbf16, #tpu.memory_space<any>>
        %dma_start3A_649 = tpu.memref_squeeze %dma_start3A_648 : memref<1x2x16x1024xbf16, #tpu.memory_space<any>> -> memref<2x16x1024xbf16, #tpu.memory_space<any>>
        tpu.enqueue_dma source(%dma_start3A_649 : memref<2x16x1024xbf16, #tpu.memory_space<any>>) target(%dma_start3A_644 : memref<2x16x1024xbf16, #tpu.memory_space<vmem>>) target_semaphore(%dma_start3A_639 : memref<!tpu.dma_semaphore, #tpu.memory_space<semaphore_mem>>)
        %dma_start3A_650 = tpu.memref_slice %arg22[%rem3A_474] : memref<4x!tpu.dma_semaphore, #tpu.memory_space<semaphore_mem>> -> memref<1x!tpu.dma_semaphore, #tpu.memory_space<semaphore_mem>>
        %dma_start3A_651 = tpu.memref_squeeze %dma_start3A_650 : memref<1x!tpu.dma_semaphore, #tpu.memory_space<semaphore_mem>> -> memref<!tpu.dma_semaphore, #tpu.memory_space<semaphore_mem>>
        %dma_start3A_652 = arith.constant 0 : i32
        %dma_start3A_653 = arith.constant 80 : i32
        %dma_start3A_654 = arith.constant 0 : i32
        %dma_start3A_655 = tpu.memref_slice %arg14[%rem3A_474, %dma_start3A_652, %dma_start3A_653, %dma_start3A_654] : memref<4x2x256x1024xbf16, #tpu.memory_space<vmem>> -> memref<1x2x16x1024xbf16, #tpu.memory_space<vmem>>
        %dma_start3A_656 = tpu.memref_squeeze %dma_start3A_655 : memref<1x2x16x1024xbf16, #tpu.memory_space<vmem>> -> memref<2x16x1024xbf16, #tpu.memory_space<vmem>>
        %dma_start3A_657 = arith.constant 0 : i32
        %dma_start3A_658 = arith.constant 0 : i32
        %dma_start3A_659 = arith.constant 0 : i32
        %dma_start3A_660 = tpu.memref_slice %arg12[%get3A_520, %dma_start3A_657, %dma_start3A_658, %dma_start3A_659] : memref<2048x2x16x1024xbf16, #tpu.memory_space<any>> -> memref<1x2x16x1024xbf16, #tpu.memory_space<any>>
        %dma_start3A_661 = tpu.memref_squeeze %dma_start3A_660 : memref<1x2x16x1024xbf16, #tpu.memory_space<any>> -> memref<2x16x1024xbf16, #tpu.memory_space<any>>
        tpu.enqueue_dma source(%dma_start3A_661 : memref<2x16x1024xbf16, #tpu.memory_space<any>>) target(%dma_start3A_656 : memref<2x16x1024xbf16, #tpu.memory_space<vmem>>) target_semaphore(%dma_start3A_651 : memref<!tpu.dma_semaphore, #tpu.memory_space<semaphore_mem>>)
        %dma_start3A_662 = tpu.memref_slice %arg22[%rem3A_474] : memref<4x!tpu.dma_semaphore, #tpu.memory_space<semaphore_mem>> -> memref<1x!tpu.dma_semaphore, #tpu.memory_space<semaphore_mem>>
        %dma_start3A_663 = tpu.memref_squeeze %dma_start3A_662 : memref<1x!tpu.dma_semaphore, #tpu.memory_space<semaphore_mem>> -> memref<!tpu.dma_semaphore, #tpu.memory_space<semaphore_mem>>
        %dma_start3A_664 = arith.constant 0 : i32
        %dma_start3A_665 = arith.constant 96 : i32
        %dma_start3A_666 = arith.constant 0 : i32
        %dma_start3A_667 = tpu.memref_slice %arg14[%rem3A_474, %dma_start3A_664, %dma_start3A_665, %dma_start3A_666] : memref<4x2x256x1024xbf16, #tpu.memory_space<vmem>> -> memref<1x2x16x1024xbf16, #tpu.memory_space<vmem>>
        %dma_start3A_668 = tpu.memref_squeeze %dma_start3A_667 : memref<1x2x16x1024xbf16, #tpu.memory_space<vmem>> -> memref<2x16x1024xbf16, #tpu.memory_space<vmem>>
        %dma_start3A_669 = arith.constant 0 : i32
        %dma_start3A_670 = arith.constant 0 : i32
        %dma_start3A_671 = arith.constant 0 : i32
        %dma_start3A_672 = tpu.memref_slice %arg12[%get3A_527, %dma_start3A_669, %dma_start3A_670, %dma_start3A_671] : memref<2048x2x16x1024xbf16, #tpu.memory_space<any>> -> memref<1x2x16x1024xbf16, #tpu.memory_space<any>>
        %dma_start3A_673 = tpu.memref_squeeze %dma_start3A_672 : memref<1x2x16x1024xbf16, #tpu.memory_space<any>> -> memref<2x16x1024xbf16, #tpu.memory_space<any>>
        tpu.enqueue_dma source(%dma_start3A_673 : memref<2x16x1024xbf16, #tpu.memory_space<any>>) target(%dma_start3A_668 : memref<2x16x1024xbf16, #tpu.memory_space<vmem>>) target_semaphore(%dma_start3A_663 : memref<!tpu.dma_semaphore, #tpu.memory_space<semaphore_mem>>)
        %dma_start3A_674 = tpu.memref_slice %arg22[%rem3A_474] : memref<4x!tpu.dma_semaphore, #tpu.memory_space<semaphore_mem>> -> memref<1x!tpu.dma_semaphore, #tpu.memory_space<semaphore_mem>>
        %dma_start3A_675 = tpu.memref_squeeze %dma_start3A_674 : memref<1x!tpu.dma_semaphore, #tpu.memory_space<semaphore_mem>> -> memref<!tpu.dma_semaphore, #tpu.memory_space<semaphore_mem>>
        %dma_start3A_676 = arith.constant 0 : i32
        %dma_start3A_677 = arith.constant 112 : i32
        %dma_start3A_678 = arith.constant 0 : i32
        %dma_start3A_679 = tpu.memref_slice %arg14[%rem3A_474, %dma_start3A_676, %dma_start3A_677, %dma_start3A_678] : memref<4x2x256x1024xbf16, #tpu.memory_space<vmem>> -> memref<1x2x16x1024xbf16, #tpu.memory_space<vmem>>
        %dma_start3A_680 = tpu.memref_squeeze %dma_start3A_679 : memref<1x2x16x1024xbf16, #tpu.memory_space<vmem>> -> memref<2x16x1024xbf16, #tpu.memory_space<vmem>>
        %dma_start3A_681 = arith.constant 0 : i32
        %dma_start3A_682 = arith.constant 0 : i32
        %dma_start3A_683 = arith.constant 0 : i32
        %dma_start3A_684 = tpu.memref_slice %arg12[%get3A_534, %dma_start3A_681, %dma_start3A_682, %dma_start3A_683] : memref<2048x2x16x1024xbf16, #tpu.memory_space<any>> -> memref<1x2x16x1024xbf16, #tpu.memory_space<any>>
        %dma_start3A_685 = tpu.memref_squeeze %dma_start3A_684 : memref<1x2x16x1024xbf16, #tpu.memory_space<any>> -> memref<2x16x1024xbf16, #tpu.memory_space<any>>
        tpu.enqueue_dma source(%dma_start3A_685 : memref<2x16x1024xbf16, #tpu.memory_space<any>>) target(%dma_start3A_680 : memref<2x16x1024xbf16, #tpu.memory_space<vmem>>) target_semaphore(%dma_start3A_675 : memref<!tpu.dma_semaphore, #tpu.memory_space<semaphore_mem>>)
        %dma_start3A_686 = tpu.memref_slice %arg22[%rem3A_474] : memref<4x!tpu.dma_semaphore, #tpu.memory_space<semaphore_mem>> -> memref<1x!tpu.dma_semaphore, #tpu.memory_space<semaphore_mem>>
        %dma_start3A_687 = tpu.memref_squeeze %dma_start3A_686 : memref<1x!tpu.dma_semaphore, #tpu.memory_space<semaphore_mem>> -> memref<!tpu.dma_semaphore, #tpu.memory_space<semaphore_mem>>
        %dma_start3A_688 = arith.constant 0 : i32
        %dma_start3A_689 = arith.constant 128 : i32
        %dma_start3A_690 = arith.constant 0 : i32
        %dma_start3A_691 = tpu.memref_slice %arg14[%rem3A_474, %dma_start3A_688, %dma_start3A_689, %dma_start3A_690] : memref<4x2x256x1024xbf16, #tpu.memory_space<vmem>> -> memref<1x2x16x1024xbf16, #tpu.memory_space<vmem>>
        %dma_start3A_692 = tpu.memref_squeeze %dma_start3A_691 : memref<1x2x16x1024xbf16, #tpu.memory_space<vmem>> -> memref<2x16x1024xbf16, #tpu.memory_space<vmem>>
        %dma_start3A_693 = arith.constant 0 : i32
        %dma_start3A_694 = arith.constant 0 : i32
        %dma_start3A_695 = arith.constant 0 : i32
        %dma_start3A_696 = tpu.memref_slice %arg12[%get3A_541, %dma_start3A_693, %dma_start3A_694, %dma_start3A_695] : memref<2048x2x16x1024xbf16, #tpu.memory_space<any>> -> memref<1x2x16x1024xbf16, #tpu.memory_space<any>>
        %dma_start3A_697 = tpu.memref_squeeze %dma_start3A_696 : memref<1x2x16x1024xbf16, #tpu.memory_space<any>> -> memref<2x16x1024xbf16, #tpu.memory_space<any>>
        tpu.enqueue_dma source(%dma_start3A_697 : memref<2x16x1024xbf16, #tpu.memory_space<any>>) target(%dma_start3A_692 : memref<2x16x1024xbf16, #tpu.memory_space<vmem>>) target_semaphore(%dma_start3A_687 : memref<!tpu.dma_semaphore, #tpu.memory_space<semaphore_mem>>)
        %dma_start3A_698 = tpu.memref_slice %arg22[%rem3A_474] : memref<4x!tpu.dma_semaphore, #tpu.memory_space<semaphore_mem>> -> memref<1x!tpu.dma_semaphore, #tpu.memory_space<semaphore_mem>>
        %dma_start3A_699 = tpu.memref_squeeze %dma_start3A_698 : memref<1x!tpu.dma_semaphore, #tpu.memory_space<semaphore_mem>> -> memref<!tpu.dma_semaphore, #tpu.memory_space<semaphore_mem>>
        %dma_start3A_700 = arith.constant 0 : i32
        %dma_start3A_701 = arith.constant 144 : i32
        %dma_start3A_702 = arith.constant 0 : i32
        %dma_start3A_703 = tpu.memref_slice %arg14[%rem3A_474, %dma_start3A_700, %dma_start3A_701, %dma_start3A_702] : memref<4x2x256x1024xbf16, #tpu.memory_space<vmem>> -> memref<1x2x16x1024xbf16, #tpu.memory_space<vmem>>
        %dma_start3A_704 = tpu.memref_squeeze %dma_start3A_703 : memref<1x2x16x1024xbf16, #tpu.memory_space<vmem>> -> memref<2x16x1024xbf16, #tpu.memory_space<vmem>>
        %dma_start3A_705 = arith.constant 0 : i32
        %dma_start3A_706 = arith.constant 0 : i32
        %dma_start3A_707 = arith.constant 0 : i32
        %dma_start3A_708 = tpu.memref_slice %arg12[%get3A_548, %dma_start3A_705, %dma_start3A_706, %dma_start3A_707] : memref<2048x2x16x1024xbf16, #tpu.memory_space<any>> -> memref<1x2x16x1024xbf16, #tpu.memory_space<any>>
        %dma_start3A_709 = tpu.memref_squeeze %dma_start3A_708 : memref<1x2x16x1024xbf16, #tpu.memory_space<any>> -> memref<2x16x1024xbf16, #tpu.memory_space<any>>
        tpu.enqueue_dma source(%dma_start3A_709 : memref<2x16x1024xbf16, #tpu.memory_space<any>>) target(%dma_start3A_704 : memref<2x16x1024xbf16, #tpu.memory_space<vmem>>) target_semaphore(%dma_start3A_699 : memref<!tpu.dma_semaphore, #tpu.memory_space<semaphore_mem>>)
        %dma_start3A_710 = tpu.memref_slice %arg22[%rem3A_474] : memref<4x!tpu.dma_semaphore, #tpu.memory_space<semaphore_mem>> -> memref<1x!tpu.dma_semaphore, #tpu.memory_space<semaphore_mem>>
        %dma_start3A_711 = tpu.memref_squeeze %dma_start3A_710 : memref<1x!tpu.dma_semaphore, #tpu.memory_space<semaphore_mem>> -> memref<!tpu.dma_semaphore, #tpu.memory_space<semaphore_mem>>
        %dma_start3A_712 = arith.constant 0 : i32
        %dma_start3A_713 = arith.constant 160 : i32
        %dma_start3A_714 = arith.constant 0 : i32
        %dma_start3A_715 = tpu.memref_slice %arg14[%rem3A_474, %dma_start3A_712, %dma_start3A_713, %dma_start3A_714] : memref<4x2x256x1024xbf16, #tpu.memory_space<vmem>> -> memref<1x2x16x1024xbf16, #tpu.memory_space<vmem>>
        %dma_start3A_716 = tpu.memref_squeeze %dma_start3A_715 : memref<1x2x16x1024xbf16, #tpu.memory_space<vmem>> -> memref<2x16x1024xbf16, #tpu.memory_space<vmem>>
        %dma_start3A_717 = arith.constant 0 : i32
        %dma_start3A_718 = arith.constant 0 : i32
        %dma_start3A_719 = arith.constant 0 : i32
        %dma_start3A_720 = tpu.memref_slice %arg12[%get3A_555, %dma_start3A_717, %dma_start3A_718, %dma_start3A_719] : memref<2048x2x16x1024xbf16, #tpu.memory_space<any>> -> memref<1x2x16x1024xbf16, #tpu.memory_space<any>>
        %dma_start3A_721 = tpu.memref_squeeze %dma_start3A_720 : memref<1x2x16x1024xbf16, #tpu.memory_space<any>> -> memref<2x16x1024xbf16, #tpu.memory_space<any>>
        tpu.enqueue_dma source(%dma_start3A_721 : memref<2x16x1024xbf16, #tpu.memory_space<any>>) target(%dma_start3A_716 : memref<2x16x1024xbf16, #tpu.memory_space<vmem>>) target_semaphore(%dma_start3A_711 : memref<!tpu.dma_semaphore, #tpu.memory_space<semaphore_mem>>)
        %dma_start3A_722 = tpu.memref_slice %arg22[%rem3A_474] : memref<4x!tpu.dma_semaphore, #tpu.memory_space<semaphore_mem>> -> memref<1x!tpu.dma_semaphore, #tpu.memory_space<semaphore_mem>>
        %dma_start3A_723 = tpu.memref_squeeze %dma_start3A_722 : memref<1x!tpu.dma_semaphore, #tpu.memory_space<semaphore_mem>> -> memref<!tpu.dma_semaphore, #tpu.memory_space<semaphore_mem>>
        %dma_start3A_724 = arith.constant 0 : i32
        %dma_start3A_725 = arith.constant 176 : i32
        %dma_start3A_726 = arith.constant 0 : i32
        %dma_start3A_727 = tpu.memref_slice %arg14[%rem3A_474, %dma_start3A_724, %dma_start3A_725, %dma_start3A_726] : memref<4x2x256x1024xbf16, #tpu.memory_space<vmem>> -> memref<1x2x16x1024xbf16, #tpu.memory_space<vmem>>
        %dma_start3A_728 = tpu.memref_squeeze %dma_start3A_727 : memref<1x2x16x1024xbf16, #tpu.memory_space<vmem>> -> memref<2x16x1024xbf16, #tpu.memory_space<vmem>>
        %dma_start3A_729 = arith.constant 0 : i32
        %dma_start3A_730 = arith.constant 0 : i32
        %dma_start3A_731 = arith.constant 0 : i32
        %dma_start3A_732 = tpu.memref_slice %arg12[%get3A_562, %dma_start3A_729, %dma_start3A_730, %dma_start3A_731] : memref<2048x2x16x1024xbf16, #tpu.memory_space<any>> -> memref<1x2x16x1024xbf16, #tpu.memory_space<any>>
        %dma_start3A_733 = tpu.memref_squeeze %dma_start3A_732 : memref<1x2x16x1024xbf16, #tpu.memory_space<any>> -> memref<2x16x1024xbf16, #tpu.memory_space<any>>
        tpu.enqueue_dma source(%dma_start3A_733 : memref<2x16x1024xbf16, #tpu.memory_space<any>>) target(%dma_start3A_728 : memref<2x16x1024xbf16, #tpu.memory_space<vmem>>) target_semaphore(%dma_start3A_723 : memref<!tpu.dma_semaphore, #tpu.memory_space<semaphore_mem>>)
        %dma_start3A_734 = tpu.memref_slice %arg22[%rem3A_474] : memref<4x!tpu.dma_semaphore, #tpu.memory_space<semaphore_mem>> -> memref<1x!tpu.dma_semaphore, #tpu.memory_space<semaphore_mem>>
        %dma_start3A_735 = tpu.memref_squeeze %dma_start3A_734 : memref<1x!tpu.dma_semaphore, #tpu.memory_space<semaphore_mem>> -> memref<!tpu.dma_semaphore, #tpu.memory_space<semaphore_mem>>
        %dma_start3A_736 = arith.constant 0 : i32
        %dma_start3A_737 = arith.constant 192 : i32
        %dma_start3A_738 = arith.constant 0 : i32
        %dma_start3A_739 = tpu.memref_slice %arg14[%rem3A_474, %dma_start3A_736, %dma_start3A_737, %dma_start3A_738] : memref<4x2x256x1024xbf16, #tpu.memory_space<vmem>> -> memref<1x2x16x1024xbf16, #tpu.memory_space<vmem>>
        %dma_start3A_740 = tpu.memref_squeeze %dma_start3A_739 : memref<1x2x16x1024xbf16, #tpu.memory_space<vmem>> -> memref<2x16x1024xbf16, #tpu.memory_space<vmem>>
        %dma_start3A_741 = arith.constant 0 : i32
        %dma_start3A_742 = arith.constant 0 : i32
        %dma_start3A_743 = arith.constant 0 : i32
        %dma_start3A_744 = tpu.memref_slice %arg12[%get3A_569, %dma_start3A_741, %dma_start3A_742, %dma_start3A_743] : memref<2048x2x16x1024xbf16, #tpu.memory_space<any>> -> memref<1x2x16x1024xbf16, #tpu.memory_space<any>>
        %dma_start3A_745 = tpu.memref_squeeze %dma_start3A_744 : memref<1x2x16x1024xbf16, #tpu.memory_space<any>> -> memref<2x16x1024xbf16, #tpu.memory_space<any>>
        tpu.enqueue_dma source(%dma_start3A_745 : memref<2x16x1024xbf16, #tpu.memory_space<any>>) target(%dma_start3A_740 : memref<2x16x1024xbf16, #tpu.memory_space<vmem>>) target_semaphore(%dma_start3A_735 : memref<!tpu.dma_semaphore, #tpu.memory_space<semaphore_mem>>)
        %dma_start3A_746 = tpu.memref_slice %arg22[%rem3A_474] : memref<4x!tpu.dma_semaphore, #tpu.memory_space<semaphore_mem>> -> memref<1x!tpu.dma_semaphore, #tpu.memory_space<semaphore_mem>>
        %dma_start3A_747 = tpu.memref_squeeze %dma_start3A_746 : memref<1x!tpu.dma_semaphore, #tpu.memory_space<semaphore_mem>> -> memref<!tpu.dma_semaphore, #tpu.memory_space<semaphore_mem>>
        %dma_start3A_748 = arith.constant 0 : i32
        %dma_start3A_749 = arith.constant 208 : i32
        %dma_start3A_750 = arith.constant 0 : i32
        %dma_start3A_751 = tpu.memref_slice %arg14[%rem3A_474, %dma_start3A_748, %dma_start3A_749, %dma_start3A_750] : memref<4x2x256x1024xbf16, #tpu.memory_space<vmem>> -> memref<1x2x16x1024xbf16, #tpu.memory_space<vmem>>
        %dma_start3A_752 = tpu.memref_squeeze %dma_start3A_751 : memref<1x2x16x1024xbf16, #tpu.memory_space<vmem>> -> memref<2x16x1024xbf16, #tpu.memory_space<vmem>>
        %dma_start3A_753 = arith.constant 0 : i32
        %dma_start3A_754 = arith.constant 0 : i32
        %dma_start3A_755 = arith.constant 0 : i32
        %dma_start3A_756 = tpu.memref_slice %arg12[%get3A_576, %dma_start3A_753, %dma_start3A_754, %dma_start3A_755] : memref<2048x2x16x1024xbf16, #tpu.memory_space<any>> -> memref<1x2x16x1024xbf16, #tpu.memory_space<any>>
        %dma_start3A_757 = tpu.memref_squeeze %dma_start3A_756 : memref<1x2x16x1024xbf16, #tpu.memory_space<any>> -> memref<2x16x1024xbf16, #tpu.memory_space<any>>
        tpu.enqueue_dma source(%dma_start3A_757 : memref<2x16x1024xbf16, #tpu.memory_space<any>>) target(%dma_start3A_752 : memref<2x16x1024xbf16, #tpu.memory_space<vmem>>) target_semaphore(%dma_start3A_747 : memref<!tpu.dma_semaphore, #tpu.memory_space<semaphore_mem>>)
        %dma_start3A_758 = tpu.memref_slice %arg22[%rem3A_474] : memref<4x!tpu.dma_semaphore, #tpu.memory_space<semaphore_mem>> -> memref<1x!tpu.dma_semaphore, #tpu.memory_space<semaphore_mem>>
        %dma_start3A_759 = tpu.memref_squeeze %dma_start3A_758 : memref<1x!tpu.dma_semaphore, #tpu.memory_space<semaphore_mem>> -> memref<!tpu.dma_semaphore, #tpu.memory_space<semaphore_mem>>
        %dma_start3A_760 = arith.constant 0 : i32
        %dma_start3A_761 = arith.constant 224 : i32
        %dma_start3A_762 = arith.constant 0 : i32
        %dma_start3A_763 = tpu.memref_slice %arg14[%rem3A_474, %dma_start3A_760, %dma_start3A_761, %dma_start3A_762] : memref<4x2x256x1024xbf16, #tpu.memory_space<vmem>> -> memref<1x2x16x1024xbf16, #tpu.memory_space<vmem>>
        %dma_start3A_764 = tpu.memref_squeeze %dma_start3A_763 : memref<1x2x16x1024xbf16, #tpu.memory_space<vmem>> -> memref<2x16x1024xbf16, #tpu.memory_space<vmem>>
        %dma_start3A_765 = arith.constant 0 : i32
        %dma_start3A_766 = arith.constant 0 : i32
        %dma_start3A_767 = arith.constant 0 : i32
        %dma_start3A_768 = tpu.memref_slice %arg12[%get3A_583, %dma_start3A_765, %dma_start3A_766, %dma_start3A_767] : memref<2048x2x16x1024xbf16, #tpu.memory_space<any>> -> memref<1x2x16x1024xbf16, #tpu.memory_space<any>>
        %dma_start3A_769 = tpu.memref_squeeze %dma_start3A_768 : memref<1x2x16x1024xbf16, #tpu.memory_space<any>> -> memref<2x16x1024xbf16, #tpu.memory_space<any>>
        tpu.enqueue_dma source(%dma_start3A_769 : memref<2x16x1024xbf16, #tpu.memory_space<any>>) target(%dma_start3A_764 : memref<2x16x1024xbf16, #tpu.memory_space<vmem>>) target_semaphore(%dma_start3A_759 : memref<!tpu.dma_semaphore, #tpu.memory_space<semaphore_mem>>)
        %dma_start3A_770 = tpu.memref_slice %arg22[%rem3A_474] : memref<4x!tpu.dma_semaphore, #tpu.memory_space<semaphore_mem>> -> memref<1x!tpu.dma_semaphore, #tpu.memory_space<semaphore_mem>>
        %dma_start3A_771 = tpu.memref_squeeze %dma_start3A_770 : memref<1x!tpu.dma_semaphore, #tpu.memory_space<semaphore_mem>> -> memref<!tpu.dma_semaphore, #tpu.memory_space<semaphore_mem>>
        %dma_start3A_772 = arith.constant 0 : i32
        %dma_start3A_773 = arith.constant 240 : i32
        %dma_start3A_774 = arith.constant 0 : i32
        %dma_start3A_775 = tpu.memref_slice %arg14[%rem3A_474, %dma_start3A_772, %dma_start3A_773, %dma_start3A_774] : memref<4x2x256x1024xbf16, #tpu.memory_space<vmem>> -> memref<1x2x16x1024xbf16, #tpu.memory_space<vmem>>
        %dma_start3A_776 = tpu.memref_squeeze %dma_start3A_775 : memref<1x2x16x1024xbf16, #tpu.memory_space<vmem>> -> memref<2x16x1024xbf16, #tpu.memory_space<vmem>>
        %dma_start3A_777 = arith.constant 0 : i32
        %dma_start3A_778 = arith.constant 0 : i32
        %dma_start3A_779 = arith.constant 0 : i32
        %dma_start3A_780 = tpu.memref_slice %arg12[%get3A_590, %dma_start3A_777, %dma_start3A_778, %dma_start3A_779] : memref<2048x2x16x1024xbf16, #tpu.memory_space<any>> -> memref<1x2x16x1024xbf16, #tpu.memory_space<any>>
        %dma_start3A_781 = tpu.memref_squeeze %dma_start3A_780 : memref<1x2x16x1024xbf16, #tpu.memory_space<any>> -> memref<2x16x1024xbf16, #tpu.memory_space<any>>
        tpu.enqueue_dma source(%dma_start3A_781 : memref<2x16x1024xbf16, #tpu.memory_space<any>>) target(%dma_start3A_776 : memref<2x16x1024xbf16, #tpu.memory_space<vmem>>) target_semaphore(%dma_start3A_771 : memref<!tpu.dma_semaphore, #tpu.memory_space<semaphore_mem>>)
      } else {
      }
      %eq3A_325 = arith.constant 0 : i32
      %eq3A_326 = arith.cmpi eq, %get3A_9, %eq3A_325 : i32
      %convert_element_type3A_327 = arith.extui %eq3A_326 : i1 to i32
      %cond3A_328 = arith.constant 0 : i32
      %cond3A_329 = arith.cmpi ne, %convert_element_type3A_327, %cond3A_328 : i32
      scf.if %cond3A_329 {
        %broadcast_in_dim3A_471 = arith.constant -1.000000e+30 : f32
        %broadcast_in_dim3A_472 = vector.broadcast %broadcast_in_dim3A_471 : f32 to vector<1x16xf32>
        %swap3A_473 = arith.constant 0 : index
        %swap3A_474 = arith.constant 0 : index
        %swap3A_475 = vector.load %arg16[%swap3A_473, %swap3A_474] : memref<1x16xf32, #tpu.memory_space<vmem>>, vector<1x16xf32>
        tpu.vector_store %arg16[%swap3A_473, %swap3A_474], %broadcast_in_dim3A_472 {strides = array<i32>} : memref<1x16xf32, #tpu.memory_space<vmem>>, vector<1x16xf32>,
        %broadcast_in_dim3A_476 = arith.constant 0.000000e+00 : f32
        %broadcast_in_dim3A_477 = vector.broadcast %broadcast_in_dim3A_476 : f32 to vector<1x16xf32>
        %swap3A_478 = arith.constant 0 : index
        %swap3A_479 = arith.constant 0 : index
        %swap3A_480 = vector.load %arg17[%swap3A_478, %swap3A_479] : memref<1x16xf32, #tpu.memory_space<vmem>>, vector<1x16xf32>
        tpu.vector_store %arg17[%swap3A_478, %swap3A_479], %broadcast_in_dim3A_477 {strides = array<i32>} : memref<1x16xf32, #tpu.memory_space<vmem>>, vector<1x16xf32>,
        %broadcast_in_dim3A_481 = arith.constant 0.000000e+00 : f32
        %broadcast_in_dim3A_482 = vector.broadcast %broadcast_in_dim3A_481 : f32 to vector<1x1024xf32>
        %swap3A_483 = arith.constant 0 : index
        %swap3A_484 = arith.constant 0 : index
        %swap3A_485 = vector.load %arg15[%swap3A_483, %swap3A_484] : memref<1x1024xf32, #tpu.memory_space<vmem>>, vector<1x1024xf32>
        tpu.vector_store %arg15[%swap3A_483, %swap3A_484], %broadcast_in_dim3A_482 {strides = array<i32>} : memref<1x1024xf32, #tpu.memory_space<vmem>>, vector<1x1024xf32>,
        %get3A_486 = arith.constant 0 : index
        %get3A_487 = arith.constant 0 : index
        %get3A_488 = vector.load %arg8[%get3A_486, %get3A_487] : memref<16x1024xbf16, #tpu.memory_space<vmem>>, vector<16x1024xbf16>
        %get3A_489 = arith.constant 0 : index
        %get3A_490 = arith.constant 0 : index
        %get3A_491 = arith.constant 0 : index
        %get3A_492 = vector.load %arg7[%get3A_489, %get3A_490, %get3A_491] : memref<1x1024x16xbf16, #tpu.memory_space<vmem>>, vector<1x1024x16xbf16>
        %get3A_493 = vector.shape_cast %get3A_492 : vector<1x1024x16xbf16> to vector<1024x16xbf16>
        %dot_general3A_494 = arith.constant dense<0.000000e+00> : vector<16x16xf32>
        %dot_general3A_495 = tpu.matmul %get3A_488, %get3A_493, %dot_general3A_494 {dimension_numbers = #tpu.dot_dimension_numbers<[1], [0], [0], [1], [0, 0, 1, 1], [], []>, transpose_lhs_hint = false} : vector<16x1024xbf16>, vector<1024x16xbf16>, vector<16x16xf32> -> vector<16x16xf32>
        %swap3A_496 = arith.constant 0 : index
        %swap3A_497 = arith.constant 0 : index
        %swap3A_498 = vector.load %arg18[%swap3A_496, %swap3A_497] : memref<16x16xf32, #tpu.memory_space<vmem>>, vector<16x16xf32>
        tpu.vector_store %arg18[%swap3A_496, %swap3A_497], %dot_general3A_495 {strides = array<i32>} : memref<16x16xf32, #tpu.memory_space<vmem>>, vector<16x16xf32>,
      } else {
      }
      %rem3A_330 = arith.constant 4 : i32
      %rem3A_331 = arith.remsi %arg0, %rem3A_330 : i32
      %get3A_332 = arith.index_cast %rem3A_331 : i32 to index
      %get3A_333 = arith.constant 0 : index
      %get3A_334 = arith.constant 0 : index
      %get3A_335 = arith.constant 0 : index
      %get3A_336 = vector.load %arg14[%get3A_332, %get3A_333, %get3A_334, %get3A_335] : memref<4x2x256x1024xbf16, #tpu.memory_space<vmem>>, vector<1x1x256x1024xbf16>
      %get3A_337 = vector.shape_cast %get3A_336 : vector<1x1x256x1024xbf16> to vector<256x1024xbf16>
      %get3A_338 = arith.index_cast %rem3A_331 : i32 to index
      %get3A_339 = arith.constant 1 : index
      %get3A_340 = arith.constant 0 : index
      %get3A_341 = arith.constant 0 : index
      %get3A_342 = vector.load %arg14[%get3A_338, %get3A_339, %get3A_340, %get3A_341] : memref<4x2x256x1024xbf16, #tpu.memory_space<vmem>>, vector<1x1x256x1024xbf16>
      %get3A_343 = vector.shape_cast %get3A_342 : vector<1x1x256x1024xbf16> to vector<256x1024xbf16>
      %get3A_344 = arith.constant 0 : index
      %get3A_345 = arith.constant 0 : index
      %get3A_346 = arith.constant 0 : index
      %get3A_347 = vector.load %arg7[%get3A_344, %get3A_345, %get3A_346] : memref<1x1024x16xbf16, #tpu.memory_space<vmem>>, vector<1x1024x16xbf16>
      %get3A_348 = vector.shape_cast %get3A_347 : vector<1x1024x16xbf16> to vector<1024x16xbf16>
      %dot_general3A = arith.constant dense<0.000000e+00> : vector<256x16xf32>
      %dot_general3A_349 = tpu.matmul %get3A_337, %get3A_348, %dot_general3A {dimension_numbers = #tpu.dot_dimension_numbers<[1], [0], [0], [1], [0, 0, 1, 1], [], []>, transpose_lhs_hint = false} : vector<256x1024xbf16>, vector<1024x16xbf16>, vector<256x16xf32> -> vector<256x16xf32>
      %swap3A = arith.constant 0 : index
      %swap3A_350 = arith.constant 0 : index
      %swap3A_351 = vector.load %arg19[%swap3A, %swap3A_350] : memref<256x16xf32, #tpu.memory_space<vmem>>, vector<256x16xf32>
      tpu.vector_store %arg19[%swap3A, %swap3A_350], %dot_general3A_349 {strides = array<i32>} : memref<256x16xf32, #tpu.memory_space<vmem>>, vector<256x16xf32>,
      %mul3A_352 = arith.constant 8 : i32
      %mul3A_353 = arith.muli %get3A_7, %mul3A_352 : i32
      %add3A_354 = arith.addi %mul3A_353, %get3A_9 : i32
      %get3A_355 = arith.index_cast %add3A_354 : i32 to index
      %get3A_356 = memref.load %arg6[%get3A_355] : memref<128xi32, #tpu.memory_space<smem>>
      %eq3A_357 = arith.constant 1 : i32
      %eq3A_358 = arith.cmpi eq, %get3A_356, %eq3A_357 : i32
      %convert_element_type3A_359 = arith.extui %eq3A_358 : i1 to i32
      %cond3A_360 = arith.constant 0 : i32
      %cond3A_361 = arith.cmpi ne, %convert_element_type3A_359, %cond3A_360 : i32
      scf.if %cond3A_361 {
        %mul3A_471 = arith.constant 16 : i32
        %mul3A_472 = arith.muli %get3A_9, %mul3A_471 : i32
        %add3A_473 = arith.constant 0 : i32
        %add3A_474 = arith.addi %mul3A_472, %add3A_473 : i32
        %get3A_475 = arith.index_cast %get3A_7 : i32 to index
        %get3A_476 = arith.index_cast %add3A_474 : i32 to index
        %get3A_477 = memref.load %arg4[%get3A_475, %get3A_476] : memref<16x128xi32, #tpu.memory_space<smem>>
        %broadcast_in_dim3A_478 = vector.broadcast %get3A_477 : i32 to vector<16x1xi32>
        %swap3A_479 = arith.constant 0 : index
        %swap3A_480 = arith.constant 0 : index
        %swap3A_481 = vector.load %arg21[%swap3A_479, %swap3A_480] : memref<256x1xi32, #tpu.memory_space<vmem>>, vector<16x1xi32>
        tpu.vector_store %arg21[%swap3A_479, %swap3A_480], %broadcast_in_dim3A_478 {strides = array<i32>} : memref<256x1xi32, #tpu.memory_space<vmem>>, vector<16x1xi32>,
        %mul3A_482 = arith.constant 16 : i32
        %mul3A_483 = arith.muli %get3A_9, %mul3A_482 : i32
        %add3A_484 = arith.constant 1 : i32
        %add3A_485 = arith.addi %mul3A_483, %add3A_484 : i32
        %get3A_486 = arith.index_cast %get3A_7 : i32 to index
        %get3A_487 = arith.index_cast %add3A_485 : i32 to index
        %get3A_488 = memref.load %arg4[%get3A_486, %get3A_487] : memref<16x128xi32, #tpu.memory_space<smem>>
        %broadcast_in_dim3A_489 = vector.broadcast %get3A_488 : i32 to vector<16x1xi32>
        %swap3A_490 = arith.constant 16 : index
        %swap3A_491 = arith.constant 0 : index
        %swap3A_492 = vector.load %arg21[%swap3A_490, %swap3A_491] : memref<256x1xi32, #tpu.memory_space<vmem>>, vector<16x1xi32>
        tpu.vector_store %arg21[%swap3A_490, %swap3A_491], %broadcast_in_dim3A_489 {strides = array<i32>} : memref<256x1xi32, #tpu.memory_space<vmem>>, vector<16x1xi32>,
        %mul3A_493 = arith.constant 16 : i32
        %mul3A_494 = arith.muli %get3A_9, %mul3A_493 : i32
        %add3A_495 = arith.constant 2 : i32
        %add3A_496 = arith.addi %mul3A_494, %add3A_495 : i32
        %get3A_497 = arith.index_cast %get3A_7 : i32 to index
        %get3A_498 = arith.index_cast %add3A_496 : i32 to index
        %get3A_499 = memref.load %arg4[%get3A_497, %get3A_498] : memref<16x128xi32, #tpu.memory_space<smem>>
        %broadcast_in_dim3A_500 = vector.broadcast %get3A_499 : i32 to vector<16x1xi32>
        %swap3A_501 = arith.constant 32 : index
        %swap3A_502 = arith.constant 0 : index
        %swap3A_503 = vector.load %arg21[%swap3A_501, %swap3A_502] : memref<256x1xi32, #tpu.memory_space<vmem>>, vector<16x1xi32>
        tpu.vector_store %arg21[%swap3A_501, %swap3A_502], %broadcast_in_dim3A_500 {strides = array<i32>} : memref<256x1xi32, #tpu.memory_space<vmem>>, vector<16x1xi32>,
        %mul3A_504 = arith.constant 16 : i32
        %mul3A_505 = arith.muli %get3A_9, %mul3A_504 : i32
        %add3A_506 = arith.constant 3 : i32
        %add3A_507 = arith.addi %mul3A_505, %add3A_506 : i32
        %get3A_508 = arith.index_cast %get3A_7 : i32 to index
        %get3A_509 = arith.index_cast %add3A_507 : i32 to index
        %get3A_510 = memref.load %arg4[%get3A_508, %get3A_509] : memref<16x128xi32, #tpu.memory_space<smem>>
        %broadcast_in_dim3A_511 = vector.broadcast %get3A_510 : i32 to vector<16x1xi32>
        %swap3A_512 = arith.constant 48 : index
        %swap3A_513 = arith.constant 0 : index
        %swap3A_514 = vector.load %arg21[%swap3A_512, %swap3A_513] : memref<256x1xi32, #tpu.memory_space<vmem>>, vector<16x1xi32>
        tpu.vector_store %arg21[%swap3A_512, %swap3A_513], %broadcast_in_dim3A_511 {strides = array<i32>} : memref<256x1xi32, #tpu.memory_space<vmem>>, vector<16x1xi32>,
        %mul3A_515 = arith.constant 16 : i32
        %mul3A_516 = arith.muli %get3A_9, %mul3A_515 : i32
        %add3A_517 = arith.constant 4 : i32
        %add3A_518 = arith.addi %mul3A_516, %add3A_517 : i32
        %get3A_519 = arith.index_cast %get3A_7 : i32 to index
        %get3A_520 = arith.index_cast %add3A_518 : i32 to index
        %get3A_521 = memref.load %arg4[%get3A_519, %get3A_520] : memref<16x128xi32, #tpu.memory_space<smem>>
        %broadcast_in_dim3A_522 = vector.broadcast %get3A_521 : i32 to vector<16x1xi32>
        %swap3A_523 = arith.constant 64 : index
        %swap3A_524 = arith.constant 0 : index
        %swap3A_525 = vector.load %arg21[%swap3A_523, %swap3A_524] : memref<256x1xi32, #tpu.memory_space<vmem>>, vector<16x1xi32>
        tpu.vector_store %arg21[%swap3A_523, %swap3A_524], %broadcast_in_dim3A_522 {strides = array<i32>} : memref<256x1xi32, #tpu.memory_space<vmem>>, vector<16x1xi32>,
        %mul3A_526 = arith.constant 16 : i32
        %mul3A_527 = arith.muli %get3A_9, %mul3A_526 : i32
        %add3A_528 = arith.constant 5 : i32
        %add3A_529 = arith.addi %mul3A_527, %add3A_528 : i32
        %get3A_530 = arith.index_cast %get3A_7 : i32 to index
        %get3A_531 = arith.index_cast %add3A_529 : i32 to index
        %get3A_532 = memref.load %arg4[%get3A_530, %get3A_531] : memref<16x128xi32, #tpu.memory_space<smem>>
        %broadcast_in_dim3A_533 = vector.broadcast %get3A_532 : i32 to vector<16x1xi32>
        %swap3A_534 = arith.constant 80 : index
        %swap3A_535 = arith.constant 0 : index
        %swap3A_536 = vector.load %arg21[%swap3A_534, %swap3A_535] : memref<256x1xi32, #tpu.memory_space<vmem>>, vector<16x1xi32>
        tpu.vector_store %arg21[%swap3A_534, %swap3A_535], %broadcast_in_dim3A_533 {strides = array<i32>} : memref<256x1xi32, #tpu.memory_space<vmem>>, vector<16x1xi32>,
        %mul3A_537 = arith.constant 16 : i32
        %mul3A_538 = arith.muli %get3A_9, %mul3A_537 : i32
        %add3A_539 = arith.constant 6 : i32
        %add3A_540 = arith.addi %mul3A_538, %add3A_539 : i32
        %get3A_541 = arith.index_cast %get3A_7 : i32 to index
        %get3A_542 = arith.index_cast %add3A_540 : i32 to index
        %get3A_543 = memref.load %arg4[%get3A_541, %get3A_542] : memref<16x128xi32, #tpu.memory_space<smem>>
        %broadcast_in_dim3A_544 = vector.broadcast %get3A_543 : i32 to vector<16x1xi32>
        %swap3A_545 = arith.constant 96 : index
        %swap3A_546 = arith.constant 0 : index
        %swap3A_547 = vector.load %arg21[%swap3A_545, %swap3A_546] : memref<256x1xi32, #tpu.memory_space<vmem>>, vector<16x1xi32>
        tpu.vector_store %arg21[%swap3A_545, %swap3A_546], %broadcast_in_dim3A_544 {strides = array<i32>} : memref<256x1xi32, #tpu.memory_space<vmem>>, vector<16x1xi32>,
        %mul3A_548 = arith.constant 16 : i32
        %mul3A_549 = arith.muli %get3A_9, %mul3A_548 : i32
        %add3A_550 = arith.constant 7 : i32
        %add3A_551 = arith.addi %mul3A_549, %add3A_550 : i32
        %get3A_552 = arith.index_cast %get3A_7 : i32 to index
        %get3A_553 = arith.index_cast %add3A_551 : i32 to index
        %get3A_554 = memref.load %arg4[%get3A_552, %get3A_553] : memref<16x128xi32, #tpu.memory_space<smem>>
        %broadcast_in_dim3A_555 = vector.broadcast %get3A_554 : i32 to vector<16x1xi32>
        %swap3A_556 = arith.constant 112 : index
        %swap3A_557 = arith.constant 0 : index
        %swap3A_558 = vector.load %arg21[%swap3A_556, %swap3A_557] : memref<256x1xi32, #tpu.memory_space<vmem>>, vector<16x1xi32>
        tpu.vector_store %arg21[%swap3A_556, %swap3A_557], %broadcast_in_dim3A_555 {strides = array<i32>} : memref<256x1xi32, #tpu.memory_space<vmem>>, vector<16x1xi32>,
        %mul3A_559 = arith.constant 16 : i32
        %mul3A_560 = arith.muli %get3A_9, %mul3A_559 : i32
        %add3A_561 = arith.constant 8 : i32
        %add3A_562 = arith.addi %mul3A_560, %add3A_561 : i32
        %get3A_563 = arith.index_cast %get3A_7 : i32 to index
        %get3A_564 = arith.index_cast %add3A_562 : i32 to index
        %get3A_565 = memref.load %arg4[%get3A_563, %get3A_564] : memref<16x128xi32, #tpu.memory_space<smem>>
        %broadcast_in_dim3A_566 = vector.broadcast %get3A_565 : i32 to vector<16x1xi32>
        %swap3A_567 = arith.constant 128 : index
        %swap3A_568 = arith.constant 0 : index
        %swap3A_569 = vector.load %arg21[%swap3A_567, %swap3A_568] : memref<256x1xi32, #tpu.memory_space<vmem>>, vector<16x1xi32>
        tpu.vector_store %arg21[%swap3A_567, %swap3A_568], %broadcast_in_dim3A_566 {strides = array<i32>} : memref<256x1xi32, #tpu.memory_space<vmem>>, vector<16x1xi32>,
        %mul3A_570 = arith.constant 16 : i32
        %mul3A_571 = arith.muli %get3A_9, %mul3A_570 : i32
        %add3A_572 = arith.constant 9 : i32
        %add3A_573 = arith.addi %mul3A_571, %add3A_572 : i32
        %get3A_574 = arith.index_cast %get3A_7 : i32 to index
        %get3A_575 = arith.index_cast %add3A_573 : i32 to index
        %get3A_576 = memref.load %arg4[%get3A_574, %get3A_575] : memref<16x128xi32, #tpu.memory_space<smem>>
        %broadcast_in_dim3A_577 = vector.broadcast %get3A_576 : i32 to vector<16x1xi32>
        %swap3A_578 = arith.constant 144 : index
        %swap3A_579 = arith.constant 0 : index
        %swap3A_580 = vector.load %arg21[%swap3A_578, %swap3A_579] : memref<256x1xi32, #tpu.memory_space<vmem>>, vector<16x1xi32>
        tpu.vector_store %arg21[%swap3A_578, %swap3A_579], %broadcast_in_dim3A_577 {strides = array<i32>} : memref<256x1xi32, #tpu.memory_space<vmem>>, vector<16x1xi32>,
        %mul3A_581 = arith.constant 16 : i32
        %mul3A_582 = arith.muli %get3A_9, %mul3A_581 : i32
        %add3A_583 = arith.constant 10 : i32
        %add3A_584 = arith.addi %mul3A_582, %add3A_583 : i32
        %get3A_585 = arith.index_cast %get3A_7 : i32 to index
        %get3A_586 = arith.index_cast %add3A_584 : i32 to index
        %get3A_587 = memref.load %arg4[%get3A_585, %get3A_586] : memref<16x128xi32, #tpu.memory_space<smem>>
        %broadcast_in_dim3A_588 = vector.broadcast %get3A_587 : i32 to vector<16x1xi32>
        %swap3A_589 = arith.constant 160 : index
        %swap3A_590 = arith.constant 0 : index
        %swap3A_591 = vector.load %arg21[%swap3A_589, %swap3A_590] : memref<256x1xi32, #tpu.memory_space<vmem>>, vector<16x1xi32>
        tpu.vector_store %arg21[%swap3A_589, %swap3A_590], %broadcast_in_dim3A_588 {strides = array<i32>} : memref<256x1xi32, #tpu.memory_space<vmem>>, vector<16x1xi32>,
        %mul3A_592 = arith.constant 16 : i32
        %mul3A_593 = arith.muli %get3A_9, %mul3A_592 : i32
        %add3A_594 = arith.constant 11 : i32
        %add3A_595 = arith.addi %mul3A_593, %add3A_594 : i32
        %get3A_596 = arith.index_cast %get3A_7 : i32 to index
        %get3A_597 = arith.index_cast %add3A_595 : i32 to index
        %get3A_598 = memref.load %arg4[%get3A_596, %get3A_597] : memref<16x128xi32, #tpu.memory_space<smem>>
        %broadcast_in_dim3A_599 = vector.broadcast %get3A_598 : i32 to vector<16x1xi32>
        %swap3A_600 = arith.constant 176 : index
        %swap3A_601 = arith.constant 0 : index
        %swap3A_602 = vector.load %arg21[%swap3A_600, %swap3A_601] : memref<256x1xi32, #tpu.memory_space<vmem>>, vector<16x1xi32>
        tpu.vector_store %arg21[%swap3A_600, %swap3A_601], %broadcast_in_dim3A_599 {strides = array<i32>} : memref<256x1xi32, #tpu.memory_space<vmem>>, vector<16x1xi32>,
        %mul3A_603 = arith.constant 16 : i32
        %mul3A_604 = arith.muli %get3A_9, %mul3A_603 : i32
        %add3A_605 = arith.constant 12 : i32
        %add3A_606 = arith.addi %mul3A_604, %add3A_605 : i32
        %get3A_607 = arith.index_cast %get3A_7 : i32 to index
        %get3A_608 = arith.index_cast %add3A_606 : i32 to index
        %get3A_609 = memref.load %arg4[%get3A_607, %get3A_608] : memref<16x128xi32, #tpu.memory_space<smem>>
        %broadcast_in_dim3A_610 = vector.broadcast %get3A_609 : i32 to vector<16x1xi32>
        %swap3A_611 = arith.constant 192 : index
        %swap3A_612 = arith.constant 0 : index
        %swap3A_613 = vector.load %arg21[%swap3A_611, %swap3A_612] : memref<256x1xi32, #tpu.memory_space<vmem>>, vector<16x1xi32>
        tpu.vector_store %arg21[%swap3A_611, %swap3A_612], %broadcast_in_dim3A_610 {strides = array<i32>} : memref<256x1xi32, #tpu.memory_space<vmem>>, vector<16x1xi32>,
        %mul3A_614 = arith.constant 16 : i32
        %mul3A_615 = arith.muli %get3A_9, %mul3A_614 : i32
        %add3A_616 = arith.constant 13 : i32
        %add3A_617 = arith.addi %mul3A_615, %add3A_616 : i32
        %get3A_618 = arith.index_cast %get3A_7 : i32 to index
        %get3A_619 = arith.index_cast %add3A_617 : i32 to index
        %get3A_620 = memref.load %arg4[%get3A_618, %get3A_619] : memref<16x128xi32, #tpu.memory_space<smem>>
        %broadcast_in_dim3A_621 = vector.broadcast %get3A_620 : i32 to vector<16x1xi32>
        %swap3A_622 = arith.constant 208 : index
        %swap3A_623 = arith.constant 0 : index
        %swap3A_624 = vector.load %arg21[%swap3A_622, %swap3A_623] : memref<256x1xi32, #tpu.memory_space<vmem>>, vector<16x1xi32>
        tpu.vector_store %arg21[%swap3A_622, %swap3A_623], %broadcast_in_dim3A_621 {strides = array<i32>} : memref<256x1xi32, #tpu.memory_space<vmem>>, vector<16x1xi32>,
        %mul3A_625 = arith.constant 16 : i32
        %mul3A_626 = arith.muli %get3A_9, %mul3A_625 : i32
        %add3A_627 = arith.constant 14 : i32
        %add3A_628 = arith.addi %mul3A_626, %add3A_627 : i32
        %get3A_629 = arith.index_cast %get3A_7 : i32 to index
        %get3A_630 = arith.index_cast %add3A_628 : i32 to index
        %get3A_631 = memref.load %arg4[%get3A_629, %get3A_630] : memref<16x128xi32, #tpu.memory_space<smem>>
        %broadcast_in_dim3A_632 = vector.broadcast %get3A_631 : i32 to vector<16x1xi32>
        %swap3A_633 = arith.constant 224 : index
        %swap3A_634 = arith.constant 0 : index
        %swap3A_635 = vector.load %arg21[%swap3A_633, %swap3A_634] : memref<256x1xi32, #tpu.memory_space<vmem>>, vector<16x1xi32>
        tpu.vector_store %arg21[%swap3A_633, %swap3A_634], %broadcast_in_dim3A_632 {strides = array<i32>} : memref<256x1xi32, #tpu.memory_space<vmem>>, vector<16x1xi32>,
        %mul3A_636 = arith.constant 16 : i32
        %mul3A_637 = arith.muli %get3A_9, %mul3A_636 : i32
        %add3A_638 = arith.constant 15 : i32
        %add3A_639 = arith.addi %mul3A_637, %add3A_638 : i32
        %get3A_640 = arith.index_cast %get3A_7 : i32 to index
        %get3A_641 = arith.index_cast %add3A_639 : i32 to index
        %get3A_642 = memref.load %arg4[%get3A_640, %get3A_641] : memref<16x128xi32, #tpu.memory_space<smem>>
        %broadcast_in_dim3A_643 = vector.broadcast %get3A_642 : i32 to vector<16x1xi32>
        %swap3A_644 = arith.constant 240 : index
        %swap3A_645 = arith.constant 0 : index
        %swap3A_646 = vector.load %arg21[%swap3A_644, %swap3A_645] : memref<256x1xi32, #tpu.memory_space<vmem>>, vector<16x1xi32>
        tpu.vector_store %arg21[%swap3A_644, %swap3A_645], %broadcast_in_dim3A_643 {strides = array<i32>} : memref<256x1xi32, #tpu.memory_space<vmem>>, vector<16x1xi32>,
        %iota3A_647 = tpu.iota {dimensions = array<i32: 0>} : vector<256x1xi32>
        %jit3A_648 = arith.constant 16 : i32
        %eq3A_649 = arith.constant 0 : i32
        %eq3A_650 = arith.cmpi eq, %jit3A_648, %eq3A_649 : i32
        %jit3A_651 = arith.constant 1 : i32
        %select_n3A_652 = arith.select %eq3A_650, %jit3A_651, %jit3A_648 : i32
        %rem3A_653 = vector.broadcast %select_n3A_652 : i32 to vector<256x1xi32>
        %rem3A_654 = arith.remsi %iota3A_647, %rem3A_653 : vector<256x1xi32>
        %ne3A_655 = arith.constant 0 : i32
        %ne3A_656 = vector.broadcast %ne3A_655 : i32 to vector<256x1xi32>
        %ne3A_657 = arith.cmpi ne, %rem3A_654, %ne3A_656 : vector<256x1xi32>
        %lt3A_658 = arith.constant 0 : i32
        %lt3A_659 = vector.broadcast %lt3A_658 : i32 to vector<256x1xi32>
        %lt3A_660 = arith.cmpi slt, %rem3A_654, %lt3A_659 : vector<256x1xi32>
        %lt3A_661 = arith.constant 0 : i32
        %lt3A_662 = arith.cmpi slt, %select_n3A_652, %lt3A_661 : i32
        %ne3A_663 = vector.broadcast %lt3A_662 : i1 to vector<256x1xi1>
        %ne3A_664 = vector.broadcast %ne3A_663 : vector<256x1xi1> to vector<256x1xi1>
        %ne3A_665 = arith.xori %lt3A_660, %ne3A_664 : vector<256x1xi1>
        %and3A_666 = arith.andi %ne3A_665, %ne3A_657 : vector<256x1xi1>
        %add3A_667 = vector.broadcast %select_n3A_652 : i32 to vector<256x1xi32>
        %add3A_668 = arith.addi %rem3A_654, %add3A_667 : vector<256x1xi32>
        %select_n3A_669 = arith.select %and3A_666, %add3A_668, %rem3A_654 : vector<256x1xi1>, vector<256x1xi32>
        %get3A_670 = arith.constant 0 : index
        %get3A_671 = arith.constant 0 : index
        %get3A_672 = vector.load %arg21[%get3A_670, %get3A_671] : memref<256x1xi32, #tpu.memory_space<vmem>>, vector<256x1xi32>
        %get3A_673 = arith.constant 0 : index
        %get3A_674 = arith.constant 0 : index
        %get3A_675 = vector.load %arg10[%get3A_673, %get3A_674] : memref<1x16xi32, #tpu.memory_space<vmem>>, vector<1x16xi32>
        %eq3A_676 = vector.broadcast %get3A_672 : vector<256x1xi32> to vector<256x16xi32>
        %eq3A_677 = vector.broadcast %get3A_675 : vector<1x16xi32> to vector<256x16xi32>
        %eq3A_678 = arith.cmpi eq, %eq3A_676, %eq3A_677 : vector<256x16xi32>
        %get3A_679 = arith.constant 0 : index
        %get3A_680 = arith.constant 0 : index
        %get3A_681 = vector.load %arg11[%get3A_679, %get3A_680] : memref<1x16xi32, #tpu.memory_space<vmem>>, vector<1x16xi32>
        %eq3A_682 = vector.broadcast %select_n3A_669 : vector<256x1xi32> to vector<256x16xi32>
        %eq3A_683 = vector.broadcast %get3A_681 : vector<1x16xi32> to vector<256x16xi32>
        %eq3A_684 = arith.cmpi eq, %eq3A_682, %eq3A_683 : vector<256x16xi32>
        %and3A_685 = arith.andi %eq3A_678, %eq3A_684 : vector<256x16xi1>
        %reduce_or3A = arith.constant 1.000000e+00 : f32
        %reduce_or3A_686 = arith.constant 0.000000e+00 : f32
        %reduce_or3A_687 = vector.broadcast %reduce_or3A : f32 to vector<256x16xf32>
        %reduce_or3A_688 = vector.broadcast %reduce_or3A_686 : f32 to vector<256x16xf32>
        %reduce_or3A_689 = arith.select %and3A_685, %reduce_or3A_687, %reduce_or3A_688 : vector<256x16xi1>, vector<256x16xf32>
        %reduce_or3A_690 = arith.constant dense<0xFF800000> : vector<256xf32>
        %reduce_or3A_691 = vector.multi_reduction <maximumf>, %reduce_or3A_689, %reduce_or3A_690 [1] : vector<256x16xf32> to vector<256xf32>
        %reduce_or3A_692 = arith.constant 0.000000e+00 : f32
        %reduce_or3A_693 = vector.broadcast %reduce_or3A_692 : f32 to vector<256xf32>
        %reduce_or3A_694 = arith.cmpf ogt, %reduce_or3A_691, %reduce_or3A_693 : vector<256xf32>
        %broadcast_in_dim3A_695 = vector.shape_cast %reduce_or3A_694 : vector<256xi1> to vector<256x1xi1>
        %convert_element_type3A_696 = arith.extui %and3A_685 : vector<256x16xi1> to vector<256x16xi32>
        %convert_element_type3A_697 = arith.sitofp %convert_element_type3A_696 : vector<256x16xi32> to vector<256x16xf32>
        %get3A_698 = arith.constant 0 : index
        %get3A_699 = arith.constant 0 : index
        %get3A_700 = vector.load %arg18[%get3A_698, %get3A_699] : memref<16x16xf32, #tpu.memory_space<vmem>>, vector<16x16xf32>
        %dot_general3A_701 = arith.constant dense<0.000000e+00> : vector<256x16xf32>
        %dot_general3A_702 = tpu.matmul %convert_element_type3A_697, %get3A_700, %dot_general3A_701 {dimension_numbers = #tpu.dot_dimension_numbers<[1], [0], [0], [1], [0, 0, 1, 1], [], []>, transpose_lhs_hint = false} : vector<256x16xf32>, vector<16x16xf32>, vector<256x16xf32> -> vector<256x16xf32>
        %get3A_703 = arith.constant 0 : index
        %get3A_704 = arith.constant 0 : index
        %get3A_705 = vector.load %arg19[%get3A_703, %get3A_704] : memref<256x16xf32, #tpu.memory_space<vmem>>, vector<256x16xf32>
        %broadcast_in_dim3A_706 = vector.shape_cast %broadcast_in_dim3A_695 : vector<256x1xi1> to vector<256x1xi1>
        %broadcast_in_dim3A_707 = vector.broadcast %broadcast_in_dim3A_706 : vector<256x1xi1> to vector<256x16xi1>
        %select_n3A_708 = arith.select %broadcast_in_dim3A_707, %dot_general3A_702, %get3A_705 : vector<256x16xi1>, vector<256x16xf32>
        %swap3A_709 = arith.constant 0 : index
        %swap3A_710 = arith.constant 0 : index
        %swap3A_711 = vector.load %arg19[%swap3A_709, %swap3A_710] : memref<256x16xf32, #tpu.memory_space<vmem>>, vector<256x16xf32>
        tpu.vector_store %arg19[%swap3A_709, %swap3A_710], %select_n3A_708 {strides = array<i32>} : memref<256x16xf32, #tpu.memory_space<vmem>>, vector<256x16xf32>,
      } else {
      }
      %mul3A_362 = arith.constant 256 : i32
      %mul3A_363 = arith.muli %get3A_9, %mul3A_362 : i32
      %iota3A = tpu.iota {dimensions = array<i32: 0>} : vector<256x1xi32>
      %add3A_364 = vector.broadcast %mul3A_363 : i32 to vector<256x1xi32>
      %add3A_365 = arith.addi %add3A_364, %iota3A : vector<256x1xi32>
      %lt3A_366 = vector.broadcast %max3A_12 : i32 to vector<256x1xi32>
      %lt3A_367 = arith.cmpi slt, %add3A_365, %lt3A_366 : vector<256x1xi32>
      %get3A_368 = arith.constant 0 : index
      %get3A_369 = arith.constant 0 : index
      %get3A_370 = vector.load %arg19[%get3A_368, %get3A_369] : memref<256x16xf32, #tpu.memory_space<vmem>>, vector<256x16xf32>
      %jit3A = arith.constant -1.000000e+30 : f32
      %broadcast_in_dim3A = vector.shape_cast %lt3A_367 : vector<256x1xi1> to vector<256x1xi1>
      %broadcast_in_dim3A_371 = vector.broadcast %broadcast_in_dim3A : vector<256x1xi1> to vector<256x16xi1>
      %broadcast_in_dim3A_372 = vector.broadcast %jit3A : f32 to vector<256x16xf32>
      %select_n3A = arith.select %broadcast_in_dim3A_371, %get3A_370, %broadcast_in_dim3A_372 : vector<256x16xi1>, vector<256x16xf32>
      %get3A_373 = arith.constant 0 : index
      %get3A_374 = arith.constant 0 : index
      %get3A_375 = vector.load %arg16[%get3A_373, %get3A_374] : memref<1x16xf32, #tpu.memory_space<vmem>>, vector<1x16xf32>
      %reduce_max3A = arith.constant dense<0xFF800000> : vector<16xf32>
      %reduce_max3A_376 = vector.multi_reduction <maximumf>, %select_n3A, %reduce_max3A [0] : vector<256x16xf32> to vector<16xf32>
      %broadcast_in_dim3A_377 = vector.shape_cast %reduce_max3A_376 : vector<16xf32> to vector<1x16xf32>
      %max3A_378 = arith.maximumf %get3A_375, %broadcast_in_dim3A_377 : vector<1x16xf32>
      %sub3A = arith.subf %get3A_375, %max3A_378 : vector<1x16xf32>
      %exp3A = math.exp %sub3A : vector<1x16xf32>
      %sub3A_379 = vector.broadcast %max3A_378 : vector<1x16xf32> to vector<256x16xf32>
      %sub3A_380 = arith.subf %select_n3A, %sub3A_379 : vector<256x16xf32>
      %exp3A_381 = math.exp %sub3A_380 : vector<256x16xf32>
      %get3A_382 = arith.constant 0 : index
      %get3A_383 = arith.constant 0 : index
      %get3A_384 = vector.load %arg17[%get3A_382, %get3A_383] : memref<1x16xf32, #tpu.memory_space<vmem>>, vector<1x16xf32>
      %mul3A_385 = arith.mulf %get3A_384, %exp3A : vector<1x16xf32>
      %reduce_sum3A = arith.constant dense<0.000000e+00> : vector<16xf32>
      %reduce_sum3A_386 = vector.multi_reduction <add>, %exp3A_381, %reduce_sum3A [0] : vector<256x16xf32> to vector<16xf32>
      %broadcast_in_dim3A_387 = vector.shape_cast %reduce_sum3A_386 : vector<16xf32> to vector<1x16xf32>
      %add3A_388 = arith.addf %mul3A_385, %broadcast_in_dim3A_387 : vector<1x16xf32>
      %swap3A_389 = arith.constant 0 : index
      %swap3A_390 = arith.constant 0 : index
      %swap3A_391 = vector.load %arg17[%swap3A_389, %swap3A_390] : memref<1x16xf32, #tpu.memory_space<vmem>>, vector<1x16xf32>
      tpu.vector_store %arg17[%swap3A_389, %swap3A_390], %add3A_388 {strides = array<i32>} : memref<1x16xf32, #tpu.memory_space<vmem>>, vector<1x16xf32>,
      %swap3A_392 = arith.constant 0 : index
      %swap3A_393 = arith.constant 0 : index
      %swap3A_394 = vector.load %arg16[%swap3A_392, %swap3A_393] : memref<1x16xf32, #tpu.memory_space<vmem>>, vector<1x16xf32>
      tpu.vector_store %arg16[%swap3A_392, %swap3A_393], %max3A_378 {strides = array<i32>} : memref<1x16xf32, #tpu.memory_space<vmem>>, vector<1x16xf32>,
      %convert_element_type3A_395 = arith.truncf %exp3A_381 : vector<256x16xf32> to vector<256x16xbf16>
      %dot_general3A_396 = arith.constant dense<0.000000e+00> : vector<16x1024xf32>
      %dot_general3A_397 = tpu.matmul %convert_element_type3A_395, %get3A_343, %dot_general3A_396 {dimension_numbers = #tpu.dot_dimension_numbers<[0], [0], [1], [1], [0, 1, 1, 1], [], []>, transpose_lhs_hint = false} : vector<256x16xbf16>, vector<256x1024xbf16>, vector<16x1024xf32> -> vector<16x1024xf32>
      %swap3A_398 = arith.constant 0 : index
      %swap3A_399 = arith.constant 0 : index
      %swap3A_400 = vector.load %arg20[%swap3A_398, %swap3A_399] : memref<16x1024xf32, #tpu.memory_space<vmem>>, vector<16x1024xf32>
      tpu.vector_store %arg20[%swap3A_398, %swap3A_399], %dot_general3A_397 {strides = array<i32>} : memref<16x1024xf32, #tpu.memory_space<vmem>>, vector<16x1024xf32>,
      %mul3A_401 = arith.constant 8 : i32
      %mul3A_402 = arith.muli %get3A_7, %mul3A_401 : i32
      %add3A_403 = arith.addi %mul3A_402, %get3A_9 : i32
      %get3A_404 = arith.index_cast %add3A_403 : i32 to index
      %get3A_405 = memref.load %arg6[%get3A_404] : memref<128xi32, #tpu.memory_space<smem>>
      %eq3A_406 = arith.constant 1 : i32
      %eq3A_407 = arith.cmpi eq, %get3A_405, %eq3A_406 : i32
      %convert_element_type3A_408 = arith.extui %eq3A_407 : i1 to i32
      %cond3A_409 = arith.constant 0 : i32
      %cond3A_410 = arith.cmpi ne, %convert_element_type3A_408, %cond3A_409 : i32
      scf.if %cond3A_410 {
        %iota3A_471 = tpu.iota {dimensions = array<i32: 0>} : vector<256x1xi32>
        %jit3A_472 = arith.constant 16 : i32
        %eq3A_473 = arith.constant 0 : i32
        %eq3A_474 = arith.cmpi eq, %jit3A_472, %eq3A_473 : i32
        %jit3A_475 = arith.constant 1 : i32
        %select_n3A_476 = arith.select %eq3A_474, %jit3A_475, %jit3A_472 : i32
        %rem3A_477 = vector.broadcast %select_n3A_476 : i32 to vector<256x1xi32>
        %rem3A_478 = arith.remsi %iota3A_471, %rem3A_477 : vector<256x1xi32>
        %ne3A_479 = arith.constant 0 : i32
        %ne3A_480 = vector.broadcast %ne3A_479 : i32 to vector<256x1xi32>
        %ne3A_481 = arith.cmpi ne, %rem3A_478, %ne3A_480 : vector<256x1xi32>
        %lt3A_482 = arith.constant 0 : i32
        %lt3A_483 = vector.broadcast %lt3A_482 : i32 to vector<256x1xi32>
        %lt3A_484 = arith.cmpi slt, %rem3A_478, %lt3A_483 : vector<256x1xi32>
        %lt3A_485 = arith.constant 0 : i32
        %lt3A_486 = arith.cmpi slt, %select_n3A_476, %lt3A_485 : i32
        %ne3A_487 = vector.broadcast %lt3A_486 : i1 to vector<256x1xi1>
        %ne3A_488 = vector.broadcast %ne3A_487 : vector<256x1xi1> to vector<256x1xi1>
        %ne3A_489 = arith.xori %lt3A_484, %ne3A_488 : vector<256x1xi1>
        %and3A_490 = arith.andi %ne3A_489, %ne3A_481 : vector<256x1xi1>
        %add3A_491 = vector.broadcast %select_n3A_476 : i32 to vector<256x1xi32>
        %add3A_492 = arith.addi %rem3A_478, %add3A_491 : vector<256x1xi32>
        %select_n3A_493 = arith.select %and3A_490, %add3A_492, %rem3A_478 : vector<256x1xi1>, vector<256x1xi32>
        %get3A_494 = arith.constant 0 : index
        %get3A_495 = arith.constant 0 : index
        %get3A_496 = vector.load %arg21[%get3A_494, %get3A_495] : memref<256x1xi32, #tpu.memory_space<vmem>>, vector<256x1xi32>
        %get3A_497 = arith.constant 0 : index
        %get3A_498 = arith.constant 0 : index
        %get3A_499 = vector.load %arg10[%get3A_497, %get3A_498] : memref<1x16xi32, #tpu.memory_space<vmem>>, vector<1x16xi32>
        %eq3A_500 = vector.broadcast %get3A_496 : vector<256x1xi32> to vector<256x16xi32>
        %eq3A_501 = vector.broadcast %get3A_499 : vector<1x16xi32> to vector<256x16xi32>
        %eq3A_502 = arith.cmpi eq, %eq3A_500, %eq3A_501 : vector<256x16xi32>
        %get3A_503 = arith.constant 0 : index
        %get3A_504 = arith.constant 0 : index
        %get3A_505 = vector.load %arg11[%get3A_503, %get3A_504] : memref<1x16xi32, #tpu.memory_space<vmem>>, vector<1x16xi32>
        %eq3A_506 = vector.broadcast %select_n3A_493 : vector<256x1xi32> to vector<256x16xi32>
        %eq3A_507 = vector.broadcast %get3A_505 : vector<1x16xi32> to vector<256x16xi32>
        %eq3A_508 = arith.cmpi eq, %eq3A_506, %eq3A_507 : vector<256x16xi32>
        %and3A_509 = arith.andi %eq3A_502, %eq3A_508 : vector<256x16xi1>
        %reduce_or3A = arith.constant 1.000000e+00 : f32
        %reduce_or3A_510 = arith.constant 0.000000e+00 : f32
        %reduce_or3A_511 = vector.broadcast %reduce_or3A : f32 to vector<256x16xf32>
        %reduce_or3A_512 = vector.broadcast %reduce_or3A_510 : f32 to vector<256x16xf32>
        %reduce_or3A_513 = arith.select %and3A_509, %reduce_or3A_511, %reduce_or3A_512 : vector<256x16xi1>, vector<256x16xf32>
        %reduce_or3A_514 = arith.constant dense<0xFF800000> : vector<256xf32>
        %reduce_or3A_515 = vector.multi_reduction <maximumf>, %reduce_or3A_513, %reduce_or3A_514 [1] : vector<256x16xf32> to vector<256xf32>
        %reduce_or3A_516 = arith.constant 0.000000e+00 : f32
        %reduce_or3A_517 = vector.broadcast %reduce_or3A_516 : f32 to vector<256xf32>
        %reduce_or3A_518 = arith.cmpf ogt, %reduce_or3A_515, %reduce_or3A_517 : vector<256xf32>
        %broadcast_in_dim3A_519 = vector.shape_cast %reduce_or3A_518 : vector<256xi1> to vector<256x1xi1>
        %convert_element_type3A_520 = arith.extui %and3A_509 : vector<256x16xi1> to vector<256x16xi32>
        %convert_element_type3A_521 = arith.sitofp %convert_element_type3A_520 : vector<256x16xi32> to vector<256x16xf32>
        %jit3A_522 = arith.constant 0.000000e+00 : f32
        %broadcast_in_dim3A_523 = vector.shape_cast %broadcast_in_dim3A_519 : vector<256x1xi1> to vector<256x1xi1>
        %broadcast_in_dim3A_524 = vector.broadcast %broadcast_in_dim3A_523 : vector<256x1xi1> to vector<256x16xi1>
        %broadcast_in_dim3A_525 = vector.broadcast %jit3A_522 : f32 to vector<256x16xf32>
        %select_n3A_526 = arith.select %broadcast_in_dim3A_524, %exp3A_381, %broadcast_in_dim3A_525 : vector<256x16xi1>, vector<256x16xf32>
        %dot_general3A_527 = arith.constant dense<0.000000e+00> : vector<16x16xf32>
        %dot_general3A_528 = tpu.matmul %select_n3A_526, %convert_element_type3A_521, %dot_general3A_527 {dimension_numbers = #tpu.dot_dimension_numbers<[0], [0], [1], [1], [0, 1, 1, 1], [], []>, transpose_lhs_hint = false} : vector<256x16xf32>, vector<256x16xf32>, vector<16x16xf32> -> vector<16x16xf32>
        %get3A_529 = arith.constant 0 : index
        %get3A_530 = arith.constant 0 : index
        %get3A_531 = vector.load %arg9[%get3A_529, %get3A_530] : memref<16x1024xf32, #tpu.memory_space<vmem>>, vector<16x1024xf32>
        %dot_general3A_532 = arith.constant dense<0.000000e+00> : vector<16x1024xf32>
        %dot_general3A_533 = tpu.matmul %dot_general3A_528, %get3A_531, %dot_general3A_532 {dimension_numbers = #tpu.dot_dimension_numbers<[1], [0], [0], [1], [0, 0, 1, 1], [], []>, transpose_lhs_hint = false} : vector<16x16xf32>, vector<16x1024xf32>, vector<16x1024xf32> -> vector<16x1024xf32>
        %convert_element_type3A_534 = arith.truncf %select_n3A_526 : vector<256x16xf32> to vector<256x16xbf16>
        %dot_general3A_535 = arith.constant dense<0.000000e+00> : vector<16x1024xf32>
        %dot_general3A_536 = tpu.matmul %convert_element_type3A_534, %get3A_343, %dot_general3A_535 {dimension_numbers = #tpu.dot_dimension_numbers<[0], [0], [1], [1], [0, 1, 1, 1], [], []>, transpose_lhs_hint = false} : vector<256x16xbf16>, vector<256x1024xbf16>, vector<16x1024xf32> -> vector<16x1024xf32>
        %sub3A_537 = arith.subf %dot_general3A_533, %dot_general3A_536 : vector<16x1024xf32>
        %get3A_538 = arith.constant 0 : index
        %get3A_539 = arith.constant 0 : index
        %get3A_540 = vector.load %arg20[%get3A_538, %get3A_539] : memref<16x1024xf32, #tpu.memory_space<vmem>>, vector<16x1024xf32>
        %add3A_541 = arith.addf %get3A_540, %sub3A_537 : vector<16x1024xf32>
        %swap3A_542 = arith.constant 0 : index
        %swap3A_543 = arith.constant 0 : index
        %swap3A_544 = vector.load %arg20[%swap3A_542, %swap3A_543] : memref<16x1024xf32, #tpu.memory_space<vmem>>, vector<16x1024xf32>
        tpu.vector_store %arg20[%swap3A_542, %swap3A_543], %add3A_541 {strides = array<i32>} : memref<16x1024xf32, #tpu.memory_space<vmem>>, vector<16x1024xf32>,
      } else {
      }
      %iota3A_411 = tpu.iota {dimensions = array<i32: 1>} : vector<16x1024xi32>
      %jit3A_412 = arith.constant 64 : i32
      %div3A = vector.broadcast %jit3A_412 : i32 to vector<16x1024xi32>
      %div3A_413 = arith.divsi %iota3A_411, %div3A : vector<16x1024xi32>
      %sign3A = arith.constant 0 : i32
      %sign3A_414 = vector.broadcast %sign3A : i32 to vector<16x1024xi32>
      %sign3A_415 = arith.cmpi sgt, %iota3A_411, %sign3A_414 : vector<16x1024xi32>
      %sign3A_416 = arith.extui %sign3A_415 : vector<16x1024xi1> to vector<16x1024xi32>
      %sign3A_417 = arith.constant 0 : i32
      %sign3A_418 = vector.broadcast %sign3A_417 : i32 to vector<16x1024xi32>
      %sign3A_419 = arith.cmpi slt, %iota3A_411, %sign3A_418 : vector<16x1024xi32>
      %sign3A_420 = arith.extui %sign3A_419 : vector<16x1024xi1> to vector<16x1024xi32>
      %sign3A_421 = arith.subi %sign3A_416, %sign3A_420 : vector<16x1024xi32>
      %sign3A_422 = arith.constant 0 : i32
      %sign3A_423 = arith.cmpi sgt, %jit3A_412, %sign3A_422 : i32
      %sign3A_424 = arith.extui %sign3A_423 : i1 to i32
      %sign3A_425 = arith.constant 0 : i32
      %sign3A_426 = arith.cmpi slt, %jit3A_412, %sign3A_425 : i32
      %sign3A_427 = arith.extui %sign3A_426 : i1 to i32
      %sign3A_428 = arith.subi %sign3A_424, %sign3A_427 : i32
      %ne3A = vector.broadcast %sign3A_428 : i32 to vector<16x1024xi32>
      %ne3A_429 = arith.cmpi ne, %sign3A_421, %ne3A : vector<16x1024xi32>
      %rem3A_430 = vector.broadcast %jit3A_412 : i32 to vector<16x1024xi32>
      %rem3A_431 = arith.remsi %iota3A_411, %rem3A_430 : vector<16x1024xi32>
      %ne3A_432 = arith.constant 0 : i32
      %ne3A_433 = vector.broadcast %ne3A_432 : i32 to vector<16x1024xi32>
      %ne3A_434 = arith.cmpi ne, %rem3A_431, %ne3A_433 : vector<16x1024xi32>
      %and3A = arith.andi %ne3A_429, %ne3A_434 : vector<16x1024xi1>
      %sub3A_435 = arith.constant 1 : i32
      %sub3A_436 = vector.broadcast %sub3A_435 : i32 to vector<16x1024xi32>
      %sub3A_437 = arith.subi %div3A_413, %sub3A_436 : vector<16x1024xi32>
      %select_n3A_438 = arith.select %and3A, %sub3A_437, %div3A_413 : vector<16x1024xi1>, vector<16x1024xi32>
      %iota3A_439 = tpu.iota {dimensions = array<i32: 0>} : vector<16x1024xi32>
      %eq3A_440 = arith.cmpi eq, %select_n3A_438, %iota3A_439 : vector<16x1024xi32>
      %convert_element_type3A_441 = arith.extui %eq3A_440 : vector<16x1024xi1> to vector<16x1024xi32>
      %convert_element_type3A_442 = arith.sitofp %convert_element_type3A_441 : vector<16x1024xi32> to vector<16x1024xf32>
      %get3A_443 = arith.constant 0 : index
      %get3A_444 = arith.constant 0 : index
      %get3A_445 = vector.load %arg20[%get3A_443, %get3A_444] : memref<16x1024xf32, #tpu.memory_space<vmem>>, vector<16x1024xf32>
      %jit3A_446 = arith.constant 0.000000e+00 : f32
      %broadcast_in_dim3A_447 = vector.broadcast %jit3A_446 : f32 to vector<16x1024xf32>
      %select_n3A_448 = arith.select %eq3A_440, %get3A_445, %broadcast_in_dim3A_447 : vector<16x1024xi1>, vector<16x1024xf32>
      %reduce_sum3A_449 = arith.constant dense<0.000000e+00> : vector<1024xf32>
      %reduce_sum3A_450 = vector.multi_reduction <add>, %select_n3A_448, %reduce_sum3A_449 [0] : vector<16x1024xf32> to vector<1024xf32>
      %broadcast_in_dim3A_451 = vector.shape_cast %reduce_sum3A_450 : vector<1024xf32> to vector<1x1024xf32>
      %dot_general3A_452 = arith.constant dense<0.000000e+00> : vector<1x1024xf32>
      %dot_general3A_453 = tpu.matmul %exp3A, %convert_element_type3A_442, %dot_general3A_452 {dimension_numbers = #tpu.dot_dimension_numbers<[1], [0], [0], [1], [0, 0, 1, 1], [], []>, transpose_lhs_hint = false} : vector<1x16xf32>, vector<16x1024xf32>, vector<1x1024xf32> -> vector<1x1024xf32>
      %get3A_454 = arith.constant 0 : index
      %get3A_455 = arith.constant 0 : index
      %get3A_456 = vector.load %arg15[%get3A_454, %get3A_455] : memref<1x1024xf32, #tpu.memory_space<vmem>>, vector<1x1024xf32>
      %mul3A_457 = arith.mulf %get3A_456, %dot_general3A_453 : vector<1x1024xf32>
      %add3A_458 = arith.addf %mul3A_457, %broadcast_in_dim3A_451 : vector<1x1024xf32>
      %swap3A_459 = arith.constant 0 : index
      %swap3A_460 = arith.constant 0 : index
      %swap3A_461 = vector.load %arg15[%swap3A_459, %swap3A_460] : memref<1x1024xf32, #tpu.memory_space<vmem>>, vector<1x1024xf32>
      tpu.vector_store %arg15[%swap3A_459, %swap3A_460], %add3A_458 {strides = array<i32>} : memref<1x1024xf32, #tpu.memory_space<vmem>>, vector<1x1024xf32>,
      %add3A_462 = arith.constant 1 : i32
      %add3A_463 = arith.addi %arg0, %add3A_462 : i32
      %get3A_464 = arith.index_cast %add3A_463 : i32 to index
      %get3A_465 = memref.load %arg2[%get3A_464] : memref<129xi32, #tpu.memory_space<smem>>
      %eq3A_466 = arith.constant 0 : i32
      %eq3A_467 = arith.cmpi eq, %get3A_465, %eq3A_466 : i32
      %convert_element_type3A_468 = arith.extui %eq3A_467 : i1 to i32
      %cond3A_469 = arith.constant 0 : i32
      %cond3A_470 = arith.cmpi ne, %convert_element_type3A_468, %cond3A_469 : i32
      scf.if %cond3A_470 {
        %get3A_471 = arith.constant 0 : index
        %get3A_472 = arith.constant 0 : index
        %get3A_473 = vector.load %arg17[%get3A_471, %get3A_472] : memref<1x16xf32, #tpu.memory_space<vmem>>, vector<1x16xf32>
        %dot_general3A_474 = arith.constant dense<0.000000e+00> : vector<1x1024xf32>
        %dot_general3A_475 = tpu.matmul %get3A_473, %convert_element_type3A_442, %dot_general3A_474 {dimension_numbers = #tpu.dot_dimension_numbers<[1], [0], [0], [1], [0, 0, 1, 1], [], []>, transpose_lhs_hint = false} : vector<1x16xf32>, vector<16x1024xf32>, vector<1x1024xf32> -> vector<1x1024xf32>
        %get3A_476 = arith.constant 0 : index
        %get3A_477 = arith.constant 0 : index
        %get3A_478 = vector.load %arg15[%get3A_476, %get3A_477] : memref<1x1024xf32, #tpu.memory_space<vmem>>, vector<1x1024xf32>
        %div3A_479 = arith.divf %get3A_478, %dot_general3A_475 : vector<1x1024xf32>
        %swap3A_480 = arith.constant 0 : index
        %swap3A_481 = arith.constant 0 : index
        %swap3A_482 = arith.constant 0 : index
        %swap3A_483 = vector.load %arg13[%swap3A_480, %swap3A_481, %swap3A_482] : memref<1x1x1024xf32, #tpu.memory_space<vmem>>, vector<1x1x1024xf32>
        %swap3A_484 = vector.shape_cast %swap3A_483 : vector<1x1x1024xf32> to vector<1x1024xf32>
        %swap3A_485 = vector.shape_cast %div3A_479 : vector<1x1024xf32> to vector<1x1x1024xf32>
        tpu.vector_store %arg13[%swap3A_480, %swap3A_481, %swap3A_482], %swap3A_485 {strides = array<i32>} : memref<1x1x1024xf32, #tpu.memory_space<vmem>>, vector<1x1x1024xf32>,
      } else {
      }
    } else {
    }
    return
  }
  func.func @transform_0(%arg0: i32, %arg1: memref<129xi32, #tpu.memory_space<smem>>, %arg2: memref<129xi32, #tpu.memory_space<smem>>, %arg3: memref<1xi32, #tpu.memory_space<smem>>, %arg4: memref<16x128xi32, #tpu.memory_space<smem>>, %arg5: memref<16xi32, #tpu.memory_space<smem>>, %arg6: memref<128xi32, #tpu.memory_space<smem>>) -> (i32, i32, i32) {
    %get3A = arith.index_cast %arg0 : i32 to index
    %get3A_0 = memref.load %arg1[%get3A] : memref<129xi32, #tpu.memory_space<smem>>
    %c0_i32 = arith.constant 0 : i32
    %c0_i32_1 = arith.constant 0 : i32
    %c0_i32_2 = arith.constant 0 : i32
    return %get3A_0, %c0_i32, %c0_i32_1 : i32, i32, i32
  }
  func.func @transform_1(%arg0: i32, %arg1: memref<129xi32, #tpu.memory_space<smem>>, %arg2: memref<129xi32, #tpu.memory_space<smem>>, %arg3: memref<1xi32, #tpu.memory_space<smem>>, %arg4: memref<16x128xi32, #tpu.memory_space<smem>>, %arg5: memref<16xi32, #tpu.memory_space<smem>>, %arg6: memref<128xi32, #tpu.memory_space<smem>>) -> (i32, i32) {
    %c0_i32 = arith.constant 0 : i32
    %c0_i32_0 = arith.constant 0 : i32
    %c0_i32_1 = arith.constant 0 : i32
    return %c0_i32, %c0_i32_0 : i32, i32
  }
  func.func @transform_2(%arg0: i32, %arg1: memref<129xi32, #tpu.memory_space<smem>>, %arg2: memref<129xi32, #tpu.memory_space<smem>>, %arg3: memref<1xi32, #tpu.memory_space<smem>>, %arg4: memref<16x128xi32, #tpu.memory_space<smem>>, %arg5: memref<16xi32, #tpu.memory_space<smem>>, %arg6: memref<128xi32, #tpu.memory_space<smem>>) -> (i32, i32) {
    %c0_i32 = arith.constant 0 : i32
    %c0_i32_0 = arith.constant 0 : i32
    %c0_i32_1 = arith.constant 0 : i32
    return %c0_i32, %c0_i32_0 : i32, i32
  }
  func.func @transform_3(%arg0: i32, %arg1: memref<129xi32, #tpu.memory_space<smem>>, %arg2: memref<129xi32, #tpu.memory_space<smem>>, %arg3: memref<1xi32, #tpu.memory_space<smem>>, %arg4: memref<16x128xi32, #tpu.memory_space<smem>>, %arg5: memref<16xi32, #tpu.memory_space<smem>>, %arg6: memref<128xi32, #tpu.memory_space<smem>>) -> (i32, i32) {
    %c0_i32 = arith.constant 0 : i32
    %c0_i32_0 = arith.constant 0 : i32
    %c0_i32_1 = arith.constant 0 : i32
    return %c0_i32, %c0_i32_0 : i32, i32
  }
  func.func @transform_4(%arg0: i32, %arg1: memref<129xi32, #tpu.memory_space<smem>>, %arg2: memref<129xi32, #tpu.memory_space<smem>>, %arg3: memref<1xi32, #tpu.memory_space<smem>>, %arg4: memref<16x128xi32, #tpu.memory_space<smem>>, %arg5: memref<16xi32, #tpu.memory_space<smem>>, %arg6: memref<128xi32, #tpu.memory_space<smem>>) -> (i32, i32) {
    %c0_i32 = arith.constant 0 : i32
    %c0_i32_0 = arith.constant 0 : i32
    %c0_i32_1 = arith.constant 0 : i32
    return %c0_i32, %c0_i32_0 : i32, i32
  }
  func.func @transform_6(%arg0: i32, %arg1: memref<129xi32, #tpu.memory_space<smem>>, %arg2: memref<129xi32, #tpu.memory_space<smem>>, %arg3: memref<1xi32, #tpu.memory_space<smem>>, %arg4: memref<16x128xi32, #tpu.memory_space<smem>>, %arg5: memref<16xi32, #tpu.memory_space<smem>>, %arg6: memref<128xi32, #tpu.memory_space<smem>>) -> (i32, i32, i32) {
    %get3A = arith.index_cast %arg0 : i32 to index
    %get3A_0 = memref.load %arg1[%get3A] : memref<129xi32, #tpu.memory_space<smem>>
    %c0_i32 = arith.constant 0 : i32
    %c0_i32_1 = arith.constant 0 : i32
    %c0_i32_2 = arith.constant 0 : i32
    return %get3A_0, %c0_i32, %c0_i32_1 : i32, i32, i32
  }
}

</mosaic_0001>

<sc_bundles>
// kernel: sparse-core-data-format-call.1.cloned.1.call-start
scs
called_computation.1_lowered:
.L_overlay_start_0:
0x0: {  	s1 =	sld [smem:$0x3FD9]  }
0x1: {  	s2 =	sld [smem:$0x3FFE];
	_ =	sdelay $0x1  }
0x2: {  	s3 =	srdreg.scid  }
0x3: {  	s0 =	sand.u32 $0x1, s3  }
0x4: {  	s17 =	sshll.u32 s0, $0xA;
	s1 =	sadd.s32 s2, s1  }
0x5: {  	s1 =	sadd.s32 s1, s17  }
0x6: {  	[smem:$0x3FC0] =	sst s1  }
0x7: {  	_ = 	snop  }
0x8: {  	(tm) =	ssettm $0x1  }
0x9: {  	s18 =	sld [smem:$0x3FFB];
	_ =	sdelay $0x3  }
0xa: {  	_ =	strace s18  }
0xb: {  	s1 =	sld [smem:$0x3FFC];
	_ =	sdelay $0x3  }
0xc: {  	_ =	strace s1  }
0xd: {  	s1 =	sld [smem:$0x3FFD];
	_ =	sdelay $0x3  }
0xe: {  	_ =	strace s1  }
0xf: {  	_ =	strace $0x8FFFFFFF  }
0x10: {  	s19 =	sld [smem:$0x3FDB];
	_ =	sdelay $0x1  }
0x11: {  	s20 =	simm.s32 $_scs_section_size  }
0x12: {  	s4 =	simm.s32 $_size__tile_overlayer_lowered;
	s5 =	simm.s32 $_tile_overlayer_lowered  }
0x13: {  	s23 =	simm.s32 $0x1BFF;
	s22 =	sshll.u32 s5, $0x1;
	s1 =	sadd.s32 s20, s19  }
0x14: {  	s6 =	simm.s32 $0x0;
	s21 =	sshll.u32 s4, $0x1;
	s4 =	sadd.s32 s22, s1  }
0x15: {  	[timem:s6], [sflag:s23] =	dma.local [hbm:s4], s21  }
0x16: {  	_ =	swait.ge [sflag:s23], s21  }
0x17: {  	s2 =	ssub.s32 $0x0, s21;
	[sflag:s23] =	ssyncset.done $0x0  }
0x18: {  	[sflag:s23] =	ssyncadd.s32 s2;
	_ =	sdelay $0x1  }
0x19: {  	s24 =	simm.s32 $0x1B8B  }
0x1a: {  	_ =	swait.ge [sflag:s24], $0x1  }
0x1b: {  	[sflag:s24] =	ssyncset.done $0x0  }
0x1c: {  	s26 =	simm.s32 $0x1B8E;
	s25 =	sld [smem:$0x3FFE];
	[sflag:s24] =	ssyncadd.s32 $0xFFFFFFFF  }
0x1d: {  	s27 =	simm.s32 $execute0_lowered;
	[smem:$0x3FD2] =	sst s26  }
0x1e: {  	s4 =	sshll.u32 s27, $0x1;
	_ =	strace $0x80000046;
	[dreg:$0x1] =	wrdreg $0xFFFFFFFF  }
0x1f: {  	s28 =	simm.s32 $_size_execute0_lowered;
	s1 =	sadd.s32 s1, s4;
	[dreg:$0x0] =	wrdreg $0x0  }
0x20: {  	s4 =	sshll.u32 s28, $0x1;
	[dreg:$0x2] =	wrdreg s1  }
0x21: {  	[dreg:$0x3] =	wrdreg s4  }
0x22: {  	[dreg:$0x4] =	wrdreg $0xC0  }
0x23: {  	_ =	task [dreg:s6], $0x5FFFF  }
0x24: {  	[dreg:$0x1] =	wrdreg $0xFFFFFFFF  }
0x25: {  	[dreg:$0x0] =	wrdreg $0x60  }
0x26: {  	[dreg:$0x2] =	wrdreg s25  }
0x27: {  	[dreg:$0x3] =	wrdreg $0xA  }
0x28: {  	_ =	task.clear_ibuf [dreg:s6], $0x4FFFF;
	_ =	strace $0x90000046  }
0x29: {  	s29 =	simm.s32 $0xA;
	_ =	strace $0x80000048  }
0x2a: {  	_ =	swait.ge [sflag:s29], $0x1  }
0x2b: {  	[sflag:s29] =	ssyncadd.s32 $0xFFFFFFFF  }
0x2c: {  	_ =	strace $0x90000048  }
0x2d: {  	_ =	sfence  }
0x2e: {  	s30 =	sld [smem:$0x0];
	_ =	sdelay $0x2  }
0x2f: {  	s31 =	sshll.u32 s3, $0xD;
	s3 =	sshrl.u32 s3, $0x2  }
0x30: {  	s2 =	sand.u32 $0x4000, s31;
	s1 =	sadd.s32 s3, s30  }
0x31: {  	s0 =	sor.u32 s2, s0;
	s1 =	sshll.u32 s1, $0x11  }
0x32: {  	s0 =	sor.u32 s1, s0  }
0x33: {  	s0 =	sadd.s32 $0x8F2B, s0  }
0x34: {  	[sflag:s0] =	ssyncadd.remote.s32 $0x1  }
0x35: {  	_ =	sfence.sel $0xFFFF  }
0x36: {  	[dreg:$0x0] =	wrdreg $0xFFFFFFFF;
	(pc) =	sbr.abs _section_cstart, $3  }
0x37: {  	[dreg:$0x1] =	wrdreg $0xFFFFFFFF  }
0x38: {  	_ =	task.clear_ibuf [dreg:s6], $0x2FFFF;
	_ =	strace $0x9FFFFFFF  }
0x39: {  	(tm) =	ssettm $0x7FFFFFFF  }
tec
execute0_lowered:
.L_overlay_start_1:
0x0: {  	(tag) =	ssettag $0x1  }
0x1: {  	s0 =	stileid.u32  }
0x2: {  	s1 =	srdreg.scid;
	s2 =	rddreg [dreg:$0x0];
	s8 =	simm.s32 $0x0  }
0x3: {  	s31 =	simm.s32 $0x2;
	s16 =	simm.s32 $0x0;
	s10 =	simm.s32 $0x2000  }
0x4: {  	s15 =	simm.s32 $0x0;
	s17 =	simm.s32 $0x0;
	s11 =	simm.s32 $0x0  }
0x5: {  	s3 =	sshll.u32 s0, $0x1;
	s4 =	sshll.u32 s0, $0x4;
	s1 =	sshll.u32 s1, $0x8  }
0x6: {  	s14 =	simm.s32 $0x0;
	s3 =	sand.u32 $0xE, s3;
	s4 =	sor.u32 s4, s1  }
0x7: {  	s1 =	rddreg [dreg:$0x1];
	s4 =	sand.u32 $0x180, s4;
	s5 =	ssub.s32 $0x10, s3  }
0x8: {  	_ =	strace $0x80000047;
	s6 =	sand.u32 $0xE, s5;
	s7 =	ssub.s32 $0x400, s4  }
0x9: {  	p0 =	seq.s32 s6, $0x0;
	s29 =	sand.u32 $0x180, s7;
	s6 =	simm.s32 $0x1  }
0xa: {  	s7 =	sshrl.u32 s7, $0x9;
	p1 =	sne.s32 s29, $0x0;
	s8 =	simm.s32 @!p0 $0x10  }
.Ltmp0:
0xb: {  	s6 =	simm.s32 @!p1 $0x0;
	s8 =	sadd.s32 s8, s5;
	(pc) =	sbr.rel .LBB1_1-.Ltmp0, $4  }
0xc: {  	s13 =	smov.u32 s3;
	s6 =	sadd.s32 s6, s7;
	s30 =	sand.u32 $0x30, s8  }
0xd: {  	s12 =	smov.u32 s4;
	s5 =	simm.s32 $0x1;
	s6 =	smul.u32 s6, s30  }
0xe: {  	p0 =	por $0x0, $0x0;
	[sflag:s5] =	ssyncpa.u1 $0x0;
	s7 =	sadd.s32 $0x200000, s2  }
0xf: {  	s8 =	sadd.s32 $0x20000, s2;
	[sflag:s31] =	ssyncpa.u1 $0x0;
	s9 =	sor.u32 $0x1, s6  }
.LBB1_4:
0x10: {  	[tilespmem:s18+$0x1830 ss:$0x81] =	vst.msk $0xffff, v13;
	v7 =	vpack.i.b32.b16 v9, v7  }
0x11: {  	v50 =	vpack.i.b32.b16 v12, v10;
	[tilespmem:s18+$0x1831 ss:$0x81] =	vst.msk $0xffff, v7  }
0x12: {  	v51 =	vunpack.i.l.s16.s32 v4;
	v52 =	vunpack.i.l.s16.s32 v6;
	v53 =	vpack.i.b32.b16 v11, v8;
	[tilespmem:s18+$0x2040 ss:$0x81] =	vst.msk $0xffff, v50  }
0x13: {  	s21 =	sshll.u32 s17, $0xA;
	v57 =	vunpack.i.l.s16.s32 v5;
	s22 =	sshll.u32 s15, $0x3;
	v56 =	vpack.i.b32.b16 v52, v51;
	[tilespmem:s18+$0x2041 ss:$0x81] =	vst.msk $0xffff, v53  }
0x14: {  	v54 =	vunpack.i.u.s16.s32 v4;
	v55 =	vunpack.i.u.s16.s32 v6;
	s28 =	sshll.u32 s17, $0x7;
	s23 =	sshll.u32 s15, $0x1;
	s16 =	sshll.u32 s16, $0xA;
	v1 =	vpack.i.b32.b16 v1, v57;
	[tilespmem:s18+$0x2850 ss:$0x81] =	vst.msk $0xffff, v56  }
0x15: {  	v58 =	vunpack.i.u.s16.s32 v5;
	s21 =	sand.u32 $0x2000, s21;
	v4 =	vpack.i.b32.b16 v55, v54;
	s17 =	sand.u32 $0x300, s28;
	s29 =	sand.u32 $0xF0, s23;
	[tilespmem:s18+$0x0 ss:$0x81] =	vst.msk $0xffff, v1  }
0x16: {  	v59 =	vunpack.i.l.s16.s32 v2;
	v60 =	vunpack.i.l.s16.s32 v3;
	s31 =	sand.u32 $0x7, s15;
	v0 =	vpack.i.b32.b16 v0, v58;
	s21 =	sadd.s32 s21, s22;
	s17 =	sor.u32 s17, s29;
	[tilespmem:s18+$0x2851 ss:$0x81] =	vst.msk $0xffff, v4  }
0x17: {  	v61 =	vunpack.i.u.s16.s32 v2;
	v62 =	vunpack.i.u.s16.s32 v3;
	s16 =	sadd.s32 s7, s16;
	v1 =	vpack.i.b32.b16 v60, v59;
	s30 =	sshrl.u32 s21, $0x4;
	[tilespmem:s20+$0x1 ss:$0x81] =	vst.msk $0xffff, v0;
	s17 =	sshrl.u32 s17, $0x4  }
0x18: {  	v63 =	vpack.i.b32.b16 v62, v61;
	s15 =	sshll.u32 s31, $0x12;
	[tilespmem:s20+$0x3060 ss:$0x81] =	vst.msk $0xffff, v1;
	s18 =	sand.u32 $0x3C0, s30;
	s16 =	sadd.s32 s17, s16  }
0x19: {  	s15 =	sor.u32 $0x80, s15;
	[tilespmem:s20+$0x3061 ss:$0x81] =	vst.msk $0xffff, v63;
	s16 =	sadd.s32 s18, s16  }
0x1a: {  	[hbm4b:s16+s15] =	stream.strided.scatter [tilespmem:s19], [sflag:$0x2], $0x4000, s10, s15, $0x20;
	[tilespmem:$0x10100] =	vst v63  }
.LBB1_5:
0x1b: {  	s18 =	sadd.s32 $0x80, s11  }
0x1c: {  	s15 =	sadd.s32 $0x200, s12;
	s19 =	smov.u32 s12;
	p2 =	sgt.s32 s18, $0x7FF  }
0x1d: {  	s19 =	smov.u32 @p2 s15  }
0x1e: {  	s21 =	smov.u32 s13;
	s15 =	sadd.s32 $0x10, s13;
	p3 =	sgt.s32 s19, $0x3FF  }
0x1f: {  	s21 =	smov.u32 @p3 s15  }
0x20: {  	s18 =	simm.s32 @p2 $0x0;
	p2 =	sgt.s32 s21, $0xF  }
0x21: {  	p1 =	slt.u32 s14, $0x2;
	s21 =	smov.u32 @p2 s3;
	p2 =	sne.s32 s14, s9  }
.Ltmp1:
0x22: {  	s20 =	simm.s32 @!p1 $0x2;
	(pc) =	sbr.rel @!p2 .LBB1_6-.Ltmp1, $4  }
0x23: {  	s16 =	smov.u32 s11;
	s17 =	smov.u32 s13;
	_ =	swait.ge @!p1 [sflag:s20], $0x4000  }
0x24: {  	p0 =	por !p0, !p0;
	[sflag:s20] =	ssyncset.done @!p1 $0x0;
	s11 =	smov.u32 s18  }
0x25: {  	s19 =	smov.u32 @p3 s4;
	s15 =	smov.u32 s12;
	[sflag:s20] =	ssyncadd.s32 @!p1 $0xFFFFC000  }
0x26: {  	s12 =	smov.u32 s19;
	s14 =	sadd.s32 $0x1, s14;
	s13 =	smov.u32 s21  }
.LBB1_1:
0x27: {  	p1 =	sge.u32 s14, s6  }
0x28: {  	s18 =	sshll.u32 @!p1 s12, $0xB;
	s19 =	sshll.u32 @!p1 s11, $0x3;
	s20 =	sshll.u32 @!p1 s12, $0x7  }
0x29: {  	s21 =	sshll.u32 @!p1 s11, $0x1;
	s24 =	sand.u32 @!p1 $0x7, s11;
	s18 =	sand.u32 @!p1 $0x1FC000, s18  }
0x2a: {  	s20 =	sand.u32 @!p1 $0x300, s20;
	s22 =	sand.u32 @!p1 $0x400, s19;
	s18 =	sadd.s32 @!p1 s18, s19  }
0x2b: {  	s19 =	sand.u32 @!p1 $0xF0, s21;
	s20 =	sor.u32 @!p1 s20, s22;
	s21 =	sxor.u32 @!p1 $0xFFFFFFFF, s14  }
0x2c: {  	s19 =	sor.u32 @!p1 s19, s20;
	s18 =	sshrl.u32 @!p1 s18, $0x4;
	s20 =	sshll.u32 @!p1 s13, $0x11  }
0x2d: {  	s21 =	sshll.u32 @!p1 s21, $0xE;
	s18 =	sand.u32 @!p1 $0x1FF80, s18;
	s19 =	sshrl.u32 @!p1 s19, $0x4  }
0x2e: {  	s21 =	sand.u32 @!p1 $0x4000, s21;
	s22 =	sor.u32 @!p1 s18, s20;
	s23 =	sadd.s32 @!p1 s2, s19  }
0x2f: {  	s20 =	sadd.s32 @!p1 s20, s8;
	s22 =	sadd.s32 @!p1 s22, s23;
	s23 =	sshll.u32 @!p1 s24, $0x12  }
0x30: {  	s24 =	simm.s32 @!p1 $0x2000;
	s18 =	sadd.s32 @!p1 s18, s20;
	s23 =	sor.u32 @!p1 $0x200, s23  }
0x31: {  	[tilespmem:s21], [sflag:$0x1] =	stream.strided.gather @!p1 [hbm4b:s22+s23], $0x2000, s24, s23, $0x38;
	[tilespmem:$0x10100] =	vst v63  }
0x32: {  	s31 =	sadd.s32 $0xFFFFFFFF, s14;
	s18 =	sadd.s32 @!p1 s19, s18;
	s19 =	sor.u32 @!p1 $0x2000, s21  }
0x33: {  	[tilespmem:s19], [sflag:$0x1] =	stream.strided.gather @!p1 [hbm4b:s18+s23], $0x2000, s24, s23, $0x38;
	[tilespmem:$0x10100] =	vst v63  }
0x34: {  	p1 =	sge.u32 s31, s6  }
.Ltmp2:
0x35: {  	_ = 	snop;
	(pc) =	sbr.rel @p1 .LBB1_5-.Ltmp2, $1  }
0x36: {  	_ =	sdelay $0x3  }
0x37: {  	s18 =	simm.s32 $0x1  }
0x38: {  	_ =	swait.ge [sflag:s5], $0x4000;
	s18 =	simm.s32 @!p0 $0x0  }
0x39: {  	[sflag:s5] =	ssyncset.done $0x0;
	s19 =	sshll.u32 s18, $0xE  }
0x3a: {  	[sflag:s5] =	ssyncadd.s32 $0xFFFFC000;
	s20 =	sor.u32 $0x2000, s19  }
0x3b: {  	v0 =	vld [tilespmem:s20+$0xFFFFE070]  }
0x3c: {  	v1 =	vld [tilespmem:s20+$0x70]  }
0x3d: {  	v2 =	vld [tilespmem:s20+$0x0]  }
0x3e: {  	v3 =	vld [tilespmem:s20+$0xFFFFE010]  }
0x3f: {  	v5 =	vld [tilespmem:s20+$0xFFFFE020]  }
0x40: {  	v4 =	vld [tilespmem:s20+$0x10]  }
0x41: {  	v6 =	vld [tilespmem:s20+$0x20]  }
0x42: {  	s18 =	smul.u32 $0x10200, s18;
	v9 =	vld [tilespmem:s20+$0xFFFFE030];
	v7 =	vunpack.i.l.s16.s32 v0;
	v8 =	vunpack.i.l.s16.s32 v1  }
0x43: {  	v10 =	vunpack.i.u.s16.s32 v0;
	v11 =	vunpack.i.u.s16.s32 v1;
	v0 =	vunpack.i.u.s16.s32 v2  }
0x44: {  	s18 =	sshrl.u32 s18, $0x2;
	v1 =	vunpack.i.l.s16.s32 v2;
	v2 =	vld [tilespmem:s20+$0x30];
	v13 =	vunpack.i.u.s16.s32 v5;
	v5 =	vunpack.i.l.s16.s32 v5  }
0x45: {  	v12 =	vld [tilespmem:s20+$0xFFFFE040];
	s18 =	sor.u32 $0x8000, s18;
	v7 =	vpack.i.b32.b16 v8, v7;
	v8 =	vpack.i.b32.b16 v11, v10;
	v10 =	vunpack.i.u.s16.s32 v3  }
0x46: {  	v14 =	vld [tilespmem:s20+$0x40];
	v3 =	vunpack.i.l.s16.s32 v3;
	v11 =	vunpack.i.u.s16.s32 v4;
	v4 =	vunpack.i.l.s16.s32 v4;
	[tilespmem:s18+$0x3870 ss:$0x81] =	vst.msk $0xffff, v7  }
0x47: {  	s31 =	sand.u32 $0x1, s14;
	v15 =	vunpack.i.l.s16.s32 v6;
	v3 =	vpack.i.b32.b16 v4, v3;
	v4 =	vld [tilespmem:s20+$0xFFFFE050];
	v7 =	vunpack.i.u.s16.s32 v9;
	[tilespmem:s18+$0x3871 ss:$0x81] =	vst.msk $0xffff, v8  }
0x48: {  	s19 =	smul.u32 $0x10200, s31;
	v8 =	vunpack.i.u.s16.s32 v6;
	[tilespmem:s18+$0x810 ss:$0x81] =	vst.msk $0xffff, v3;
	v3 =	vpack.i.b32.b16 v11, v10;
	v11 =	vunpack.i.l.s16.s32 v9;
	v6 =	vld [tilespmem:s20+$0x50]  }
0x49: {  	[tilespmem:s18+$0x811 ss:$0x81] =	vst.msk $0xffff, v3;
	v3 =	vpack.i.b32.b16 v15, v5;
	v9 =	vunpack.i.u.s16.s32 v2;
	v15 =	vunpack.i.l.s16.s32 v2;
	v2 =	vld [tilespmem:s20+$0xFFFFE060]  }
0x4a: {  	s21 =	simm.s32 $0x0;
	s19 =	sshrl.u32 s19, $0x2;
	v10 =	vunpack.i.l.s16.s32 v12;
	v13 =	vpack.i.b32.b16 v8, v13;
	v8 =	vunpack.i.u.s16.s32 v12;
	[tilespmem:s18+$0x1020 ss:$0x81] =	vst.msk $0xffff, v3;
	v3 =	vld [tilespmem:s20+$0x60]  }
0x4b: {  	s22 =	sadd.s32 $0x80, s20;
	s19 =	sor.u32 $0x8000, s19;
	v5 =	vld [tilespmem:s20+$0xFFFFE000];
	v12 =	vunpack.i.l.s16.s32 v14;
	s20 =	smov.u32 s18;
	[tilespmem:s18+$0x1021 ss:$0x81] =	vst.msk $0xffff, v13;
	v13 =	vpack.i.b32.b16 v15, v11;
	v11 =	vunpack.i.u.s16.s32 v14  }
.LBB1_3:
0x4c: {  	v14 =	vld [tilespmem:s22+$0xFFFFE070];
	[tilespmem:s18+$0x1830 ss:$0x81] =	vst.msk $0xffff, v13;
	v7 =	vpack.i.b32.b16 v9, v7;
	v9 =	vunpack.i.u.s16.s32 v4;
	v4 =	vunpack.i.l.s16.s32 v4  }
0x4d: {  	v13 =	vld [tilespmem:s22+$0x70];
	[tilespmem:s18+$0x1831 ss:$0x81] =	vst.msk $0xffff, v7;
	v7 =	vpack.i.b32.b16 v12, v10;
	v10 =	vunpack.i.u.s16.s32 v6;
	v6 =	vunpack.i.l.s16.s32 v6  }
0x4e: {  	s21 =	sadd.s32 $0x2, s21;
	v12 =	vld [tilespmem:s22+$0x0];
	[tilespmem:s18+$0x2040 ss:$0x81] =	vst.msk $0xffff, v7;
	v7 =	vpack.i.b32.b16 v11, v8;
	v8 =	vunpack.i.u.s16.s32 v2;
	v2 =	vunpack.i.l.s16.s32 v2  }
0x4f: {  	p1 =	slt.u32 s21, $0x7E;
	v4 =	vpack.i.b32.b16 v6, v4;
	v6 =	vunpack.i.u.s16.s32 v3;
	v3 =	vunpack.i.l.s16.s32 v3;
	v11 =	vld [tilespmem:s22+$0xFFFFE010];
	[tilespmem:s18+$0x2041 ss:$0x81] =	vst.msk $0xffff, v7  }
0x50: {  	v15 =	vunpack.i.u.s16.s32 v5;
	v5 =	vunpack.i.l.s16.s32 v5;
	v7 =	vld [tilespmem:s22+$0x10];
	[tilespmem:s18+$0x2850 ss:$0x81] =	vst.msk $0xffff, v4;
	v4 =	vpack.i.b32.b16 v10, v9  }
0x51: {  	v1 =	vpack.i.b32.b16 v1, v5;
	v0 =	vpack.i.b32.b16 v0, v15;
	v2 =	vpack.i.b32.b16 v3, v2;
	v9 =	vld [tilespmem:s22+$0xFFFFE020];
	[tilespmem:s18+$0x2851 ss:$0x81] =	vst.msk $0xffff, v4  }
0x52: {  	v6 =	vpack.i.b32.b16 v6, v8;
	v4 =	vunpack.i.l.s16.s32 v14;
	v3 =	vld [tilespmem:s22+$0x20];
	v5 =	vunpack.i.l.s16.s32 v13;
	[tilespmem:s18+$0x0 ss:$0x81] =	vst.msk $0xffff, v1  }
0x53: {  	v10 =	vunpack.i.u.s16.s32 v14;
	v13 =	vunpack.i.u.s16.s32 v13;
	s18 =	sadd.s32 $0x2, s18;
	v8 =	vld [tilespmem:s22+$0xFFFFE030];
	v4 =	vpack.i.b32.b16 v5, v4;
	[tilespmem:s20+$0x1 ss:$0x81] =	vst.msk $0xffff, v0  }
0x54: {  	v0 =	vunpack.i.u.s16.s32 v12;
	v1 =	vunpack.i.l.s16.s32 v12;
	v5 =	vld [tilespmem:s22+$0x30];
	[tilespmem:s18+$0x3870 ss:$0x81] =	vst.msk $0xffff, v4;
	v4 =	vpack.i.b32.b16 v13, v10  }
0x55: {  	v10 =	vunpack.i.u.s16.s32 v11;
	v11 =	vunpack.i.l.s16.s32 v11;
	v12 =	vunpack.i.u.s16.s32 v7;
	v13 =	vld [tilespmem:s22+$0xFFFFE040];
	[tilespmem:s18+$0x3871 ss:$0x81] =	vst.msk $0xffff, v4  }
0x56: {  	v4 =	vunpack.i.l.s16.s32 v7;
	v14 =	vunpack.i.u.s16.s32 v9;
	v9 =	vunpack.i.l.s16.s32 v9;
	v15 =	vld [tilespmem:s22+$0x40];
	[tilespmem:s20+$0x3060 ss:$0x81] =	vst.msk $0xffff, v2  }
.Ltmp3:
0x57: {  	v2 =	vpack.i.b32.b16 v4, v11;
	v11 =	vunpack.i.u.s16.s32 v3;
	v3 =	vunpack.i.l.s16.s32 v3;
	v4 =	vld [tilespmem:s22+$0xFFFFE050];
	[tilespmem:s20+$0x3061 ss:$0x81] =	vst.msk $0xffff, v6;
	s20 =	smov.u32 s18;
	(pc) =	sbr.rel @p1 .LBB1_3-.Ltmp3, $4  }
0x58: {  	[tilespmem:s18+$0x810 ss:$0x81] =	vst.msk $0xffff, v2;
	v2 =	vpack.i.b32.b16 v12, v10;
	v7 =	vunpack.i.u.s16.s32 v8;
	v12 =	vunpack.i.l.s16.s32 v8;
	v6 =	vld [tilespmem:s22+$0x50]  }
0x59: {  	v3 =	vpack.i.b32.b16 v3, v9;
	[tilespmem:s18+$0x811 ss:$0x81] =	vst.msk $0xffff, v2;
	v9 =	vunpack.i.u.s16.s32 v5;
	v16 =	vunpack.i.l.s16.s32 v5;
	v2 =	vld [tilespmem:s22+$0xFFFFE060]  }
0x5a: {  	v11 =	vpack.i.b32.b16 v11, v14;
	[tilespmem:s18+$0x1020 ss:$0x81] =	vst.msk $0xffff, v3;
	v8 =	vunpack.i.u.s16.s32 v13;
	v10 =	vunpack.i.l.s16.s32 v13;
	v3 =	vld [tilespmem:s22+$0x60]  }
0x5b: {  	v13 =	vpack.i.b32.b16 v16, v12;
	v5 =	vld [tilespmem:s22+$0xFFFFE000];
	[tilespmem:s18+$0x1021 ss:$0x81] =	vst.msk $0xffff, v11;
	v11 =	vunpack.i.u.s16.s32 v15;
	v12 =	vunpack.i.l.s16.s32 v15;
	s22 =	sadd.s32 $0x80, s22  }
.Ltmp4:
0x5c: {  	_ = 	snop;
	(pc) =	sbr.rel .LBB1_4-.Ltmp4, $1  }
0x5d: {  	_ =	sdelay $0x3  }
.LBB1_6:
0x5e: {  	_ =	sfence.sel $0x180000  }
0x5f: {  	s2 =	simm.s32 $0x1;
	[bflag:$0x0] =	sbarrier.arrive $0xFFFF  }
0x60: {  	s31 =	simm.s32 $0x2;
	[sflag:s2] =	ssyncpa.u1 $0x1  }
0x61: {  	[sflag:s31] =	ssyncpa.u1 $0x1  }
0x62: {  	p0 =	sne.s32 s0, $0x0;
	_ =	strace $0x90000047  }
0x63: {  	s0 =	sadd.s32 @!p0 $0x100000, s1;
	[bflag:$0x2] =	sbarrier.arrive $0xFFFF  }
0x64: {  	[sflag:s0] =	ssyncadd.tile.s32 @!p0 $0x1;
	_ =	shalt  }
.Lfunc_end1:
_tile_overlayer_lowered:
.L_overlay_start_2:
0x65: {  	(tag) =	ssettag $0x2  }
0x66: {  	s0 =	rddreg [dreg:$0x0];
	s2 =	stileid.u32  }
0x67: {  	s1 =	rddreg [dreg:$0x1];
	p0 =	sne.s32 s2, $0x0  }
0x68: {  	s3 =	rddreg [dreg:$0x2];
	[bflag:$0x3] =	sbarrier.arrive $0xFFFF;
	s2 =	simm.s32 @!p0 $0x1C01  }
0x69: {  	[timem:s3], [sflag:s2] =	dma.local @!p0 [hbm:s0], s1  }
0x6a: {  	s0 =	simm.s32 @!p0 $0x1  }
0x6b: {  	_ =	swait.ge @!p0 [sflag:s0], s1  }
0x6c: {  	s1 =	ssub.s32 @!p0 $0x0, s1;
	[sflag:s0] =	ssyncset.done @!p0 $0x0  }
0x6d: {  	[sflag:s0] =	ssyncadd.s32 @!p0 s1  }
0x6e: {  	[bflag:$0x3] =	sbarrier.arrive $0xFFFF  }
0x6f: {  	_ =	shalt  }

// kernel: sparse-core-data-format-call.cloned.1.call-start
scs
called_computation_lowered:
.L_overlay_start_0:
0x0: {  	s2 =	sld [smem:$0x3FD9]  }
0x1: {  	s3 =	sld [smem:$0x3FFE];
	_ =	sdelay $0x1  }
0x2: {  	s1 =	srdreg.scid  }
0x3: {  	s0 =	sand.u32 $0x1, s1  }
0x4: {  	s18 =	sshll.u32 s0, $0xA;
	s2 =	sadd.s32 s3, s2  }
0x5: {  	s2 =	sadd.s32 s2, s18  }
0x6: {  	[smem:$0x3FC0] =	sst s2  }
0x7: {  	_ = 	snop  }
0x8: {  	(tm) =	ssettm $0x1  }
0x9: {  	s19 =	sld [smem:$0x3FFB];
	_ =	sdelay $0x3  }
0xa: {  	_ =	strace s19  }
0xb: {  	s2 =	sld [smem:$0x3FFC];
	_ =	sdelay $0x3  }
0xc: {  	_ =	strace s2  }
0xd: {  	s2 =	sld [smem:$0x3FFD];
	_ =	sdelay $0x3  }
0xe: {  	_ =	strace s2  }
0xf: {  	_ =	strace $0x8FFFFFFF  }
0x10: {  	s20 =	sld [smem:$0x3FDB];
	_ =	sdelay $0x1  }
0x11: {  	s21 =	simm.s32 $_scs_section_size  }
0x12: {  	s4 =	simm.s32 $_size__tile_overlayer_lowered;
	s5 =	simm.s32 $_tile_overlayer_lowered  }
0x13: {  	s6 =	simm.s32 $0x1BFF;
	s22 =	sshll.u32 s5, $0x1;
	s3 =	sadd.s32 s21, s20  }
0x14: {  	s23 =	simm.s32 $0x0;
	s4 =	sshll.u32 s4, $0x1;
	s5 =	sadd.s32 s22, s3  }
0x15: {  	[timem:s23], [sflag:s6] =	dma.local [hbm:s5], s4  }
0x16: {  	_ =	swait.ge [sflag:s6], s4  }
0x17: {  	s4 =	ssub.s32 $0x0, s4;
	[sflag:s6] =	ssyncset.done $0x0  }
0x18: {  	[sflag:s6] =	ssyncadd.s32 s4;
	_ =	sdelay $0x1  }
0x19: {  	s24 =	simm.s32 $0x1B8B  }
0x1a: {  	_ =	swait.ge [sflag:s24], $0x1  }
0x1b: {  	[sflag:s24] =	ssyncset.done $0x0  }
0x1c: {  	[sflag:s24] =	ssyncadd.s32 $0xFFFFFFFF  }
0x1d: {  	s4 =	sld [smem:$0x0]  }
0x1e: {  	s5 =	sand.u32 $0xFFFFFFFE, s1  }
0x1f: {  	p0 =	sne.s32 s1, s5  }
0x20: {  	s5 =	sshll.u32 @p0 s5, $0xE  }
0x21: {  	s5 =	sadd.s32 @p0 $0x11B8D, s5;
	s6 =	sshll.u32 @p0 s4, $0x11  }
0x22: {  	s5 =	sor.u32 @p0 s6, s5  }
0x23: {  	[sflag:s5] =	ssyncadd.remote.s32 @p0 $0x1;
	_ =	sdelay $0x1  }
0x24: {  	s5 =	simm.s32 @p0 $0x1B8D  }
0x25: {  	_ =	swait.eq @p0 [sflag:s5], $0x1  }
0x26: {  	[sflag:s5] =	ssyncadd.s32 @p0 $0xFFFFFFFF  }
0x27: {  	s6 =	sshll.u32 @!p0 s1, $0xE  }
0x28: {  	s6 =	sor.u32 @!p0 $0x4000, s6;
	s5 =	simm.s32 @!p0 $0x1B8D  }
0x29: {  	s4 =	sshll.u32 @!p0 s4, $0x11;
	s6 =	sadd.s32 @!p0 $0x11B8D, s6;
	_ =	swait.eq @!p0 [sflag:s5], $0x1  }
0x2a: {  	s4 =	sor.u32 @!p0 s4, s6;
	[sflag:s5] =	ssyncadd.s32 @!p0 $0xFFFFFFFF  }
0x2b: {  	s26 =	simm.s32 $0x1B8E;
	s25 =	sld [smem:$0x3FFE];
	[sflag:s4] =	ssyncadd.remote.s32 @!p0 $0x1  }
0x2c: {  	s27 =	simm.s32 $execute0_lowered;
	[smem:$0x3FD2] =	sst s26  }
0x2d: {  	s5 =	sshll.u32 s27, $0x1;
	_ =	strace $0x80000049;
	[dreg:$0x1] =	wrdreg $0xFFFFFFFF  }
0x2e: {  	s28 =	simm.s32 $_size_execute0_lowered;
	s3 =	sadd.s32 s3, s5;
	[dreg:$0x0] =	wrdreg $0x0  }
0x2f: {  	s5 =	sshll.u32 s28, $0x1;
	[dreg:$0x2] =	wrdreg s3  }
0x30: {  	[dreg:$0x3] =	wrdreg s5  }
0x31: {  	[dreg:$0x4] =	wrdreg $0xC0  }
0x32: {  	_ =	task [dreg:s23], $0x5FFFF  }
0x33: {  	[dreg:$0x1] =	wrdreg $0xFFFFFFFF  }
0x34: {  	[dreg:$0x0] =	wrdreg $0x60  }
0x35: {  	[dreg:$0x2] =	wrdreg s25  }
0x36: {  	[dreg:$0x3] =	wrdreg $0x9  }
0x37: {  	_ =	task.clear_ibuf [dreg:s23], $0x4FFFF;
	_ =	strace $0x90000049  }
0x38: {  	s29 =	simm.s32 $0x9;
	_ =	strace $0x8000004B  }
0x39: {  	_ =	swait.ge [sflag:s29], $0x1  }
0x3a: {  	[sflag:s29] =	ssyncadd.s32 $0xFFFFFFFF  }
0x3b: {  	_ =	strace $0x9000004B  }
0x3c: {  	_ =	sfence  }
0x3d: {  	s30 =	sld [smem:$0x0];
	_ =	sdelay $0x2  }
0x3e: {  	s31 =	sshll.u32 s1, $0xD;
	s1 =	sshrl.u32 s1, $0x2  }
0x3f: {  	s4 =	sand.u32 $0x4000, s31;
	s1 =	sadd.s32 s1, s30  }
0x40: {  	s0 =	sor.u32 s4, s0;
	s1 =	sshll.u32 s1, $0x11  }
0x41: {  	s0 =	sor.u32 s1, s0  }
0x42: {  	s0 =	sadd.s32 $0x8F2B, s0  }
0x43: {  	[sflag:s0] =	ssyncadd.remote.s32 $0x1  }
0x44: {  	_ =	sfence.sel $0xFFFF  }
0x45: {  	[dreg:$0x0] =	wrdreg $0xFFFFFFFF;
	(pc) =	sbr.abs _section_cstart, $3  }
0x46: {  	[dreg:$0x1] =	wrdreg $0xFFFFFFFF  }
0x47: {  	_ =	task.clear_ibuf [dreg:s23], $0x2FFFF;
	_ =	strace $0x9FFFFFFF  }
0x48: {  	(tm) =	ssettm $0x7FFFFFFF  }
0x49: {  	_ =	shalt  }
tec
execute0_lowered:
.L_overlay_start_1:
0x0: {  	(tag) =	ssettag $0x1  }
0x1: {  	s0 =	stileid.u32;
	s1 =	srdreg.scid  }
0x2: {  	s8 =	rddreg [dreg:$0x0];
	s7 =	simm.s32 $0x0;
	s9 =	simm.s32 $0x2  }
0x3: {  	s16 =	simm.s32 $0x0;
	s10 =	simm.s32 $0x2000;
	s15 =	simm.s32 $0x0  }
0x4: {  	s17 =	simm.s32 $0x0;
	s11 =	simm.s32 $0x0;
	s14 =	simm.s32 $0x0  }
0x5: {  	s2 =	sshll.u32 s0, $0x1;
	s3 =	sshll.u32 s0, $0x4;
	s1 =	sshll.u32 s1, $0x8  }
0x6: {  	s2 =	sand.u32 $0xE, s2;
	s3 =	sor.u32 s3, s1;
	s1 =	rddreg [dreg:$0x1]  }
0x7: {  	_ =	strace $0x8000004A;
	s3 =	sand.u32 $0x180, s3;
	s4 =	ssub.s32 $0x10, s2  }
0x8: {  	s13 =	smov.u32 s2;
	s5 =	sand.u32 $0xE, s4;
	s6 =	ssub.s32 $0x400, s3  }
0x9: {  	p0 =	seq.s32 s5, $0x0;
	s30 =	sand.u32 $0x180, s6;
	s5 =	simm.s32 $0x1  }
0xa: {  	s6 =	sshrl.u32 s6, $0x9;
	p1 =	sne.s32 s30, $0x0;
	s7 =	simm.s32 @!p0 $0x10  }
.Ltmp0:
0xb: {  	s5 =	simm.s32 @!p1 $0x0;
	s7 =	sadd.s32 s7, s4;
	(pc) =	sbr.rel .LBB1_1-.Ltmp0, $4  }
0xc: {  	s12 =	smov.u32 s3;
	s5 =	sadd.s32 s5, s6;
	s31 =	sand.u32 $0x30, s7  }
0xd: {  	p0 =	por $0x0, $0x0;
	s4 =	simm.s32 $0x1;
	s5 =	smul.u32 s5, s31  }
0xe: {  	[sflag:s4] =	ssyncpa.u1 $0x0;
	s6 =	sadd.s32 $0x400000, s8;
	s7 =	sadd.s32 $0x600000, s8  }
0xf: {  	s8 =	sadd.s32 $0x420000, s8;
	[sflag:s9] =	ssyncpa.u1 $0x0;
	s9 =	sor.u32 $0x1, s5  }
.LBB1_4:
0x10: {  	[tilespmem:s18+$0x1830 ss:$0x81] =	vst.msk $0xffff, v13;
	v7 =	vpack.i.b32.b16 v9, v7  }
0x11: {  	v50 =	vpack.i.b32.b16 v12, v10;
	[tilespmem:s18+$0x1831 ss:$0x81] =	vst.msk $0xffff, v7  }
0x12: {  	v51 =	vunpack.i.l.s16.s32 v4;
	v52 =	vunpack.i.l.s16.s32 v6;
	v53 =	vpack.i.b32.b16 v11, v8;
	[tilespmem:s18+$0x2040 ss:$0x81] =	vst.msk $0xffff, v50  }
0x13: {  	s21 =	sshll.u32 s17, $0xA;
	v57 =	vunpack.i.l.s16.s32 v5;
	s22 =	sshll.u32 s15, $0x3;
	v56 =	vpack.i.b32.b16 v52, v51;
	[tilespmem:s18+$0x2041 ss:$0x81] =	vst.msk $0xffff, v53  }
0x14: {  	v54 =	vunpack.i.u.s16.s32 v4;
	v55 =	vunpack.i.u.s16.s32 v6;
	s28 =	sshll.u32 s17, $0x7;
	s23 =	sshll.u32 s15, $0x1;
	s16 =	sshll.u32 s16, $0xA;
	v1 =	vpack.i.b32.b16 v1, v57;
	[tilespmem:s18+$0x2850 ss:$0x81] =	vst.msk $0xffff, v56  }
0x15: {  	v58 =	vunpack.i.u.s16.s32 v5;
	s21 =	sand.u32 $0x2000, s21;
	v4 =	vpack.i.b32.b16 v55, v54;
	s17 =	sand.u32 $0x300, s28;
	s29 =	sand.u32 $0xF0, s23;
	[tilespmem:s18+$0x0 ss:$0x81] =	vst.msk $0xffff, v1  }
0x16: {  	v59 =	vunpack.i.l.s16.s32 v2;
	v60 =	vunpack.i.l.s16.s32 v3;
	s31 =	sand.u32 $0x7, s15;
	v0 =	vpack.i.b32.b16 v0, v58;
	s21 =	sadd.s32 s21, s22;
	s17 =	sor.u32 s17, s29;
	[tilespmem:s18+$0x2851 ss:$0x81] =	vst.msk $0xffff, v4  }
0x17: {  	v61 =	vunpack.i.u.s16.s32 v2;
	v62 =	vunpack.i.u.s16.s32 v3;
	s16 =	sadd.s32 s7, s16;
	v1 =	vpack.i.b32.b16 v60, v59;
	s30 =	sshrl.u32 s21, $0x4;
	[tilespmem:s20+$0x1 ss:$0x81] =	vst.msk $0xffff, v0;
	s17 =	sshrl.u32 s17, $0x4  }
0x18: {  	v63 =	vpack.i.b32.b16 v62, v61;
	s15 =	sshll.u32 s31, $0x12;
	[tilespmem:s20+$0x3060 ss:$0x81] =	vst.msk $0xffff, v1;
	s18 =	sand.u32 $0x3C0, s30;
	s16 =	sadd.s32 s17, s16  }
0x19: {  	s15 =	sor.u32 $0x80, s15;
	[tilespmem:s20+$0x3061 ss:$0x81] =	vst.msk $0xffff, v63;
	s16 =	sadd.s32 s18, s16  }
0x1a: {  	[hbm4b:s16+s15] =	stream.strided.scatter [tilespmem:s19], [sflag:$0x2], $0x4000, s10, s15, $0x20;
	[tilespmem:$0x10100] =	vst v63  }
.LBB1_5:
0x1b: {  	s18 =	sadd.s32 $0x80, s11  }
0x1c: {  	s15 =	sadd.s32 $0x200, s12;
	s19 =	smov.u32 s12;
	p2 =	sgt.s32 s18, $0x7FF  }
0x1d: {  	s19 =	smov.u32 @p2 s15  }
0x1e: {  	s21 =	smov.u32 s13;
	s15 =	sadd.s32 $0x10, s13;
	p3 =	sgt.s32 s19, $0x3FF  }
0x1f: {  	s21 =	smov.u32 @p3 s15  }
0x20: {  	s18 =	simm.s32 @p2 $0x0;
	p2 =	sgt.s32 s21, $0xF  }
0x21: {  	p1 =	slt.u32 s14, $0x2;
	s21 =	smov.u32 @p2 s2;
	p2 =	sne.s32 s14, s9  }
.Ltmp1:
0x22: {  	s20 =	simm.s32 @!p1 $0x2;
	(pc) =	sbr.rel @!p2 .LBB1_6-.Ltmp1, $4  }
0x23: {  	s16 =	smov.u32 s11;
	s17 =	smov.u32 s13;
	_ =	swait.ge @!p1 [sflag:s20], $0x4000  }
0x24: {  	p0 =	por !p0, !p0;
	[sflag:s20] =	ssyncset.done @!p1 $0x0;
	s11 =	smov.u32 s18  }
0x25: {  	s19 =	smov.u32 @p3 s3;
	s15 =	smov.u32 s12;
	[sflag:s20] =	ssyncadd.s32 @!p1 $0xFFFFC000  }
0x26: {  	s12 =	smov.u32 s19;
	s14 =	sadd.s32 $0x1, s14;
	s13 =	smov.u32 s21  }
.LBB1_1:
0x27: {  	p1 =	sge.u32 s14, s5  }
0x28: {  	s18 =	sshll.u32 @!p1 s12, $0xB;
	s19 =	sshll.u32 @!p1 s11, $0x3;
	s20 =	sshll.u32 @!p1 s12, $0x7  }
0x29: {  	s21 =	sshll.u32 @!p1 s11, $0x1;
	s24 =	sand.u32 @!p1 $0x7, s11;
	s18 =	sand.u32 @!p1 $0x1FC000, s18  }
0x2a: {  	s20 =	sand.u32 @!p1 $0x300, s20;
	s22 =	sand.u32 @!p1 $0x400, s19;
	s18 =	sadd.s32 @!p1 s18, s19  }
0x2b: {  	s19 =	sand.u32 @!p1 $0xF0, s21;
	s20 =	sor.u32 @!p1 s20, s22;
	s21 =	sxor.u32 @!p1 $0xFFFFFFFF, s14  }
0x2c: {  	s19 =	sor.u32 @!p1 s19, s20;
	s18 =	sshrl.u32 @!p1 s18, $0x4;
	s20 =	sshll.u32 @!p1 s13, $0x11  }
0x2d: {  	s21 =	sshll.u32 @!p1 s21, $0xE;
	s18 =	sand.u32 @!p1 $0x1FF80, s18;
	s19 =	sshrl.u32 @!p1 s19, $0x4  }
0x2e: {  	s21 =	sand.u32 @!p1 $0x4000, s21;
	s22 =	sor.u32 @!p1 s18, s20;
	s23 =	sadd.s32 @!p1 s6, s19  }
0x2f: {  	s20 =	sadd.s32 @!p1 s20, s8;
	s22 =	sadd.s32 @!p1 s22, s23;
	s23 =	sshll.u32 @!p1 s24, $0x12  }
0x30: {  	s24 =	simm.s32 @!p1 $0x2000;
	s18 =	sadd.s32 @!p1 s18, s20;
	s23 =	sor.u32 @!p1 $0x200, s23  }
0x31: {  	[tilespmem:s21], [sflag:$0x1] =	stream.strided.gather @!p1 [hbm4b:s22+s23], $0x2000, s24, s23, $0x38;
	[tilespmem:$0x10100] =	vst v63  }
0x32: {  	s31 =	sadd.s32 $0xFFFFFFFF, s14;
	s18 =	sadd.s32 @!p1 s19, s18;
	s19 =	sor.u32 @!p1 $0x2000, s21  }
0x33: {  	[tilespmem:s19], [sflag:$0x1] =	stream.strided.gather @!p1 [hbm4b:s18+s23], $0x2000, s24, s23, $0x38;
	[tilespmem:$0x10100] =	vst v63  }
0x34: {  	p1 =	sge.u32 s31, s5  }
.Ltmp2:
0x35: {  	_ = 	snop;
	(pc) =	sbr.rel @p1 .LBB1_5-.Ltmp2, $1  }
0x36: {  	_ =	sdelay $0x3  }
0x37: {  	s18 =	simm.s32 $0x1  }
0x38: {  	_ =	swait.ge [sflag:s4], $0x4000;
	s18 =	simm.s32 @!p0 $0x0  }
0x39: {  	[sflag:s4] =	ssyncset.done $0x0;
	s19 =	sshll.u32 s18, $0xE  }
0x3a: {  	[sflag:s4] =	ssyncadd.s32 $0xFFFFC000;
	s20 =	sor.u32 $0x2000, s19  }
0x3b: {  	v0 =	vld [tilespmem:s20+$0xFFFFE070]  }
0x3c: {  	v1 =	vld [tilespmem:s20+$0x70]  }
0x3d: {  	v2 =	vld [tilespmem:s20+$0x0]  }
0x3e: {  	v3 =	vld [tilespmem:s20+$0xFFFFE010]  }
0x3f: {  	v5 =	vld [tilespmem:s20+$0xFFFFE020]  }
0x40: {  	v4 =	vld [tilespmem:s20+$0x10]  }
0x41: {  	v6 =	vld [tilespmem:s20+$0x20]  }
0x42: {  	s18 =	smul.u32 $0x10200, s18;
	v9 =	vld [tilespmem:s20+$0xFFFFE030];
	v7 =	vunpack.i.l.s16.s32 v0;
	v8 =	vunpack.i.l.s16.s32 v1  }
0x43: {  	v10 =	vunpack.i.u.s16.s32 v0;
	v11 =	vunpack.i.u.s16.s32 v1;
	v0 =	vunpack.i.u.s16.s32 v2  }
0x44: {  	s18 =	sshrl.u32 s18, $0x2;
	v1 =	vunpack.i.l.s16.s32 v2;
	v2 =	vld [tilespmem:s20+$0x30];
	v13 =	vunpack.i.u.s16.s32 v5;
	v5 =	vunpack.i.l.s16.s32 v5  }
0x45: {  	v12 =	vld [tilespmem:s20+$0xFFFFE040];
	s18 =	sor.u32 $0x8000, s18;
	v7 =	vpack.i.b32.b16 v8, v7;
	v8 =	vpack.i.b32.b16 v11, v10;
	v10 =	vunpack.i.u.s16.s32 v3  }
0x46: {  	v14 =	vld [tilespmem:s20+$0x40];
	v3 =	vunpack.i.l.s16.s32 v3;
	v11 =	vunpack.i.u.s16.s32 v4;
	v4 =	vunpack.i.l.s16.s32 v4;
	[tilespmem:s18+$0x3870 ss:$0x81] =	vst.msk $0xffff, v7  }
0x47: {  	s31 =	sand.u32 $0x1, s14;
	v15 =	vunpack.i.l.s16.s32 v6;
	v3 =	vpack.i.b32.b16 v4, v3;
	v4 =	vld [tilespmem:s20+$0xFFFFE050];
	v7 =	vunpack.i.u.s16.s32 v9;
	[tilespmem:s18+$0x3871 ss:$0x81] =	vst.msk $0xffff, v8  }
0x48: {  	s19 =	smul.u32 $0x10200, s31;
	v8 =	vunpack.i.u.s16.s32 v6;
	[tilespmem:s18+$0x810 ss:$0x81] =	vst.msk $0xffff, v3;
	v3 =	vpack.i.b32.b16 v11, v10;
	v11 =	vunpack.i.l.s16.s32 v9;
	v6 =	vld [tilespmem:s20+$0x50]  }
0x49: {  	[tilespmem:s18+$0x811 ss:$0x81] =	vst.msk $0xffff, v3;
	v3 =	vpack.i.b32.b16 v15, v5;
	v9 =	vunpack.i.u.s16.s32 v2;
	v15 =	vunpack.i.l.s16.s32 v2;
	v2 =	vld [tilespmem:s20+$0xFFFFE060]  }
0x4a: {  	s21 =	simm.s32 $0x0;
	s19 =	sshrl.u32 s19, $0x2;
	v10 =	vunpack.i.l.s16.s32 v12;
	v13 =	vpack.i.b32.b16 v8, v13;
	v8 =	vunpack.i.u.s16.s32 v12;
	[tilespmem:s18+$0x1020 ss:$0x81] =	vst.msk $0xffff, v3;
	v3 =	vld [tilespmem:s20+$0x60]  }
0x4b: {  	s22 =	sadd.s32 $0x80, s20;
	s19 =	sor.u32 $0x8000, s19;
	v5 =	vld [tilespmem:s20+$0xFFFFE000];
	v12 =	vunpack.i.l.s16.s32 v14;
	s20 =	smov.u32 s18;
	[tilespmem:s18+$0x1021 ss:$0x81] =	vst.msk $0xffff, v13;
	v13 =	vpack.i.b32.b16 v15, v11;
	v11 =	vunpack.i.u.s16.s32 v14  }
.LBB1_3:
0x4c: {  	v14 =	vld [tilespmem:s22+$0xFFFFE070];
	[tilespmem:s18+$0x1830 ss:$0x81] =	vst.msk $0xffff, v13;
	v7 =	vpack.i.b32.b16 v9, v7;
	v9 =	vunpack.i.u.s16.s32 v4;
	v4 =	vunpack.i.l.s16.s32 v4  }
0x4d: {  	v13 =	vld [tilespmem:s22+$0x70];
	[tilespmem:s18+$0x1831 ss:$0x81] =	vst.msk $0xffff, v7;
	v7 =	vpack.i.b32.b16 v12, v10;
	v10 =	vunpack.i.u.s16.s32 v6;
	v6 =	vunpack.i.l.s16.s32 v6  }
0x4e: {  	s21 =	sadd.s32 $0x2, s21;
	v12 =	vld [tilespmem:s22+$0x0];
	[tilespmem:s18+$0x2040 ss:$0x81] =	vst.msk $0xffff, v7;
	v7 =	vpack.i.b32.b16 v11, v8;
	v8 =	vunpack.i.u.s16.s32 v2;
	v2 =	vunpack.i.l.s16.s32 v2  }
0x4f: {  	p1 =	slt.u32 s21, $0x7E;
	v4 =	vpack.i.b32.b16 v6, v4;
	v6 =	vunpack.i.u.s16.s32 v3;
	v3 =	vunpack.i.l.s16.s32 v3;
	v11 =	vld [tilespmem:s22+$0xFFFFE010];
	[tilespmem:s18+$0x2041 ss:$0x81] =	vst.msk $0xffff, v7  }
0x50: {  	v15 =	vunpack.i.u.s16.s32 v5;
	v5 =	vunpack.i.l.s16.s32 v5;
	v7 =	vld [tilespmem:s22+$0x10];
	[tilespmem:s18+$0x2850 ss:$0x81] =	vst.msk $0xffff, v4;
	v4 =	vpack.i.b32.b16 v10, v9  }
0x51: {  	v1 =	vpack.i.b32.b16 v1, v5;
	v0 =	vpack.i.b32.b16 v0, v15;
	v2 =	vpack.i.b32.b16 v3, v2;
	v9 =	vld [tilespmem:s22+$0xFFFFE020];
	[tilespmem:s18+$0x2851 ss:$0x81] =	vst.msk $0xffff, v4  }
0x52: {  	v6 =	vpack.i.b32.b16 v6, v8;
	v4 =	vunpack.i.l.s16.s32 v14;
	v3 =	vld [tilespmem:s22+$0x20];
	v5 =	vunpack.i.l.s16.s32 v13;
	[tilespmem:s18+$0x0 ss:$0x81] =	vst.msk $0xffff, v1  }
0x53: {  	v10 =	vunpack.i.u.s16.s32 v14;
	v13 =	vunpack.i.u.s16.s32 v13;
	s18 =	sadd.s32 $0x2, s18;
	v8 =	vld [tilespmem:s22+$0xFFFFE030];
	v4 =	vpack.i.b32.b16 v5, v4;
	[tilespmem:s20+$0x1 ss:$0x81] =	vst.msk $0xffff, v0  }
0x54: {  	v0 =	vunpack.i.u.s16.s32 v12;
	v1 =	vunpack.i.l.s16.s32 v12;
	v5 =	vld [tilespmem:s22+$0x30];
	[tilespmem:s18+$0x3870 ss:$0x81] =	vst.msk $0xffff, v4;
	v4 =	vpack.i.b32.b16 v13, v10  }
0x55: {  	v10 =	vunpack.i.u.s16.s32 v11;
	v11 =	vunpack.i.l.s16.s32 v11;
	v12 =	vunpack.i.u.s16.s32 v7;
	v13 =	vld [tilespmem:s22+$0xFFFFE040];
	[tilespmem:s18+$0x3871 ss:$0x81] =	vst.msk $0xffff, v4  }
0x56: {  	v4 =	vunpack.i.l.s16.s32 v7;
	v14 =	vunpack.i.u.s16.s32 v9;
	v9 =	vunpack.i.l.s16.s32 v9;
	v15 =	vld [tilespmem:s22+$0x40];
	[tilespmem:s20+$0x3060 ss:$0x81] =	vst.msk $0xffff, v2  }
.Ltmp3:
0x57: {  	v2 =	vpack.i.b32.b16 v4, v11;
	v11 =	vunpack.i.u.s16.s32 v3;
	v3 =	vunpack.i.l.s16.s32 v3;
	v4 =	vld [tilespmem:s22+$0xFFFFE050];
	[tilespmem:s20+$0x3061 ss:$0x81] =	vst.msk $0xffff, v6;
	s20 =	smov.u32 s18;
	(pc) =	sbr.rel @p1 .LBB1_3-.Ltmp3, $4  }
0x58: {  	[tilespmem:s18+$0x810 ss:$0x81] =	vst.msk $0xffff, v2;
	v2 =	vpack.i.b32.b16 v12, v10;
	v7 =	vunpack.i.u.s16.s32 v8;
	v12 =	vunpack.i.l.s16.s32 v8;
	v6 =	vld [tilespmem:s22+$0x50]  }
0x59: {  	v3 =	vpack.i.b32.b16 v3, v9;
	[tilespmem:s18+$0x811 ss:$0x81] =	vst.msk $0xffff, v2;
	v9 =	vunpack.i.u.s16.s32 v5;
	v16 =	vunpack.i.l.s16.s32 v5;
	v2 =	vld [tilespmem:s22+$0xFFFFE060]  }
0x5a: {  	v11 =	vpack.i.b32.b16 v11, v14;
	[tilespmem:s18+$0x1020 ss:$0x81] =	vst.msk $0xffff, v3;
	v8 =	vunpack.i.u.s16.s32 v13;
	v10 =	vunpack.i.l.s16.s32 v13;
	v3 =	vld [tilespmem:s22+$0x60]  }
0x5b: {  	v13 =	vpack.i.b32.b16 v16, v12;
	v5 =	vld [tilespmem:s22+$0xFFFFE000];
	[tilespmem:s18+$0x1021 ss:$0x81] =	vst.msk $0xffff, v11;
	v11 =	vunpack.i.u.s16.s32 v15;
	v12 =	vunpack.i.l.s16.s32 v15;
	s22 =	sadd.s32 $0x80, s22  }
.Ltmp4:
0x5c: {  	_ = 	snop;
	(pc) =	sbr.rel .LBB1_4-.Ltmp4, $1  }
0x5d: {  	_ =	sdelay $0x3  }
.LBB1_6:
0x5e: {  	_ =	sfence.sel $0x180000  }
0x5f: {  	s2 =	simm.s32 $0x1;
	[bflag:$0x0] =	sbarrier.arrive $0xFFFF  }
0x60: {  	s31 =	simm.s32 $0x2;
	[sflag:s2] =	ssyncpa.u1 $0x1  }
0x61: {  	[sflag:s31] =	ssyncpa.u1 $0x1  }
0x62: {  	p0 =	sne.s32 s0, $0x0;
	_ =	strace $0x9000004A  }
0x63: {  	s0 =	sadd.s32 @!p0 $0x100000, s1;
	[bflag:$0x2] =	sbarrier.arrive $0xFFFF  }
0x64: {  	[sflag:s0] =	ssyncadd.tile.s32 @!p0 $0x1;
	_ =	shalt  }
.Lfunc_end1:
_tile_overlayer_lowered:
.L_overlay_start_2:
0x65: {  	(tag) =	ssettag $0x2  }
0x66: {  	s0 =	rddreg [dreg:$0x0];
	s2 =	stileid.u32  }
0x67: {  	s1 =	rddreg [dreg:$0x1];
	p0 =	sne.s32 s2, $0x0  }
0x68: {  	s3 =	rddreg [dreg:$0x2];
	[bflag:$0x3] =	sbarrier.arrive $0xFFFF;
	s2 =	simm.s32 @!p0 $0x1C01  }
0x69: {  	[timem:s3], [sflag:s2] =	dma.local @!p0 [hbm:s0], s1  }
0x6a: {  	s0 =	simm.s32 @!p0 $0x1  }
0x6b: {  	_ =	swait.ge @!p0 [sflag:s0], s1  }
0x6c: {  	s1 =	ssub.s32 @!p0 $0x0, s1;
	[sflag:s0] =	ssyncset.done @!p0 $0x0  }
0x6d: {  	[sflag:s0] =	ssyncadd.s32 @!p0 s1  }
0x6e: {  	[bflag:$0x3] =	sbarrier.arrive $0xFFFF  }
0x6f: {  	_ =	shalt  }

</sc_bundles>
